<compile_context>
chip_gen: v7x
topology: tpu7x:2x2x1
jax: 0.10.2.dev20260603
libtpu: 0.0.44.dev20260713+nightly
codegen_flags: <defaults>
</compile_context>

<pallas_src>
import functools

import jax
import jax.numpy as jnp
from jax import lax
from jax.experimental import pallas as pl
from jax.experimental.pallas import tpu as pltpu
from jax.experimental.pallas import tpu_sc as plsc

N = 10000
E = 320000
D_IN = 128
H = 64
PH = 128

NC = 2
NS = 16
NW = NC * NS
CH = 96
NCH = 108
NBUF = 2
NSLOT = 2 * NBUF
E_PER_W = NCH * CH
E_PAD = NW * E_PER_W
N_PAD = 10240
ROWS_PER_SUB = N_PAD // NS

f32 = jnp.float32


_sc_mesh = plsc.VectorSubcoreMesh(core_axis_name="c", subcore_axis_name="s")


@functools.partial(
    pl.kernel,
    out_type=jax.ShapeDtypeStruct((NC, N_PAD, H), f32),
    mesh=_sc_mesh,
    compiler_params=pltpu.CompilerParams(use_tc_tiling_on_sc=False),
    scratch_types=[
        pltpu.VMEM((NCH, CH), jnp.int32),
        pltpu.VMEM((NCH, CH), jnp.int32),
        [pltpu.VMEM((CH, H), f32) for _ in range(NSLOT)],
        pltpu.VMEM_SHARED((N_PAD, H), f32),
        pltpu.VMEM_SHARED((N_PAD, H), f32),
        [pltpu.SemaphoreType.DMA for _ in range(NSLOT)],
        [pltpu.SemaphoreType.DMA for _ in range(NSLOT)],
    ],
)
def _sc_scatter(t_hbm, src_hbm, dst_hbm, zeros_hbm, out_hbm,
                src_v, dst_v, rows, acc, tstage, gsem, ssem):
    cid = lax.axis_index("c")
    sid = lax.axis_index("s")
    wid = cid * NS + sid

    pltpu.sync_copy(t_hbm.at[pl.ds(sid * ROWS_PER_SUB, ROWS_PER_SUB)],
                    tstage.at[pl.ds(sid * ROWS_PER_SUB, ROWS_PER_SUB)])
    pltpu.sync_copy(zeros_hbm.at[pl.ds(sid * ROWS_PER_SUB, ROWS_PER_SUB)],
                    acc.at[pl.ds(sid * ROWS_PER_SUB, ROWS_PER_SUB)])
    pltpu.sync_copy(src_hbm.at[wid], src_v)
    pltpu.sync_copy(dst_hbm.at[wid], dst_v)
    plsc.subcore_barrier()

    for b in range(NBUF):
        pltpu.async_copy(tstage.at[src_v.at[b]], rows[b], gsem[b])

    def body1(step, _):
        j0 = step * NSLOT
        for u in range(NSLOT):
            j = j0 + u
            sk = (u + NBUF) % NSLOT
            pltpu.make_async_copy(tstage.at[src_v.at[j]], rows[u],
                                  gsem[u]).wait()
            pltpu.async_copy(rows[u], acc.at[dst_v.at[j]], ssem[u], add=True)
            k = j + NBUF

            @pl.when(j >= NBUF)
            def _wait_prev_scatter():
                pltpu.make_async_copy(rows[sk], acc.at[dst_v.at[j - NBUF]],
                                      ssem[sk]).wait()

            @pl.when(k < NCH)
            def _issue_next_gather():
                pltpu.async_copy(tstage.at[src_v.at[k]], rows[sk], gsem[sk])
        return _

    lax.fori_loop(0, NCH // NSLOT, body1, 0, unroll=False)

    for i in range(NBUF):
        j = NCH - NBUF + i
        s = j % NSLOT
        pltpu.make_async_copy(rows[s], acc.at[dst_v.at[j]], ssem[s]).wait()

    plsc.subcore_barrier()
    pltpu.sync_copy(acc.at[pl.ds(sid * ROWS_PER_SUB, ROWS_PER_SUB)],
                    out_hbm.at[cid, pl.ds(sid * ROWS_PER_SUB, ROWS_PER_SUB)])



def _dense1_body(x_ref, wg_ref, wr_ref, br_ref, t_ref, r_ref):
    xv = x_ref[...]
    t_ref[N:, :] = jnp.zeros((N_PAD - N, H), f32)
    r_ref[N:, :] = jnp.zeros((N_PAD - N, H), f32)
    t_ref[:N, :] = jnp.dot(xv, wg_ref[...], preferred_element_type=f32)
    r_ref[:N, :] = jnp.maximum(
        jnp.dot(xv, wr_ref[...], preferred_element_type=f32) + br_ref[...], 0.0)


_dense1 = pl.pallas_call(
    _dense1_body,
    out_shape=[jax.ShapeDtypeStruct((N_PAD, H), f32),
               jax.ShapeDtypeStruct((N_PAD, H), f32)],
)


def _dense2_body(agg_ref, r1_ref, bg_ref, g_ref, be_ref, wg2_ref, wr2_ref,
                 br2_ref, t2_ref, r2_ref):
    agg = agg_ref[0] + agg_ref[1]
    h1 = (g_ref[...] * (jnp.maximum(agg + bg_ref[...], 0.0) + r1_ref[...])
          + be_ref[...])
    t2_ref[...] = jnp.dot(h1, wg2_ref[...], preferred_element_type=f32)
    r2_ref[...] = jnp.maximum(
        jnp.dot(h1, wr2_ref[...], preferred_element_type=f32) + br2_ref[...],
        0.0)


_dense2 = pl.pallas_call(
    _dense2_body,
    out_shape=[jax.ShapeDtypeStruct((N_PAD, H), f32),
               jax.ShapeDtypeStruct((N_PAD, H), f32)],
)


def _head_body(agg_ref, r2_ref, bg_ref, g_ref, be_ref, waw_ref, baw_ref,
               wp1_ref, bp1_ref, gp_ref, bep_ref, wp2_ref, bp2_ref,
               pred_ref, gf_ref):
    agg = agg_ref[0, :N] + agg_ref[1, :N]
    h2 = (g_ref[...] * (jnp.maximum(agg + bg_ref[...], 0.0) + r2_ref[:N])
          + be_ref[...])
    logits = jnp.dot(h2, waw_ref[...], preferred_element_type=f32)
    w = jax.nn.sigmoid(logits[:, :1] + baw_ref[...])
    h_sum = jnp.sum(h2 * w, axis=0, keepdims=True)
    h_max = jnp.max(h2, axis=0, keepdims=True)
    gf = jnp.concatenate([h_sum, h_max], axis=1)
    z = bp1_ref[...]
    for k in range(2 * H):
        z = z + gf[0, k] * wp1_ref[k:k + 1, :]
    z = jnp.maximum(z, 0.0)
    z = gp_ref[...] * z + bep_ref[...]
    pred = jnp.sum(z * wp2_ref[...], axis=1, keepdims=True) + bp2_ref[...]
    pred_ref[...] = jnp.broadcast_to(pred, (1, PH))
    gf_ref[...] = gf


_head = pl.pallas_call(
    _head_body,
    out_shape=[jax.ShapeDtypeStruct((1, PH), f32),
               jax.ShapeDtypeStruct((1, 2 * H), f32)],
)



def kernel(x, edge_index, W_gc1, b_gc1, W_res1, b_res1, gamma1, beta1,
           W_gc2, b_gc2, W_res2, b_res2, gamma2, beta2, W_aw, b_aw,
           W_p1, b_p1, gamma_p, beta_p, W_p2, b_p2):
    src = edge_index[0]
    dst = edge_index[1]
    pad = E_PAD - E
    src_p = jnp.concatenate(
        [src, jnp.full((pad,), N, jnp.int32)]).reshape(NW, NCH, CH)
    dst_p = jnp.concatenate(
        [dst, jnp.full((pad,), N, jnp.int32)]).reshape(NW, NCH, CH)
    zeros = jnp.zeros((N_PAD, H), f32)

    r = lambda v: v.reshape(1, -1)

    t1, r1 = _dense1(x, W_gc1, W_res1, r(b_res1))
    agg1 = _sc_scatter(t1, src_p, dst_p, zeros)
    t2, r2 = _dense2(agg1, r1, r(b_gc1), r(gamma1), r(beta1),
                     W_gc2, W_res2, r(b_res2))
    agg2 = _sc_scatter(t2, src_p, dst_p, zeros)
    waw_pad = jnp.pad(W_aw, ((0, 0), (0, 127)))
    pred_buf, gf = _head(agg2, r2, r(b_gc2), r(gamma2), r(beta2),
                         waw_pad, r(b_aw), W_p1, r(b_p1), r(gamma_p),
                         r(beta_p), r(W_p2), r(b_p2))
    return (pred_buf[:, :1], gf)

# --- scband reference (transcript-rebuilt; emitter-appended) ---
"""Pipeline reference for scband-gcnpredictor-24283745091795 (READ-ONLY COPY).

The authoritative reference and input builder live on the scoring server;
editing this copy changes nothing except your own understanding.
"""

import jax, jax.numpy as jnp
import numpy as np

N = 10000
E = 320000
D_IN = 128
H = 64
PH = 128

def _dense_init(key, fan_in, fan_out):
    return jax.random.normal(key, (fan_in, fan_out), dtype=jnp.float32) / np.sqrt(fan_in)

def setup_inputs(seed: int = 0):
    key = jax.random.key(seed)
    ks = jax.random.split(key, 12)
    inp = {}
    inp['x'] = jax.random.normal(ks[0], (N, D_IN), dtype=jnp.float32)
    inp['edge_index'] = jax.random.randint(ks[1], (2, E), 0, N, dtype=jnp.int32)
    # GCN layer 1 (dgllife GCNLayer: GraphConv(norm='none') + residual linear + batchnorm)
    inp['W_gc1'] = _dense_init(ks[2], D_IN, H)
    inp['b_gc1'] = jnp.zeros((H,), jnp.float32)
    inp['W_res1'] = _dense_init(ks[3], D_IN, H)
    inp['b_res1'] = jnp.zeros((H,), jnp.float32)
    inp['gamma1'] = jnp.ones((H,), jnp.float32)
    inp['beta1'] = jnp.zeros((H,), jnp.float32)
    # GCN layer 2
    inp['W_gc2'] = _dense_init(ks[4], H, H)
    inp['b_gc2'] = jnp.zeros((H,), jnp.float32)
    inp['W_res2'] = _dense_init(ks[5], H, H)
    inp['b_res2'] = jnp.zeros((H,), jnp.float32)
    inp['gamma2'] = jnp.ones((H,), jnp.float32)
    inp['beta2'] = jnp.zeros((H,), jnp.float32)
    # WeightedSumAndMax readout: atom weighting linear
    inp['W_aw'] = _dense_init(ks[6], H, 1)
    inp['b_aw'] = jnp.zeros((1,), jnp.float32)
    # MLPPredictor: Linear(2H, PH) -> ReLU -> BN -> Linear(PH, 1)
    inp['W_p1'] = _dense_init(ks[7], 2 * H, PH)
    inp['b_p1'] = jnp.zeros((PH,), jnp.float32)
    inp['gamma_p'] = jnp.ones((PH,), jnp.float32)
    inp['beta_p'] = jnp.zeros((PH,), jnp.float32)
    inp['W_p2'] = _dense_init(ks[8], PH, 1)
    inp['b_p2'] = jnp.zeros((1,), jnp.float32)
    return inp

def _gcn_layer(h, src, dst, Wg, bg, Wr, br, gamma, beta):
    # GraphConv norm='none': aggregate sum of transformed src feats at dst
    m = (h @ Wg)[src]
    agg = jnp.zeros((h.shape[0], Wg.shape[1]), jnp.float32).at[dst].add(m)
    new = jax.nn.relu(agg + bg)
    # residual branch: activation(Linear(h))
    new = new + jax.nn.relu(h @ Wr + br)
    # batchnorm in eval mode (running_mean=0, running_var=1): affine only
    return gamma * new + beta

def reference(x, edge_index, W_gc1, b_gc1, W_res1, b_res1, gamma1, beta1, W_gc2, b_gc2, W_res2, b_res2, gamma2, beta2, W_aw, b_aw, W_p1, b_p1, gamma_p, beta_p, W_p2, b_p2):
    src = edge_index[0]
    dst = edge_index[1]
    h = _gcn_layer(x, src, dst, W_gc1, b_gc1, W_res1, b_res1, gamma1, beta1)
    h = _gcn_layer(h, src, dst, W_gc2, b_gc2, W_res2, b_res2, gamma2, beta2)
    # WeightedSumAndMax readout over the (single) graph
    w = jax.nn.sigmoid(h @ W_aw + b_aw)
    h_sum = jnp.sum(h * w, axis=0, keepdims=True)
    h_max = jnp.max(h, axis=0, keepdims=True)
    graph_feats = jnp.concatenate([h_sum, h_max], axis=1)
    # MLPPredictor (dropout=0, BN eval mode)
    z = jax.nn.relu(graph_feats @ W_p1 + b_p1)
    z = gamma_p * z + beta_p
    pred = z @ W_p2 + b_p2
    return (pred, graph_feats)

if __name__ == "__main__":
    import jax
    _d = setup_inputs()
    print(jax.jit(kernel)(*tuple(_d.values())))

</pallas_src>

<mosaic_0001>
#map = affine_map<(d0, d1) -> (0, 0)>
#map1 = affine_map<(d0, d1) -> (0, 0, 0)>
module attributes {stable_mosaic.version = 14 : i64} {
  func.func @_sc_scatter(%arg0: i32, %arg1: i32, %arg2: memref<10240x64xf32, #tpu.memory_space<hbm>>, %arg3: memref<32x108x96xi32, #tpu.memory_space<hbm>>, %arg4: memref<32x108x96xi32, #tpu.memory_space<hbm>>, %arg5: memref<10240x64xf32, #tpu.memory_space<hbm>>, %arg6: memref<2x10240x64xf32, #tpu.memory_space<hbm>>, %arg7: memref<108x96xi32, #tpu.memory_space<vmem>>, %arg8: memref<108x96xi32, #tpu.memory_space<vmem>>, %arg9: memref<96x64xf32, #tpu.memory_space<vmem>>, %arg10: memref<96x64xf32, #tpu.memory_space<vmem>>, %arg11: memref<96x64xf32, #tpu.memory_space<vmem>>, %arg12: memref<96x64xf32, #tpu.memory_space<vmem>>, %arg13: memref<10240x64xf32, #tpu.memory_space<vmem_shared>>, %arg14: memref<10240x64xf32, #tpu.memory_space<vmem_shared>>, %arg15: memref<!tpu.dma_semaphore, #tpu.memory_space<semaphore_mem>>, %arg16: memref<!tpu.dma_semaphore, #tpu.memory_space<semaphore_mem>>, %arg17: memref<!tpu.dma_semaphore, #tpu.memory_space<semaphore_mem>>, %arg18: memref<!tpu.dma_semaphore, #tpu.memory_space<semaphore_mem>>, %arg19: memref<!tpu.dma_semaphore, #tpu.memory_space<semaphore_mem>>, %arg20: memref<!tpu.dma_semaphore, #tpu.memory_space<semaphore_mem>>, %arg21: memref<!tpu.dma_semaphore, #tpu.memory_space<semaphore_mem>>, %arg22: memref<!tpu.dma_semaphore, #tpu.memory_space<semaphore_mem>>) attributes {dimension_semantics = [#tpu.dimension_semantics<core_parallel>, #tpu.dimension_semantics<subcore_parallel>], iteration_bounds = array<i64: 2, 16>, scalar_prefetch = 0 : i64, scratch_operands = 16 : i64, tpu.core_type = #tpu.core_type<sc_vector_subcore>, window_params = [{transform_indices = #map}, {transform_indices = #map1}, {transform_indices = #map1}, {transform_indices = #map}, {transform_indices = #map1}]} {
    %mul3A = arith.constant 16 : i32
    %mul3A_0 = arith.muli %arg0, %mul3A : i32
    %add3A = arith.addi %mul3A_0, %arg1 : i32
    %mul3A_1 = arith.constant 640 : i32
    %mul3A_2 = arith.muli %arg1, %mul3A_1 : i32
    %mul3A_3 = arith.constant 640 : i32
    %mul3A_4 = arith.muli %arg1, %mul3A_3 : i32
    "tpu.region"() ({
      %run_scoped3A = tpu.sem_alloc : memref<!tpu.dma_semaphore, #tpu.memory_space<semaphore_mem>>
      %dma_start3A_45 = arith.constant 0 : i32
      %dma_start3A_46 = tpu.memref_slice %arg14[%mul3A_4, %dma_start3A_45] : memref<10240x64xf32, #tpu.memory_space<vmem_shared>> -> memref<640x64xf32, #tpu.memory_space<vmem_shared>>
      %dma_start3A_47 = arith.constant 0 : i32
      %dma_start3A_48 = tpu.memref_slice %arg2[%mul3A_2, %dma_start3A_47] : memref<10240x64xf32, #tpu.memory_space<hbm>> -> memref<640x64xf32, #tpu.memory_space<hbm>>
      tpu.enqueue_dma source(%dma_start3A_48 : memref<640x64xf32, #tpu.memory_space<hbm>>) target(%dma_start3A_46 : memref<640x64xf32, #tpu.memory_space<vmem_shared>>) target_semaphore(%run_scoped3A : memref<!tpu.dma_semaphore, #tpu.memory_space<semaphore_mem>>)
      %dma_wait3A_49 = arith.constant 0 : i32
      %dma_wait3A_50 = tpu.memref_slice %arg14[%mul3A_4, %dma_wait3A_49] : memref<10240x64xf32, #tpu.memory_space<vmem_shared>> -> memref<640x64xf32, #tpu.memory_space<vmem_shared>>
      %dma_wait3A_51 = arith.constant 0 : i32
      %dma_wait3A_52 = tpu.memref_slice %arg2[%mul3A_2, %dma_wait3A_51] : memref<10240x64xf32, #tpu.memory_space<hbm>> -> memref<640x64xf32, #tpu.memory_space<hbm>>
      tpu.wait_dma2 semaphore(%run_scoped3A : memref<!tpu.dma_semaphore, #tpu.memory_space<semaphore_mem>>) src(%dma_wait3A_52 : memref<640x64xf32, #tpu.memory_space<hbm>>) dst(%dma_wait3A_50 : memref<640x64xf32, #tpu.memory_space<vmem_shared>>)
      tpu.yield
    }) : () -> ()
    %mul3A_5 = arith.constant 640 : i32
    %mul3A_6 = arith.muli %arg1, %mul3A_5 : i32
    %mul3A_7 = arith.constant 640 : i32
    %mul3A_8 = arith.muli %arg1, %mul3A_7 : i32
    "tpu.region"() ({
      %run_scoped3A = tpu.sem_alloc : memref<!tpu.dma_semaphore, #tpu.memory_space<semaphore_mem>>
      %dma_start3A_45 = arith.constant 0 : i32
      %dma_start3A_46 = tpu.memref_slice %arg13[%mul3A_8, %dma_start3A_45] : memref<10240x64xf32, #tpu.memory_space<vmem_shared>> -> memref<640x64xf32, #tpu.memory_space<vmem_shared>>
      %dma_start3A_47 = arith.constant 0 : i32
      %dma_start3A_48 = tpu.memref_slice %arg5[%mul3A_6, %dma_start3A_47] : memref<10240x64xf32, #tpu.memory_space<hbm>> -> memref<640x64xf32, #tpu.memory_space<hbm>>
      tpu.enqueue_dma source(%dma_start3A_48 : memref<640x64xf32, #tpu.memory_space<hbm>>) target(%dma_start3A_46 : memref<640x64xf32, #tpu.memory_space<vmem_shared>>) target_semaphore(%run_scoped3A : memref<!tpu.dma_semaphore, #tpu.memory_space<semaphore_mem>>)
      %dma_wait3A_49 = arith.constant 0 : i32
      %dma_wait3A_50 = tpu.memref_slice %arg13[%mul3A_8, %dma_wait3A_49] : memref<10240x64xf32, #tpu.memory_space<vmem_shared>> -> memref<640x64xf32, #tpu.memory_space<vmem_shared>>
      %dma_wait3A_51 = arith.constant 0 : i32
      %dma_wait3A_52 = tpu.memref_slice %arg5[%mul3A_6, %dma_wait3A_51] : memref<10240x64xf32, #tpu.memory_space<hbm>> -> memref<640x64xf32, #tpu.memory_space<hbm>>
      tpu.wait_dma2 semaphore(%run_scoped3A : memref<!tpu.dma_semaphore, #tpu.memory_space<semaphore_mem>>) src(%dma_wait3A_52 : memref<640x64xf32, #tpu.memory_space<hbm>>) dst(%dma_wait3A_50 : memref<640x64xf32, #tpu.memory_space<vmem_shared>>)
      tpu.yield
    }) : () -> ()
    "tpu.region"() ({
      %run_scoped3A = tpu.sem_alloc : memref<!tpu.dma_semaphore, #tpu.memory_space<semaphore_mem>>
      %dma_start3A_45 = arith.constant 0 : i32
      %dma_start3A_46 = arith.constant 0 : i32
      %dma_start3A_47 = tpu.memref_slice %arg3[%add3A, %dma_start3A_45, %dma_start3A_46] : memref<32x108x96xi32, #tpu.memory_space<hbm>> -> memref<1x108x96xi32, #tpu.memory_space<hbm>>
      %dma_start3A_48 = tpu.memref_squeeze %dma_start3A_47 : memref<1x108x96xi32, #tpu.memory_space<hbm>> -> memref<108x96xi32, #tpu.memory_space<hbm>>
      %dma_start3A_49 = arith.constant 0 : i32
      %dma_start3A_50 = arith.constant 0 : i32
      %dma_start3A_51 = tpu.memref_slice %arg3[%add3A, %dma_start3A_49, %dma_start3A_50] : memref<32x108x96xi32, #tpu.memory_space<hbm>> -> memref<1x108x96xi32, #tpu.memory_space<hbm>>
      %dma_start3A_52 = tpu.memref_squeeze %dma_start3A_51 : memref<1x108x96xi32, #tpu.memory_space<hbm>> -> memref<108x96xi32, #tpu.memory_space<hbm>>
      tpu.enqueue_dma source(%dma_start3A_52 : memref<108x96xi32, #tpu.memory_space<hbm>>) target(%arg7 : memref<108x96xi32, #tpu.memory_space<vmem>>) target_semaphore(%run_scoped3A : memref<!tpu.dma_semaphore, #tpu.memory_space<semaphore_mem>>)
      %dma_wait3A_53 = arith.constant 0 : i32
      %dma_wait3A_54 = arith.constant 0 : i32
      %dma_wait3A_55 = tpu.memref_slice %arg3[%add3A, %dma_wait3A_53, %dma_wait3A_54] : memref<32x108x96xi32, #tpu.memory_space<hbm>> -> memref<1x108x96xi32, #tpu.memory_space<hbm>>
      %dma_wait3A_56 = tpu.memref_squeeze %dma_wait3A_55 : memref<1x108x96xi32, #tpu.memory_space<hbm>> -> memref<108x96xi32, #tpu.memory_space<hbm>>
      %dma_wait3A_57 = arith.constant 0 : i32
      %dma_wait3A_58 = arith.constant 0 : i32
      %dma_wait3A_59 = tpu.memref_slice %arg3[%add3A, %dma_wait3A_57, %dma_wait3A_58] : memref<32x108x96xi32, #tpu.memory_space<hbm>> -> memref<1x108x96xi32, #tpu.memory_space<hbm>>
      %dma_wait3A_60 = tpu.memref_squeeze %dma_wait3A_59 : memref<1x108x96xi32, #tpu.memory_space<hbm>> -> memref<108x96xi32, #tpu.memory_space<hbm>>
      tpu.wait_dma2 semaphore(%run_scoped3A : memref<!tpu.dma_semaphore, #tpu.memory_space<semaphore_mem>>) src(%dma_wait3A_60 : memref<108x96xi32, #tpu.memory_space<hbm>>) dst(%arg7 : memref<108x96xi32, #tpu.memory_space<vmem>>)
      tpu.yield
    }) : () -> ()
    "tpu.region"() ({
      %run_scoped3A = tpu.sem_alloc : memref<!tpu.dma_semaphore, #tpu.memory_space<semaphore_mem>>
      %dma_start3A_45 = arith.constant 0 : i32
      %dma_start3A_46 = arith.constant 0 : i32
      %dma_start3A_47 = tpu.memref_slice %arg4[%add3A, %dma_start3A_45, %dma_start3A_46] : memref<32x108x96xi32, #tpu.memory_space<hbm>> -> memref<1x108x96xi32, #tpu.memory_space<hbm>>
      %dma_start3A_48 = tpu.memref_squeeze %dma_start3A_47 : memref<1x108x96xi32, #tpu.memory_space<hbm>> -> memref<108x96xi32, #tpu.memory_space<hbm>>
      %dma_start3A_49 = arith.constant 0 : i32
      %dma_start3A_50 = arith.constant 0 : i32
      %dma_start3A_51 = tpu.memref_slice %arg4[%add3A, %dma_start3A_49, %dma_start3A_50] : memref<32x108x96xi32, #tpu.memory_space<hbm>> -> memref<1x108x96xi32, #tpu.memory_space<hbm>>
      %dma_start3A_52 = tpu.memref_squeeze %dma_start3A_51 : memref<1x108x96xi32, #tpu.memory_space<hbm>> -> memref<108x96xi32, #tpu.memory_space<hbm>>
      tpu.enqueue_dma source(%dma_start3A_52 : memref<108x96xi32, #tpu.memory_space<hbm>>) target(%arg8 : memref<108x96xi32, #tpu.memory_space<vmem>>) target_semaphore(%run_scoped3A : memref<!tpu.dma_semaphore, #tpu.memory_space<semaphore_mem>>)
      %dma_wait3A_53 = arith.constant 0 : i32
      %dma_wait3A_54 = arith.constant 0 : i32
      %dma_wait3A_55 = tpu.memref_slice %arg4[%add3A, %dma_wait3A_53, %dma_wait3A_54] : memref<32x108x96xi32, #tpu.memory_space<hbm>> -> memref<1x108x96xi32, #tpu.memory_space<hbm>>
      %dma_wait3A_56 = tpu.memref_squeeze %dma_wait3A_55 : memref<1x108x96xi32, #tpu.memory_space<hbm>> -> memref<108x96xi32, #tpu.memory_space<hbm>>
      %dma_wait3A_57 = arith.constant 0 : i32
      %dma_wait3A_58 = arith.constant 0 : i32
      %dma_wait3A_59 = tpu.memref_slice %arg4[%add3A, %dma_wait3A_57, %dma_wait3A_58] : memref<32x108x96xi32, #tpu.memory_space<hbm>> -> memref<1x108x96xi32, #tpu.memory_space<hbm>>
      %dma_wait3A_60 = tpu.memref_squeeze %dma_wait3A_59 : memref<1x108x96xi32, #tpu.memory_space<hbm>> -> memref<108x96xi32, #tpu.memory_space<hbm>>
      tpu.wait_dma2 semaphore(%run_scoped3A : memref<!tpu.dma_semaphore, #tpu.memory_space<semaphore_mem>>) src(%dma_wait3A_60 : memref<108x96xi32, #tpu.memory_space<hbm>>) dst(%arg8 : memref<108x96xi32, #tpu.memory_space<vmem>>)
      tpu.yield
    }) : () -> ()
    %barrier3A = arith.constant 0 : index
    tpu.barrier barrier_id(%barrier3A)
    %dma_start3A = arith.constant 0 : i32
    %dma_start3A_9 = arith.constant 0 : i32
    %dma_start3A_10 = tpu.memref_slice %arg7[%dma_start3A, %dma_start3A_9] : memref<108x96xi32, #tpu.memory_space<vmem>> -> memref<1x96xi32, #tpu.memory_space<vmem>>
    %dma_start3A_11 = tpu.memref_squeeze %dma_start3A_10 : memref<1x96xi32, #tpu.memory_space<vmem>> -> memref<96xi32, #tpu.memory_space<vmem>>
    %dma_start3A_12 = arith.constant 0 : i32
    %dma_start3A_13 = arith.constant 0 : i32
    %dma_start3A_14 = tpu.memref_slice %arg14[%dma_start3A_12, %dma_start3A_13] : memref<10240x64xf32, #tpu.memory_space<vmem_shared>> -> memref<10240x64xf32, #tpu.memory_space<vmem_shared>>
    tpu.enqueue_indirect_dma source(%dma_start3A_14 : memref<10240x64xf32, #tpu.memory_space<vmem_shared>>) target(%arg9 : memref<96x64xf32, #tpu.memory_space<vmem>>) offsets(%dma_start3A_11 : memref<96xi32, #tpu.memory_space<vmem>>) semaphore(%arg15 : memref<!tpu.dma_semaphore, #tpu.memory_space<semaphore_mem>>)
    %dma_start3A_15 = arith.constant 1 : i32
    %dma_start3A_16 = arith.constant 0 : i32
    %dma_start3A_17 = tpu.memref_slice %arg7[%dma_start3A_15, %dma_start3A_16] : memref<108x96xi32, #tpu.memory_space<vmem>> -> memref<1x96xi32, #tpu.memory_space<vmem>>
    %dma_start3A_18 = tpu.memref_squeeze %dma_start3A_17 : memref<1x96xi32, #tpu.memory_space<vmem>> -> memref<96xi32, #tpu.memory_space<vmem>>
    %dma_start3A_19 = arith.constant 0 : i32
    %dma_start3A_20 = arith.constant 0 : i32
    %dma_start3A_21 = tpu.memref_slice %arg14[%dma_start3A_19, %dma_start3A_20] : memref<10240x64xf32, #tpu.memory_space<vmem_shared>> -> memref<10240x64xf32, #tpu.memory_space<vmem_shared>>
    tpu.enqueue_indirect_dma source(%dma_start3A_21 : memref<10240x64xf32, #tpu.memory_space<vmem_shared>>) target(%arg10 : memref<96x64xf32, #tpu.memory_space<vmem>>) offsets(%dma_start3A_18 : memref<96xi32, #tpu.memory_space<vmem>>) semaphore(%arg16 : memref<!tpu.dma_semaphore, #tpu.memory_space<semaphore_mem>>)
    %scan3A = arith.constant 0 : i32
    %scan3A_22 = arith.constant 0 : i32
    %scan3A_23 = arith.constant 27 : i32
    %scan3A_24 = arith.addi %scan3A_22, %scan3A_23 : i32
    %scan3A_25 = arith.constant 1 : i32
    scf.for %scan3A_45 = %scan3A_22 to %scan3A_24 step %scan3A_25  : i32 {
      %mul3A_46 = arith.constant 4 : i32
      %mul3A_47 = arith.muli %scan3A_45, %mul3A_46 : i32
      %add3A_48 = arith.constant 0 : i32
      %add3A_49 = arith.addi %mul3A_47, %add3A_48 : i32
      %dma_wait3A_50 = arith.constant 0 : i32
      %dma_wait3A_51 = tpu.memref_slice %arg7[%add3A_49, %dma_wait3A_50] : memref<108x96xi32, #tpu.memory_space<vmem>> -> memref<1x96xi32, #tpu.memory_space<vmem>>
      %dma_wait3A_52 = tpu.memref_squeeze %dma_wait3A_51 : memref<1x96xi32, #tpu.memory_space<vmem>> -> memref<96xi32, #tpu.memory_space<vmem>>
      %dma_wait3A_53 = arith.constant 0 : i32
      %dma_wait3A_54 = arith.constant 0 : i32
      %dma_wait3A_55 = tpu.memref_slice %arg14[%dma_wait3A_53, %dma_wait3A_54] : memref<10240x64xf32, #tpu.memory_space<vmem_shared>> -> memref<10240x64xf32, #tpu.memory_space<vmem_shared>>
      tpu.wait_indirect_dma semaphore(%arg15 : memref<!tpu.dma_semaphore, #tpu.memory_space<semaphore_mem>>) src(%dma_wait3A_55 : memref<10240x64xf32, #tpu.memory_space<vmem_shared>>) dst(%arg9 : memref<96x64xf32, #tpu.memory_space<vmem>>)
      %dma_start3A_56 = arith.constant 0 : i32
      %dma_start3A_57 = tpu.memref_slice %arg8[%add3A_49, %dma_start3A_56] : memref<108x96xi32, #tpu.memory_space<vmem>> -> memref<1x96xi32, #tpu.memory_space<vmem>>
      %dma_start3A_58 = tpu.memref_squeeze %dma_start3A_57 : memref<1x96xi32, #tpu.memory_space<vmem>> -> memref<96xi32, #tpu.memory_space<vmem>>
      %dma_start3A_59 = arith.constant 0 : i32
      %dma_start3A_60 = arith.constant 0 : i32
      %dma_start3A_61 = tpu.memref_slice %arg13[%dma_start3A_59, %dma_start3A_60] : memref<10240x64xf32, #tpu.memory_space<vmem_shared>> -> memref<10240x64xf32, #tpu.memory_space<vmem_shared>>
      tpu.enqueue_indirect_dma source(%arg9 : memref<96x64xf32, #tpu.memory_space<vmem>>) target(%dma_start3A_61 : memref<10240x64xf32, #tpu.memory_space<vmem_shared>>) offsets(%dma_start3A_58 : memref<96xi32, #tpu.memory_space<vmem>>) semaphore(%arg19 : memref<!tpu.dma_semaphore, #tpu.memory_space<semaphore_mem>>) {add = true}
      %add3A_62 = arith.constant 2 : i32
      %add3A_63 = arith.addi %add3A_49, %add3A_62 : i32
      %ge3A = arith.constant 2 : i32
      %ge3A_64 = arith.cmpi sge, %add3A_49, %ge3A : i32
      %convert_element_type3A = arith.extui %ge3A_64 : i1 to i32
      %cond3A = arith.constant 0 : i32
      %cond3A_65 = arith.cmpi ne, %convert_element_type3A, %cond3A : i32
      scf.if %cond3A_65 {
        %sub3A = arith.constant 2 : i32
        %sub3A_148 = arith.subi %add3A_49, %sub3A : i32
        %dma_wait3A_149 = arith.constant 0 : i32
        %dma_wait3A_150 = tpu.memref_slice %arg8[%sub3A_148, %dma_wait3A_149] : memref<108x96xi32, #tpu.memory_space<vmem>> -> memref<1x96xi32, #tpu.memory_space<vmem>>
        %dma_wait3A_151 = tpu.memref_squeeze %dma_wait3A_150 : memref<1x96xi32, #tpu.memory_space<vmem>> -> memref<96xi32, #tpu.memory_space<vmem>>
        %dma_wait3A_152 = arith.constant 0 : i32
        %dma_wait3A_153 = arith.constant 0 : i32
        %dma_wait3A_154 = tpu.memref_slice %arg13[%dma_wait3A_152, %dma_wait3A_153] : memref<10240x64xf32, #tpu.memory_space<vmem_shared>> -> memref<10240x64xf32, #tpu.memory_space<vmem_shared>>
        tpu.wait_indirect_dma semaphore(%arg21 : memref<!tpu.dma_semaphore, #tpu.memory_space<semaphore_mem>>) src(%arg11 : memref<96x64xf32, #tpu.memory_space<vmem>>) dst(%dma_wait3A_154 : memref<10240x64xf32, #tpu.memory_space<vmem_shared>>)
      } else {
      }
      %lt3A = arith.constant 108 : i32
      %lt3A_66 = arith.cmpi slt, %add3A_63, %lt3A : i32
      %convert_element_type3A_67 = arith.extui %lt3A_66 : i1 to i32
      %cond3A_68 = arith.constant 0 : i32
      %cond3A_69 = arith.cmpi ne, %convert_element_type3A_67, %cond3A_68 : i32
      scf.if %cond3A_69 {
        %dma_start3A_148 = arith.constant 0 : i32
        %dma_start3A_149 = tpu.memref_slice %arg7[%add3A_63, %dma_start3A_148] : memref<108x96xi32, #tpu.memory_space<vmem>> -> memref<1x96xi32, #tpu.memory_space<vmem>>
        %dma_start3A_150 = tpu.memref_squeeze %dma_start3A_149 : memref<1x96xi32, #tpu.memory_space<vmem>> -> memref<96xi32, #tpu.memory_space<vmem>>
        %dma_start3A_151 = arith.constant 0 : i32
        %dma_start3A_152 = arith.constant 0 : i32
        %dma_start3A_153 = tpu.memref_slice %arg14[%dma_start3A_151, %dma_start3A_152] : memref<10240x64xf32, #tpu.memory_space<vmem_shared>> -> memref<10240x64xf32, #tpu.memory_space<vmem_shared>>
        tpu.enqueue_indirect_dma source(%dma_start3A_153 : memref<10240x64xf32, #tpu.memory_space<vmem_shared>>) target(%arg11 : memref<96x64xf32, #tpu.memory_space<vmem>>) offsets(%dma_start3A_150 : memref<96xi32, #tpu.memory_space<vmem>>) semaphore(%arg17 : memref<!tpu.dma_semaphore, #tpu.memory_space<semaphore_mem>>)
      } else {
      }
      %add3A_70 = arith.constant 1 : i32
      %add3A_71 = arith.addi %mul3A_47, %add3A_70 : i32
      %dma_wait3A_72 = arith.constant 0 : i32
      %dma_wait3A_73 = tpu.memref_slice %arg7[%add3A_71, %dma_wait3A_72] : memref<108x96xi32, #tpu.memory_space<vmem>> -> memref<1x96xi32, #tpu.memory_space<vmem>>
      %dma_wait3A_74 = tpu.memref_squeeze %dma_wait3A_73 : memref<1x96xi32, #tpu.memory_space<vmem>> -> memref<96xi32, #tpu.memory_space<vmem>>
      %dma_wait3A_75 = arith.constant 0 : i32
      %dma_wait3A_76 = arith.constant 0 : i32
      %dma_wait3A_77 = tpu.memref_slice %arg14[%dma_wait3A_75, %dma_wait3A_76] : memref<10240x64xf32, #tpu.memory_space<vmem_shared>> -> memref<10240x64xf32, #tpu.memory_space<vmem_shared>>
      tpu.wait_indirect_dma semaphore(%arg16 : memref<!tpu.dma_semaphore, #tpu.memory_space<semaphore_mem>>) src(%dma_wait3A_77 : memref<10240x64xf32, #tpu.memory_space<vmem_shared>>) dst(%arg10 : memref<96x64xf32, #tpu.memory_space<vmem>>)
      %dma_start3A_78 = arith.constant 0 : i32
      %dma_start3A_79 = tpu.memref_slice %arg8[%add3A_71, %dma_start3A_78] : memref<108x96xi32, #tpu.memory_space<vmem>> -> memref<1x96xi32, #tpu.memory_space<vmem>>
      %dma_start3A_80 = tpu.memref_squeeze %dma_start3A_79 : memref<1x96xi32, #tpu.memory_space<vmem>> -> memref<96xi32, #tpu.memory_space<vmem>>
      %dma_start3A_81 = arith.constant 0 : i32
      %dma_start3A_82 = arith.constant 0 : i32
      %dma_start3A_83 = tpu.memref_slice %arg13[%dma_start3A_81, %dma_start3A_82] : memref<10240x64xf32, #tpu.memory_space<vmem_shared>> -> memref<10240x64xf32, #tpu.memory_space<vmem_shared>>
      tpu.enqueue_indirect_dma source(%arg10 : memref<96x64xf32, #tpu.memory_space<vmem>>) target(%dma_start3A_83 : memref<10240x64xf32, #tpu.memory_space<vmem_shared>>) offsets(%dma_start3A_80 : memref<96xi32, #tpu.memory_space<vmem>>) semaphore(%arg20 : memref<!tpu.dma_semaphore, #tpu.memory_space<semaphore_mem>>) {add = true}
      %add3A_84 = arith.constant 2 : i32
      %add3A_85 = arith.addi %add3A_71, %add3A_84 : i32
      %ge3A_86 = arith.constant 2 : i32
      %ge3A_87 = arith.cmpi sge, %add3A_71, %ge3A_86 : i32
      %convert_element_type3A_88 = arith.extui %ge3A_87 : i1 to i32
      %cond3A_89 = arith.constant 0 : i32
      %cond3A_90 = arith.cmpi ne, %convert_element_type3A_88, %cond3A_89 : i32
      scf.if %cond3A_90 {
        %sub3A = arith.constant 2 : i32
        %sub3A_148 = arith.subi %add3A_71, %sub3A : i32
        %dma_wait3A_149 = arith.constant 0 : i32
        %dma_wait3A_150 = tpu.memref_slice %arg8[%sub3A_148, %dma_wait3A_149] : memref<108x96xi32, #tpu.memory_space<vmem>> -> memref<1x96xi32, #tpu.memory_space<vmem>>
        %dma_wait3A_151 = tpu.memref_squeeze %dma_wait3A_150 : memref<1x96xi32, #tpu.memory_space<vmem>> -> memref<96xi32, #tpu.memory_space<vmem>>
        %dma_wait3A_152 = arith.constant 0 : i32
        %dma_wait3A_153 = arith.constant 0 : i32
        %dma_wait3A_154 = tpu.memref_slice %arg13[%dma_wait3A_152, %dma_wait3A_153] : memref<10240x64xf32, #tpu.memory_space<vmem_shared>> -> memref<10240x64xf32, #tpu.memory_space<vmem_shared>>
        tpu.wait_indirect_dma semaphore(%arg22 : memref<!tpu.dma_semaphore, #tpu.memory_space<semaphore_mem>>) src(%arg12 : memref<96x64xf32, #tpu.memory_space<vmem>>) dst(%dma_wait3A_154 : memref<10240x64xf32, #tpu.memory_space<vmem_shared>>)
      } else {
      }
      %lt3A_91 = arith.constant 108 : i32
      %lt3A_92 = arith.cmpi slt, %add3A_85, %lt3A_91 : i32
      %convert_element_type3A_93 = arith.extui %lt3A_92 : i1 to i32
      %cond3A_94 = arith.constant 0 : i32
      %cond3A_95 = arith.cmpi ne, %convert_element_type3A_93, %cond3A_94 : i32
      scf.if %cond3A_95 {
        %dma_start3A_148 = arith.constant 0 : i32
        %dma_start3A_149 = tpu.memref_slice %arg7[%add3A_85, %dma_start3A_148] : memref<108x96xi32, #tpu.memory_space<vmem>> -> memref<1x96xi32, #tpu.memory_space<vmem>>
        %dma_start3A_150 = tpu.memref_squeeze %dma_start3A_149 : memref<1x96xi32, #tpu.memory_space<vmem>> -> memref<96xi32, #tpu.memory_space<vmem>>
        %dma_start3A_151 = arith.constant 0 : i32
        %dma_start3A_152 = arith.constant 0 : i32
        %dma_start3A_153 = tpu.memref_slice %arg14[%dma_start3A_151, %dma_start3A_152] : memref<10240x64xf32, #tpu.memory_space<vmem_shared>> -> memref<10240x64xf32, #tpu.memory_space<vmem_shared>>
        tpu.enqueue_indirect_dma source(%dma_start3A_153 : memref<10240x64xf32, #tpu.memory_space<vmem_shared>>) target(%arg12 : memref<96x64xf32, #tpu.memory_space<vmem>>) offsets(%dma_start3A_150 : memref<96xi32, #tpu.memory_space<vmem>>) semaphore(%arg18 : memref<!tpu.dma_semaphore, #tpu.memory_space<semaphore_mem>>)
      } else {
      }
      %add3A_96 = arith.constant 2 : i32
      %add3A_97 = arith.addi %mul3A_47, %add3A_96 : i32
      %dma_wait3A_98 = arith.constant 0 : i32
      %dma_wait3A_99 = tpu.memref_slice %arg7[%add3A_97, %dma_wait3A_98] : memref<108x96xi32, #tpu.memory_space<vmem>> -> memref<1x96xi32, #tpu.memory_space<vmem>>
      %dma_wait3A_100 = tpu.memref_squeeze %dma_wait3A_99 : memref<1x96xi32, #tpu.memory_space<vmem>> -> memref<96xi32, #tpu.memory_space<vmem>>
      %dma_wait3A_101 = arith.constant 0 : i32
      %dma_wait3A_102 = arith.constant 0 : i32
      %dma_wait3A_103 = tpu.memref_slice %arg14[%dma_wait3A_101, %dma_wait3A_102] : memref<10240x64xf32, #tpu.memory_space<vmem_shared>> -> memref<10240x64xf32, #tpu.memory_space<vmem_shared>>
      tpu.wait_indirect_dma semaphore(%arg17 : memref<!tpu.dma_semaphore, #tpu.memory_space<semaphore_mem>>) src(%dma_wait3A_103 : memref<10240x64xf32, #tpu.memory_space<vmem_shared>>) dst(%arg11 : memref<96x64xf32, #tpu.memory_space<vmem>>)
      %dma_start3A_104 = arith.constant 0 : i32
      %dma_start3A_105 = tpu.memref_slice %arg8[%add3A_97, %dma_start3A_104] : memref<108x96xi32, #tpu.memory_space<vmem>> -> memref<1x96xi32, #tpu.memory_space<vmem>>
      %dma_start3A_106 = tpu.memref_squeeze %dma_start3A_105 : memref<1x96xi32, #tpu.memory_space<vmem>> -> memref<96xi32, #tpu.memory_space<vmem>>
      %dma_start3A_107 = arith.constant 0 : i32
      %dma_start3A_108 = arith.constant 0 : i32
      %dma_start3A_109 = tpu.memref_slice %arg13[%dma_start3A_107, %dma_start3A_108] : memref<10240x64xf32, #tpu.memory_space<vmem_shared>> -> memref<10240x64xf32, #tpu.memory_space<vmem_shared>>
      tpu.enqueue_indirect_dma source(%arg11 : memref<96x64xf32, #tpu.memory_space<vmem>>) target(%dma_start3A_109 : memref<10240x64xf32, #tpu.memory_space<vmem_shared>>) offsets(%dma_start3A_106 : memref<96xi32, #tpu.memory_space<vmem>>) semaphore(%arg21 : memref<!tpu.dma_semaphore, #tpu.memory_space<semaphore_mem>>) {add = true}
      %add3A_110 = arith.constant 2 : i32
      %add3A_111 = arith.addi %add3A_97, %add3A_110 : i32
      %ge3A_112 = arith.constant 2 : i32
      %ge3A_113 = arith.cmpi sge, %add3A_97, %ge3A_112 : i32
      %convert_element_type3A_114 = arith.extui %ge3A_113 : i1 to i32
      %cond3A_115 = arith.constant 0 : i32
      %cond3A_116 = arith.cmpi ne, %convert_element_type3A_114, %cond3A_115 : i32
      scf.if %cond3A_116 {
        %sub3A = arith.constant 2 : i32
        %sub3A_148 = arith.subi %add3A_97, %sub3A : i32
        %dma_wait3A_149 = arith.constant 0 : i32
        %dma_wait3A_150 = tpu.memref_slice %arg8[%sub3A_148, %dma_wait3A_149] : memref<108x96xi32, #tpu.memory_space<vmem>> -> memref<1x96xi32, #tpu.memory_space<vmem>>
        %dma_wait3A_151 = tpu.memref_squeeze %dma_wait3A_150 : memref<1x96xi32, #tpu.memory_space<vmem>> -> memref<96xi32, #tpu.memory_space<vmem>>
        %dma_wait3A_152 = arith.constant 0 : i32
        %dma_wait3A_153 = arith.constant 0 : i32
        %dma_wait3A_154 = tpu.memref_slice %arg13[%dma_wait3A_152, %dma_wait3A_153] : memref<10240x64xf32, #tpu.memory_space<vmem_shared>> -> memref<10240x64xf32, #tpu.memory_space<vmem_shared>>
        tpu.wait_indirect_dma semaphore(%arg19 : memref<!tpu.dma_semaphore, #tpu.memory_space<semaphore_mem>>) src(%arg9 : memref<96x64xf32, #tpu.memory_space<vmem>>) dst(%dma_wait3A_154 : memref<10240x64xf32, #tpu.memory_space<vmem_shared>>)
      } else {
      }
      %lt3A_117 = arith.constant 108 : i32
      %lt3A_118 = arith.cmpi slt, %add3A_111, %lt3A_117 : i32
      %convert_element_type3A_119 = arith.extui %lt3A_118 : i1 to i32
      %cond3A_120 = arith.constant 0 : i32
      %cond3A_121 = arith.cmpi ne, %convert_element_type3A_119, %cond3A_120 : i32
      scf.if %cond3A_121 {
        %dma_start3A_148 = arith.constant 0 : i32
        %dma_start3A_149 = tpu.memref_slice %arg7[%add3A_111, %dma_start3A_148] : memref<108x96xi32, #tpu.memory_space<vmem>> -> memref<1x96xi32, #tpu.memory_space<vmem>>
        %dma_start3A_150 = tpu.memref_squeeze %dma_start3A_149 : memref<1x96xi32, #tpu.memory_space<vmem>> -> memref<96xi32, #tpu.memory_space<vmem>>
        %dma_start3A_151 = arith.constant 0 : i32
        %dma_start3A_152 = arith.constant 0 : i32
        %dma_start3A_153 = tpu.memref_slice %arg14[%dma_start3A_151, %dma_start3A_152] : memref<10240x64xf32, #tpu.memory_space<vmem_shared>> -> memref<10240x64xf32, #tpu.memory_space<vmem_shared>>
        tpu.enqueue_indirect_dma source(%dma_start3A_153 : memref<10240x64xf32, #tpu.memory_space<vmem_shared>>) target(%arg9 : memref<96x64xf32, #tpu.memory_space<vmem>>) offsets(%dma_start3A_150 : memref<96xi32, #tpu.memory_space<vmem>>) semaphore(%arg15 : memref<!tpu.dma_semaphore, #tpu.memory_space<semaphore_mem>>)
      } else {
      }
      %add3A_122 = arith.constant 3 : i32
      %add3A_123 = arith.addi %mul3A_47, %add3A_122 : i32
      %dma_wait3A_124 = arith.constant 0 : i32
      %dma_wait3A_125 = tpu.memref_slice %arg7[%add3A_123, %dma_wait3A_124] : memref<108x96xi32, #tpu.memory_space<vmem>> -> memref<1x96xi32, #tpu.memory_space<vmem>>
      %dma_wait3A_126 = tpu.memref_squeeze %dma_wait3A_125 : memref<1x96xi32, #tpu.memory_space<vmem>> -> memref<96xi32, #tpu.memory_space<vmem>>
      %dma_wait3A_127 = arith.constant 0 : i32
      %dma_wait3A_128 = arith.constant 0 : i32
      %dma_wait3A_129 = tpu.memref_slice %arg14[%dma_wait3A_127, %dma_wait3A_128] : memref<10240x64xf32, #tpu.memory_space<vmem_shared>> -> memref<10240x64xf32, #tpu.memory_space<vmem_shared>>
      tpu.wait_indirect_dma semaphore(%arg18 : memref<!tpu.dma_semaphore, #tpu.memory_space<semaphore_mem>>) src(%dma_wait3A_129 : memref<10240x64xf32, #tpu.memory_space<vmem_shared>>) dst(%arg12 : memref<96x64xf32, #tpu.memory_space<vmem>>)
      %dma_start3A_130 = arith.constant 0 : i32
      %dma_start3A_131 = tpu.memref_slice %arg8[%add3A_123, %dma_start3A_130] : memref<108x96xi32, #tpu.memory_space<vmem>> -> memref<1x96xi32, #tpu.memory_space<vmem>>
      %dma_start3A_132 = tpu.memref_squeeze %dma_start3A_131 : memref<1x96xi32, #tpu.memory_space<vmem>> -> memref<96xi32, #tpu.memory_space<vmem>>
      %dma_start3A_133 = arith.constant 0 : i32
      %dma_start3A_134 = arith.constant 0 : i32
      %dma_start3A_135 = tpu.memref_slice %arg13[%dma_start3A_133, %dma_start3A_134] : memref<10240x64xf32, #tpu.memory_space<vmem_shared>> -> memref<10240x64xf32, #tpu.memory_space<vmem_shared>>
      tpu.enqueue_indirect_dma source(%arg12 : memref<96x64xf32, #tpu.memory_space<vmem>>) target(%dma_start3A_135 : memref<10240x64xf32, #tpu.memory_space<vmem_shared>>) offsets(%dma_start3A_132 : memref<96xi32, #tpu.memory_space<vmem>>) semaphore(%arg22 : memref<!tpu.dma_semaphore, #tpu.memory_space<semaphore_mem>>) {add = true}
      %add3A_136 = arith.constant 2 : i32
      %add3A_137 = arith.addi %add3A_123, %add3A_136 : i32
      %ge3A_138 = arith.constant 2 : i32
      %ge3A_139 = arith.cmpi sge, %add3A_123, %ge3A_138 : i32
      %convert_element_type3A_140 = arith.extui %ge3A_139 : i1 to i32
      %cond3A_141 = arith.constant 0 : i32
      %cond3A_142 = arith.cmpi ne, %convert_element_type3A_140, %cond3A_141 : i32
      scf.if %cond3A_142 {
        %sub3A = arith.constant 2 : i32
        %sub3A_148 = arith.subi %add3A_123, %sub3A : i32
        %dma_wait3A_149 = arith.constant 0 : i32
        %dma_wait3A_150 = tpu.memref_slice %arg8[%sub3A_148, %dma_wait3A_149] : memref<108x96xi32, #tpu.memory_space<vmem>> -> memref<1x96xi32, #tpu.memory_space<vmem>>
        %dma_wait3A_151 = tpu.memref_squeeze %dma_wait3A_150 : memref<1x96xi32, #tpu.memory_space<vmem>> -> memref<96xi32, #tpu.memory_space<vmem>>
        %dma_wait3A_152 = arith.constant 0 : i32
        %dma_wait3A_153 = arith.constant 0 : i32
        %dma_wait3A_154 = tpu.memref_slice %arg13[%dma_wait3A_152, %dma_wait3A_153] : memref<10240x64xf32, #tpu.memory_space<vmem_shared>> -> memref<10240x64xf32, #tpu.memory_space<vmem_shared>>
        tpu.wait_indirect_dma semaphore(%arg20 : memref<!tpu.dma_semaphore, #tpu.memory_space<semaphore_mem>>) src(%arg10 : memref<96x64xf32, #tpu.memory_space<vmem>>) dst(%dma_wait3A_154 : memref<10240x64xf32, #tpu.memory_space<vmem_shared>>)
      } else {
      }
      %lt3A_143 = arith.constant 108 : i32
      %lt3A_144 = arith.cmpi slt, %add3A_137, %lt3A_143 : i32
      %convert_element_type3A_145 = arith.extui %lt3A_144 : i1 to i32
      %cond3A_146 = arith.constant 0 : i32
      %cond3A_147 = arith.cmpi ne, %convert_element_type3A_145, %cond3A_146 : i32
      scf.if %cond3A_147 {
        %dma_start3A_148 = arith.constant 0 : i32
        %dma_start3A_149 = tpu.memref_slice %arg7[%add3A_137, %dma_start3A_148] : memref<108x96xi32, #tpu.memory_space<vmem>> -> memref<1x96xi32, #tpu.memory_space<vmem>>
        %dma_start3A_150 = tpu.memref_squeeze %dma_start3A_149 : memref<1x96xi32, #tpu.memory_space<vmem>> -> memref<96xi32, #tpu.memory_space<vmem>>
        %dma_start3A_151 = arith.constant 0 : i32
        %dma_start3A_152 = arith.constant 0 : i32
        %dma_start3A_153 = tpu.memref_slice %arg14[%dma_start3A_151, %dma_start3A_152] : memref<10240x64xf32, #tpu.memory_space<vmem_shared>> -> memref<10240x64xf32, #tpu.memory_space<vmem_shared>>
        tpu.enqueue_indirect_dma source(%dma_start3A_153 : memref<10240x64xf32, #tpu.memory_space<vmem_shared>>) target(%arg10 : memref<96x64xf32, #tpu.memory_space<vmem>>) offsets(%dma_start3A_150 : memref<96xi32, #tpu.memory_space<vmem>>) semaphore(%arg16 : memref<!tpu.dma_semaphore, #tpu.memory_space<semaphore_mem>>)
      } else {
      }
    }
    %scan3A_26 = arith.constant 27 : i32
    %dma_wait3A = arith.constant 106 : i32
    %dma_wait3A_27 = arith.constant 0 : i32
    %dma_wait3A_28 = tpu.memref_slice %arg8[%dma_wait3A, %dma_wait3A_27] : memref<108x96xi32, #tpu.memory_space<vmem>> -> memref<1x96xi32, #tpu.memory_space<vmem>>
    %dma_wait3A_29 = tpu.memref_squeeze %dma_wait3A_28 : memref<1x96xi32, #tpu.memory_space<vmem>> -> memref<96xi32, #tpu.memory_space<vmem>>
    %dma_wait3A_30 = arith.constant 0 : i32
    %dma_wait3A_31 = arith.constant 0 : i32
    %dma_wait3A_32 = tpu.memref_slice %arg13[%dma_wait3A_30, %dma_wait3A_31] : memref<10240x64xf32, #tpu.memory_space<vmem_shared>> -> memref<10240x64xf32, #tpu.memory_space<vmem_shared>>
    tpu.wait_indirect_dma semaphore(%arg21 : memref<!tpu.dma_semaphore, #tpu.memory_space<semaphore_mem>>) src(%arg11 : memref<96x64xf32, #tpu.memory_space<vmem>>) dst(%dma_wait3A_32 : memref<10240x64xf32, #tpu.memory_space<vmem_shared>>)
    %dma_wait3A_33 = arith.constant 107 : i32
    %dma_wait3A_34 = arith.constant 0 : i32
    %dma_wait3A_35 = tpu.memref_slice %arg8[%dma_wait3A_33, %dma_wait3A_34] : memref<108x96xi32, #tpu.memory_space<vmem>> -> memref<1x96xi32, #tpu.memory_space<vmem>>
    %dma_wait3A_36 = tpu.memref_squeeze %dma_wait3A_35 : memref<1x96xi32, #tpu.memory_space<vmem>> -> memref<96xi32, #tpu.memory_space<vmem>>
    %dma_wait3A_37 = arith.constant 0 : i32
    %dma_wait3A_38 = arith.constant 0 : i32
    %dma_wait3A_39 = tpu.memref_slice %arg13[%dma_wait3A_37, %dma_wait3A_38] : memref<10240x64xf32, #tpu.memory_space<vmem_shared>> -> memref<10240x64xf32, #tpu.memory_space<vmem_shared>>
    tpu.wait_indirect_dma semaphore(%arg22 : memref<!tpu.dma_semaphore, #tpu.memory_space<semaphore_mem>>) src(%arg12 : memref<96x64xf32, #tpu.memory_space<vmem>>) dst(%dma_wait3A_39 : memref<10240x64xf32, #tpu.memory_space<vmem_shared>>)
    %barrier3A_40 = arith.constant 0 : index
    tpu.barrier barrier_id(%barrier3A_40)
    %mul3A_41 = arith.constant 640 : i32
    %mul3A_42 = arith.muli %arg1, %mul3A_41 : i32
    %mul3A_43 = arith.constant 640 : i32
    %mul3A_44 = arith.muli %arg1, %mul3A_43 : i32
    "tpu.region"() ({
      %run_scoped3A = tpu.sem_alloc : memref<!tpu.dma_semaphore, #tpu.memory_space<semaphore_mem>>
      %dma_start3A_45 = arith.constant 0 : i32
      %dma_start3A_46 = tpu.memref_slice %arg6[%arg0, %mul3A_44, %dma_start3A_45] : memref<2x10240x64xf32, #tpu.memory_space<hbm>> -> memref<1x640x64xf32, #tpu.memory_space<hbm>>
      %dma_start3A_47 = tpu.memref_squeeze %dma_start3A_46 : memref<1x640x64xf32, #tpu.memory_space<hbm>> -> memref<640x64xf32, #tpu.memory_space<hbm>>
      %dma_start3A_48 = arith.constant 0 : i32
      %dma_start3A_49 = tpu.memref_slice %arg13[%mul3A_42, %dma_start3A_48] : memref<10240x64xf32, #tpu.memory_space<vmem_shared>> -> memref<640x64xf32, #tpu.memory_space<vmem_shared>>
      tpu.enqueue_dma source(%dma_start3A_49 : memref<640x64xf32, #tpu.memory_space<vmem_shared>>) target(%dma_start3A_47 : memref<640x64xf32, #tpu.memory_space<hbm>>) target_semaphore(%run_scoped3A : memref<!tpu.dma_semaphore, #tpu.memory_space<semaphore_mem>>)
      %dma_wait3A_50 = arith.constant 0 : i32
      %dma_wait3A_51 = tpu.memref_slice %arg6[%arg0, %mul3A_44, %dma_wait3A_50] : memref<2x10240x64xf32, #tpu.memory_space<hbm>> -> memref<1x640x64xf32, #tpu.memory_space<hbm>>
      %dma_wait3A_52 = tpu.memref_squeeze %dma_wait3A_51 : memref<1x640x64xf32, #tpu.memory_space<hbm>> -> memref<640x64xf32, #tpu.memory_space<hbm>>
      %dma_wait3A_53 = arith.constant 0 : i32
      %dma_wait3A_54 = tpu.memref_slice %arg13[%mul3A_42, %dma_wait3A_53] : memref<10240x64xf32, #tpu.memory_space<vmem_shared>> -> memref<640x64xf32, #tpu.memory_space<vmem_shared>>
      tpu.wait_dma2 semaphore(%run_scoped3A : memref<!tpu.dma_semaphore, #tpu.memory_space<semaphore_mem>>) src(%dma_wait3A_54 : memref<640x64xf32, #tpu.memory_space<vmem_shared>>) dst(%dma_wait3A_52 : memref<640x64xf32, #tpu.memory_space<hbm>>)
      tpu.yield
    }) : () -> ()
    return
  }
}

#map = affine_map<(d0, d1) -> (0, 0)>
#map1 = affine_map<(d0, d1) -> (0, 0, 0)>
module attributes {stable_mosaic.version = 14 : i64} {
  func.func @_sc_scatter(%arg0: i32, %arg1: i32, %arg2: memref<10240x64xf32, #tpu.memory_space<hbm>>, %arg3: memref<32x108x96xi32, #tpu.memory_space<hbm>>, %arg4: memref<32x108x96xi32, #tpu.memory_space<hbm>>, %arg5: memref<10240x64xf32, #tpu.memory_space<hbm>>, %arg6: memref<2x10240x64xf32, #tpu.memory_space<hbm>>, %arg7: memref<108x96xi32, #tpu.memory_space<vmem>>, %arg8: memref<108x96xi32, #tpu.memory_space<vmem>>, %arg9: memref<96x64xf32, #tpu.memory_space<vmem>>, %arg10: memref<96x64xf32, #tpu.memory_space<vmem>>, %arg11: memref<96x64xf32, #tpu.memory_space<vmem>>, %arg12: memref<96x64xf32, #tpu.memory_space<vmem>>, %arg13: memref<10240x64xf32, #tpu.memory_space<vmem_shared>>, %arg14: memref<10240x64xf32, #tpu.memory_space<vmem_shared>>, %arg15: memref<!tpu.dma_semaphore, #tpu.memory_space<semaphore_mem>>, %arg16: memref<!tpu.dma_semaphore, #tpu.memory_space<semaphore_mem>>, %arg17: memref<!tpu.dma_semaphore, #tpu.memory_space<semaphore_mem>>, %arg18: memref<!tpu.dma_semaphore, #tpu.memory_space<semaphore_mem>>, %arg19: memref<!tpu.dma_semaphore, #tpu.memory_space<semaphore_mem>>, %arg20: memref<!tpu.dma_semaphore, #tpu.memory_space<semaphore_mem>>, %arg21: memref<!tpu.dma_semaphore, #tpu.memory_space<semaphore_mem>>, %arg22: memref<!tpu.dma_semaphore, #tpu.memory_space<semaphore_mem>>) attributes {dimension_semantics = [#tpu.dimension_semantics<core_parallel>, #tpu.dimension_semantics<subcore_parallel>], iteration_bounds = array<i64: 2, 16>, scalar_prefetch = 0 : i64, scratch_operands = 16 : i64, tpu.core_type = #tpu.core_type<sc_vector_subcore>, window_params = [{transform_indices = #map}, {transform_indices = #map1}, {transform_indices = #map1}, {transform_indices = #map}, {transform_indices = #map1}]} {
    %mul3A = arith.constant 16 : i32
    %mul3A_0 = arith.muli %arg0, %mul3A : i32
    %add3A = arith.addi %mul3A_0, %arg1 : i32
    %mul3A_1 = arith.constant 640 : i32
    %mul3A_2 = arith.muli %arg1, %mul3A_1 : i32
    %mul3A_3 = arith.constant 640 : i32
    %mul3A_4 = arith.muli %arg1, %mul3A_3 : i32
    "tpu.region"() ({
      %run_scoped3A = tpu.sem_alloc : memref<!tpu.dma_semaphore, #tpu.memory_space<semaphore_mem>>
      %dma_start3A_45 = arith.constant 0 : i32
      %dma_start3A_46 = tpu.memref_slice %arg14[%mul3A_4, %dma_start3A_45] : memref<10240x64xf32, #tpu.memory_space<vmem_shared>> -> memref<640x64xf32, #tpu.memory_space<vmem_shared>>
      %dma_start3A_47 = arith.constant 0 : i32
      %dma_start3A_48 = tpu.memref_slice %arg2[%mul3A_2, %dma_start3A_47] : memref<10240x64xf32, #tpu.memory_space<hbm>> -> memref<640x64xf32, #tpu.memory_space<hbm>>
      tpu.enqueue_dma source(%dma_start3A_48 : memref<640x64xf32, #tpu.memory_space<hbm>>) target(%dma_start3A_46 : memref<640x64xf32, #tpu.memory_space<vmem_shared>>) target_semaphore(%run_scoped3A : memref<!tpu.dma_semaphore, #tpu.memory_space<semaphore_mem>>)
      %dma_wait3A_49 = arith.constant 0 : i32
      %dma_wait3A_50 = tpu.memref_slice %arg14[%mul3A_4, %dma_wait3A_49] : memref<10240x64xf32, #tpu.memory_space<vmem_shared>> -> memref<640x64xf32, #tpu.memory_space<vmem_shared>>
      %dma_wait3A_51 = arith.constant 0 : i32
      %dma_wait3A_52 = tpu.memref_slice %arg2[%mul3A_2, %dma_wait3A_51] : memref<10240x64xf32, #tpu.memory_space<hbm>> -> memref<640x64xf32, #tpu.memory_space<hbm>>
      tpu.wait_dma2 semaphore(%run_scoped3A : memref<!tpu.dma_semaphore, #tpu.memory_space<semaphore_mem>>) src(%dma_wait3A_52 : memref<640x64xf32, #tpu.memory_space<hbm>>) dst(%dma_wait3A_50 : memref<640x64xf32, #tpu.memory_space<vmem_shared>>)
      tpu.yield
    }) : () -> ()
    %mul3A_5 = arith.constant 640 : i32
    %mul3A_6 = arith.muli %arg1, %mul3A_5 : i32
    %mul3A_7 = arith.constant 640 : i32
    %mul3A_8 = arith.muli %arg1, %mul3A_7 : i32
    "tpu.region"() ({
      %run_scoped3A = tpu.sem_alloc : memref<!tpu.dma_semaphore, #tpu.memory_space<semaphore_mem>>
      %dma_start3A_45 = arith.constant 0 : i32
      %dma_start3A_46 = tpu.memref_slice %arg13[%mul3A_8, %dma_start3A_45] : memref<10240x64xf32, #tpu.memory_space<vmem_shared>> -> memref<640x64xf32, #tpu.memory_space<vmem_shared>>
      %dma_start3A_47 = arith.constant 0 : i32
      %dma_start3A_48 = tpu.memref_slice %arg5[%mul3A_6, %dma_start3A_47] : memref<10240x64xf32, #tpu.memory_space<hbm>> -> memref<640x64xf32, #tpu.memory_space<hbm>>
      tpu.enqueue_dma source(%dma_start3A_48 : memref<640x64xf32, #tpu.memory_space<hbm>>) target(%dma_start3A_46 : memref<640x64xf32, #tpu.memory_space<vmem_shared>>) target_semaphore(%run_scoped3A : memref<!tpu.dma_semaphore, #tpu.memory_space<semaphore_mem>>)
      %dma_wait3A_49 = arith.constant 0 : i32
      %dma_wait3A_50 = tpu.memref_slice %arg13[%mul3A_8, %dma_wait3A_49] : memref<10240x64xf32, #tpu.memory_space<vmem_shared>> -> memref<640x64xf32, #tpu.memory_space<vmem_shared>>
      %dma_wait3A_51 = arith.constant 0 : i32
      %dma_wait3A_52 = tpu.memref_slice %arg5[%mul3A_6, %dma_wait3A_51] : memref<10240x64xf32, #tpu.memory_space<hbm>> -> memref<640x64xf32, #tpu.memory_space<hbm>>
      tpu.wait_dma2 semaphore(%run_scoped3A : memref<!tpu.dma_semaphore, #tpu.memory_space<semaphore_mem>>) src(%dma_wait3A_52 : memref<640x64xf32, #tpu.memory_space<hbm>>) dst(%dma_wait3A_50 : memref<640x64xf32, #tpu.memory_space<vmem_shared>>)
      tpu.yield
    }) : () -> ()
    "tpu.region"() ({
      %run_scoped3A = tpu.sem_alloc : memref<!tpu.dma_semaphore, #tpu.memory_space<semaphore_mem>>
      %dma_start3A_45 = arith.constant 0 : i32
      %dma_start3A_46 = arith.constant 0 : i32
      %dma_start3A_47 = tpu.memref_slice %arg3[%add3A, %dma_start3A_45, %dma_start3A_46] : memref<32x108x96xi32, #tpu.memory_space<hbm>> -> memref<1x108x96xi32, #tpu.memory_space<hbm>>
      %dma_start3A_48 = tpu.memref_squeeze %dma_start3A_47 : memref<1x108x96xi32, #tpu.memory_space<hbm>> -> memref<108x96xi32, #tpu.memory_space<hbm>>
      %dma_start3A_49 = arith.constant 0 : i32
      %dma_start3A_50 = arith.constant 0 : i32
      %dma_start3A_51 = tpu.memref_slice %arg3[%add3A, %dma_start3A_49, %dma_start3A_50] : memref<32x108x96xi32, #tpu.memory_space<hbm>> -> memref<1x108x96xi32, #tpu.memory_space<hbm>>
      %dma_start3A_52 = tpu.memref_squeeze %dma_start3A_51 : memref<1x108x96xi32, #tpu.memory_space<hbm>> -> memref<108x96xi32, #tpu.memory_space<hbm>>
      tpu.enqueue_dma source(%dma_start3A_52 : memref<108x96xi32, #tpu.memory_space<hbm>>) target(%arg7 : memref<108x96xi32, #tpu.memory_space<vmem>>) target_semaphore(%run_scoped3A : memref<!tpu.dma_semaphore, #tpu.memory_space<semaphore_mem>>)
      %dma_wait3A_53 = arith.constant 0 : i32
      %dma_wait3A_54 = arith.constant 0 : i32
      %dma_wait3A_55 = tpu.memref_slice %arg3[%add3A, %dma_wait3A_53, %dma_wait3A_54] : memref<32x108x96xi32, #tpu.memory_space<hbm>> -> memref<1x108x96xi32, #tpu.memory_space<hbm>>
      %dma_wait3A_56 = tpu.memref_squeeze %dma_wait3A_55 : memref<1x108x96xi32, #tpu.memory_space<hbm>> -> memref<108x96xi32, #tpu.memory_space<hbm>>
      %dma_wait3A_57 = arith.constant 0 : i32
      %dma_wait3A_58 = arith.constant 0 : i32
      %dma_wait3A_59 = tpu.memref_slice %arg3[%add3A, %dma_wait3A_57, %dma_wait3A_58] : memref<32x108x96xi32, #tpu.memory_space<hbm>> -> memref<1x108x96xi32, #tpu.memory_space<hbm>>
      %dma_wait3A_60 = tpu.memref_squeeze %dma_wait3A_59 : memref<1x108x96xi32, #tpu.memory_space<hbm>> -> memref<108x96xi32, #tpu.memory_space<hbm>>
      tpu.wait_dma2 semaphore(%run_scoped3A : memref<!tpu.dma_semaphore, #tpu.memory_space<semaphore_mem>>) src(%dma_wait3A_60 : memref<108x96xi32, #tpu.memory_space<hbm>>) dst(%arg7 : memref<108x96xi32, #tpu.memory_space<vmem>>)
      tpu.yield
    }) : () -> ()
    "tpu.region"() ({
      %run_scoped3A = tpu.sem_alloc : memref<!tpu.dma_semaphore, #tpu.memory_space<semaphore_mem>>
      %dma_start3A_45 = arith.constant 0 : i32
      %dma_start3A_46 = arith.constant 0 : i32
      %dma_start3A_47 = tpu.memref_slice %arg4[%add3A, %dma_start3A_45, %dma_start3A_46] : memref<32x108x96xi32, #tpu.memory_space<hbm>> -> memref<1x108x96xi32, #tpu.memory_space<hbm>>
      %dma_start3A_48 = tpu.memref_squeeze %dma_start3A_47 : memref<1x108x96xi32, #tpu.memory_space<hbm>> -> memref<108x96xi32, #tpu.memory_space<hbm>>
      %dma_start3A_49 = arith.constant 0 : i32
      %dma_start3A_50 = arith.constant 0 : i32
      %dma_start3A_51 = tpu.memref_slice %arg4[%add3A, %dma_start3A_49, %dma_start3A_50] : memref<32x108x96xi32, #tpu.memory_space<hbm>> -> memref<1x108x96xi32, #tpu.memory_space<hbm>>
      %dma_start3A_52 = tpu.memref_squeeze %dma_start3A_51 : memref<1x108x96xi32, #tpu.memory_space<hbm>> -> memref<108x96xi32, #tpu.memory_space<hbm>>
      tpu.enqueue_dma source(%dma_start3A_52 : memref<108x96xi32, #tpu.memory_space<hbm>>) target(%arg8 : memref<108x96xi32, #tpu.memory_space<vmem>>) target_semaphore(%run_scoped3A : memref<!tpu.dma_semaphore, #tpu.memory_space<semaphore_mem>>)
      %dma_wait3A_53 = arith.constant 0 : i32
      %dma_wait3A_54 = arith.constant 0 : i32
      %dma_wait3A_55 = tpu.memref_slice %arg4[%add3A, %dma_wait3A_53, %dma_wait3A_54] : memref<32x108x96xi32, #tpu.memory_space<hbm>> -> memref<1x108x96xi32, #tpu.memory_space<hbm>>
      %dma_wait3A_56 = tpu.memref_squeeze %dma_wait3A_55 : memref<1x108x96xi32, #tpu.memory_space<hbm>> -> memref<108x96xi32, #tpu.memory_space<hbm>>
      %dma_wait3A_57 = arith.constant 0 : i32
      %dma_wait3A_58 = arith.constant 0 : i32
      %dma_wait3A_59 = tpu.memref_slice %arg4[%add3A, %dma_wait3A_57, %dma_wait3A_58] : memref<32x108x96xi32, #tpu.memory_space<hbm>> -> memref<1x108x96xi32, #tpu.memory_space<hbm>>
      %dma_wait3A_60 = tpu.memref_squeeze %dma_wait3A_59 : memref<1x108x96xi32, #tpu.memory_space<hbm>> -> memref<108x96xi32, #tpu.memory_space<hbm>>
      tpu.wait_dma2 semaphore(%run_scoped3A : memref<!tpu.dma_semaphore, #tpu.memory_space<semaphore_mem>>) src(%dma_wait3A_60 : memref<108x96xi32, #tpu.memory_space<hbm>>) dst(%arg8 : memref<108x96xi32, #tpu.memory_space<vmem>>)
      tpu.yield
    }) : () -> ()
    %barrier3A = arith.constant 0 : index
    tpu.barrier barrier_id(%barrier3A)
    %dma_start3A = arith.constant 0 : i32
    %dma_start3A_9 = arith.constant 0 : i32
    %dma_start3A_10 = tpu.memref_slice %arg7[%dma_start3A, %dma_start3A_9] : memref<108x96xi32, #tpu.memory_space<vmem>> -> memref<1x96xi32, #tpu.memory_space<vmem>>
    %dma_start3A_11 = tpu.memref_squeeze %dma_start3A_10 : memref<1x96xi32, #tpu.memory_space<vmem>> -> memref<96xi32, #tpu.memory_space<vmem>>
    %dma_start3A_12 = arith.constant 0 : i32
    %dma_start3A_13 = arith.constant 0 : i32
    %dma_start3A_14 = tpu.memref_slice %arg14[%dma_start3A_12, %dma_start3A_13] : memref<10240x64xf32, #tpu.memory_space<vmem_shared>> -> memref<10240x64xf32, #tpu.memory_space<vmem_shared>>
    tpu.enqueue_indirect_dma source(%dma_start3A_14 : memref<10240x64xf32, #tpu.memory_space<vmem_shared>>) target(%arg9 : memref<96x64xf32, #tpu.memory_space<vmem>>) offsets(%dma_start3A_11 : memref<96xi32, #tpu.memory_space<vmem>>) semaphore(%arg15 : memref<!tpu.dma_semaphore, #tpu.memory_space<semaphore_mem>>)
    %dma_start3A_15 = arith.constant 1 : i32
    %dma_start3A_16 = arith.constant 0 : i32
    %dma_start3A_17 = tpu.memref_slice %arg7[%dma_start3A_15, %dma_start3A_16] : memref<108x96xi32, #tpu.memory_space<vmem>> -> memref<1x96xi32, #tpu.memory_space<vmem>>
    %dma_start3A_18 = tpu.memref_squeeze %dma_start3A_17 : memref<1x96xi32, #tpu.memory_space<vmem>> -> memref<96xi32, #tpu.memory_space<vmem>>
    %dma_start3A_19 = arith.constant 0 : i32
    %dma_start3A_20 = arith.constant 0 : i32
    %dma_start3A_21 = tpu.memref_slice %arg14[%dma_start3A_19, %dma_start3A_20] : memref<10240x64xf32, #tpu.memory_space<vmem_shared>> -> memref<10240x64xf32, #tpu.memory_space<vmem_shared>>
    tpu.enqueue_indirect_dma source(%dma_start3A_21 : memref<10240x64xf32, #tpu.memory_space<vmem_shared>>) target(%arg10 : memref<96x64xf32, #tpu.memory_space<vmem>>) offsets(%dma_start3A_18 : memref<96xi32, #tpu.memory_space<vmem>>) semaphore(%arg16 : memref<!tpu.dma_semaphore, #tpu.memory_space<semaphore_mem>>)
    %scan3A = arith.constant 0 : i32
    %scan3A_22 = arith.constant 0 : i32
    %scan3A_23 = arith.constant 27 : i32
    %scan3A_24 = arith.addi %scan3A_22, %scan3A_23 : i32
    %scan3A_25 = arith.constant 1 : i32
    scf.for %scan3A_45 = %scan3A_22 to %scan3A_24 step %scan3A_25  : i32 {
      %mul3A_46 = arith.constant 4 : i32
      %mul3A_47 = arith.muli %scan3A_45, %mul3A_46 : i32
      %add3A_48 = arith.constant 0 : i32
      %add3A_49 = arith.addi %mul3A_47, %add3A_48 : i32
      %dma_wait3A_50 = arith.constant 0 : i32
      %dma_wait3A_51 = tpu.memref_slice %arg7[%add3A_49, %dma_wait3A_50] : memref<108x96xi32, #tpu.memory_space<vmem>> -> memref<1x96xi32, #tpu.memory_space<vmem>>
      %dma_wait3A_52 = tpu.memref_squeeze %dma_wait3A_51 : memref<1x96xi32, #tpu.memory_space<vmem>> -> memref<96xi32, #tpu.memory_space<vmem>>
      %dma_wait3A_53 = arith.constant 0 : i32
      %dma_wait3A_54 = arith.constant 0 : i32
      %dma_wait3A_55 = tpu.memref_slice %arg14[%dma_wait3A_53, %dma_wait3A_54] : memref<10240x64xf32, #tpu.memory_space<vmem_shared>> -> memref<10240x64xf32, #tpu.memory_space<vmem_shared>>
      tpu.wait_indirect_dma semaphore(%arg15 : memref<!tpu.dma_semaphore, #tpu.memory_space<semaphore_mem>>) src(%dma_wait3A_55 : memref<10240x64xf32, #tpu.memory_space<vmem_shared>>) dst(%arg9 : memref<96x64xf32, #tpu.memory_space<vmem>>)
      %dma_start3A_56 = arith.constant 0 : i32
      %dma_start3A_57 = tpu.memref_slice %arg8[%add3A_49, %dma_start3A_56] : memref<108x96xi32, #tpu.memory_space<vmem>> -> memref<1x96xi32, #tpu.memory_space<vmem>>
      %dma_start3A_58 = tpu.memref_squeeze %dma_start3A_57 : memref<1x96xi32, #tpu.memory_space<vmem>> -> memref<96xi32, #tpu.memory_space<vmem>>
      %dma_start3A_59 = arith.constant 0 : i32
      %dma_start3A_60 = arith.constant 0 : i32
      %dma_start3A_61 = tpu.memref_slice %arg13[%dma_start3A_59, %dma_start3A_60] : memref<10240x64xf32, #tpu.memory_space<vmem_shared>> -> memref<10240x64xf32, #tpu.memory_space<vmem_shared>>
      tpu.enqueue_indirect_dma source(%arg9 : memref<96x64xf32, #tpu.memory_space<vmem>>) target(%dma_start3A_61 : memref<10240x64xf32, #tpu.memory_space<vmem_shared>>) offsets(%dma_start3A_58 : memref<96xi32, #tpu.memory_space<vmem>>) semaphore(%arg19 : memref<!tpu.dma_semaphore, #tpu.memory_space<semaphore_mem>>) {add = true}
      %add3A_62 = arith.constant 2 : i32
      %add3A_63 = arith.addi %add3A_49, %add3A_62 : i32
      %ge3A = arith.constant 2 : i32
      %ge3A_64 = arith.cmpi sge, %add3A_49, %ge3A : i32
      %convert_element_type3A = arith.extui %ge3A_64 : i1 to i32
      %cond3A = arith.constant 0 : i32
      %cond3A_65 = arith.cmpi ne, %convert_element_type3A, %cond3A : i32
      scf.if %cond3A_65 {
        %sub3A = arith.constant 2 : i32
        %sub3A_148 = arith.subi %add3A_49, %sub3A : i32
        %dma_wait3A_149 = arith.constant 0 : i32
        %dma_wait3A_150 = tpu.memref_slice %arg8[%sub3A_148, %dma_wait3A_149] : memref<108x96xi32, #tpu.memory_space<vmem>> -> memref<1x96xi32, #tpu.memory_space<vmem>>
        %dma_wait3A_151 = tpu.memref_squeeze %dma_wait3A_150 : memref<1x96xi32, #tpu.memory_space<vmem>> -> memref<96xi32, #tpu.memory_space<vmem>>
        %dma_wait3A_152 = arith.constant 0 : i32
        %dma_wait3A_153 = arith.constant 0 : i32
        %dma_wait3A_154 = tpu.memref_slice %arg13[%dma_wait3A_152, %dma_wait3A_153] : memref<10240x64xf32, #tpu.memory_space<vmem_shared>> -> memref<10240x64xf32, #tpu.memory_space<vmem_shared>>
        tpu.wait_indirect_dma semaphore(%arg21 : memref<!tpu.dma_semaphore, #tpu.memory_space<semaphore_mem>>) src(%arg11 : memref<96x64xf32, #tpu.memory_space<vmem>>) dst(%dma_wait3A_154 : memref<10240x64xf32, #tpu.memory_space<vmem_shared>>)
      } else {
      }
      %lt3A = arith.constant 108 : i32
      %lt3A_66 = arith.cmpi slt, %add3A_63, %lt3A : i32
      %convert_element_type3A_67 = arith.extui %lt3A_66 : i1 to i32
      %cond3A_68 = arith.constant 0 : i32
      %cond3A_69 = arith.cmpi ne, %convert_element_type3A_67, %cond3A_68 : i32
      scf.if %cond3A_69 {
        %dma_start3A_148 = arith.constant 0 : i32
        %dma_start3A_149 = tpu.memref_slice %arg7[%add3A_63, %dma_start3A_148] : memref<108x96xi32, #tpu.memory_space<vmem>> -> memref<1x96xi32, #tpu.memory_space<vmem>>
        %dma_start3A_150 = tpu.memref_squeeze %dma_start3A_149 : memref<1x96xi32, #tpu.memory_space<vmem>> -> memref<96xi32, #tpu.memory_space<vmem>>
        %dma_start3A_151 = arith.constant 0 : i32
        %dma_start3A_152 = arith.constant 0 : i32
        %dma_start3A_153 = tpu.memref_slice %arg14[%dma_start3A_151, %dma_start3A_152] : memref<10240x64xf32, #tpu.memory_space<vmem_shared>> -> memref<10240x64xf32, #tpu.memory_space<vmem_shared>>
        tpu.enqueue_indirect_dma source(%dma_start3A_153 : memref<10240x64xf32, #tpu.memory_space<vmem_shared>>) target(%arg11 : memref<96x64xf32, #tpu.memory_space<vmem>>) offsets(%dma_start3A_150 : memref<96xi32, #tpu.memory_space<vmem>>) semaphore(%arg17 : memref<!tpu.dma_semaphore, #tpu.memory_space<semaphore_mem>>)
      } else {
      }
      %add3A_70 = arith.constant 1 : i32
      %add3A_71 = arith.addi %mul3A_47, %add3A_70 : i32
      %dma_wait3A_72 = arith.constant 0 : i32
      %dma_wait3A_73 = tpu.memref_slice %arg7[%add3A_71, %dma_wait3A_72] : memref<108x96xi32, #tpu.memory_space<vmem>> -> memref<1x96xi32, #tpu.memory_space<vmem>>
      %dma_wait3A_74 = tpu.memref_squeeze %dma_wait3A_73 : memref<1x96xi32, #tpu.memory_space<vmem>> -> memref<96xi32, #tpu.memory_space<vmem>>
      %dma_wait3A_75 = arith.constant 0 : i32
      %dma_wait3A_76 = arith.constant 0 : i32
      %dma_wait3A_77 = tpu.memref_slice %arg14[%dma_wait3A_75, %dma_wait3A_76] : memref<10240x64xf32, #tpu.memory_space<vmem_shared>> -> memref<10240x64xf32, #tpu.memory_space<vmem_shared>>
      tpu.wait_indirect_dma semaphore(%arg16 : memref<!tpu.dma_semaphore, #tpu.memory_space<semaphore_mem>>) src(%dma_wait3A_77 : memref<10240x64xf32, #tpu.memory_space<vmem_shared>>) dst(%arg10 : memref<96x64xf32, #tpu.memory_space<vmem>>)
      %dma_start3A_78 = arith.constant 0 : i32
      %dma_start3A_79 = tpu.memref_slice %arg8[%add3A_71, %dma_start3A_78] : memref<108x96xi32, #tpu.memory_space<vmem>> -> memref<1x96xi32, #tpu.memory_space<vmem>>
      %dma_start3A_80 = tpu.memref_squeeze %dma_start3A_79 : memref<1x96xi32, #tpu.memory_space<vmem>> -> memref<96xi32, #tpu.memory_space<vmem>>
      %dma_start3A_81 = arith.constant 0 : i32
      %dma_start3A_82 = arith.constant 0 : i32
      %dma_start3A_83 = tpu.memref_slice %arg13[%dma_start3A_81, %dma_start3A_82] : memref<10240x64xf32, #tpu.memory_space<vmem_shared>> -> memref<10240x64xf32, #tpu.memory_space<vmem_shared>>
      tpu.enqueue_indirect_dma source(%arg10 : memref<96x64xf32, #tpu.memory_space<vmem>>) target(%dma_start3A_83 : memref<10240x64xf32, #tpu.memory_space<vmem_shared>>) offsets(%dma_start3A_80 : memref<96xi32, #tpu.memory_space<vmem>>) semaphore(%arg20 : memref<!tpu.dma_semaphore, #tpu.memory_space<semaphore_mem>>) {add = true}
      %add3A_84 = arith.constant 2 : i32
      %add3A_85 = arith.addi %add3A_71, %add3A_84 : i32
      %ge3A_86 = arith.constant 2 : i32
      %ge3A_87 = arith.cmpi sge, %add3A_71, %ge3A_86 : i32
      %convert_element_type3A_88 = arith.extui %ge3A_87 : i1 to i32
      %cond3A_89 = arith.constant 0 : i32
      %cond3A_90 = arith.cmpi ne, %convert_element_type3A_88, %cond3A_89 : i32
      scf.if %cond3A_90 {
        %sub3A = arith.constant 2 : i32
        %sub3A_148 = arith.subi %add3A_71, %sub3A : i32
        %dma_wait3A_149 = arith.constant 0 : i32
        %dma_wait3A_150 = tpu.memref_slice %arg8[%sub3A_148, %dma_wait3A_149] : memref<108x96xi32, #tpu.memory_space<vmem>> -> memref<1x96xi32, #tpu.memory_space<vmem>>
        %dma_wait3A_151 = tpu.memref_squeeze %dma_wait3A_150 : memref<1x96xi32, #tpu.memory_space<vmem>> -> memref<96xi32, #tpu.memory_space<vmem>>
        %dma_wait3A_152 = arith.constant 0 : i32
        %dma_wait3A_153 = arith.constant 0 : i32
        %dma_wait3A_154 = tpu.memref_slice %arg13[%dma_wait3A_152, %dma_wait3A_153] : memref<10240x64xf32, #tpu.memory_space<vmem_shared>> -> memref<10240x64xf32, #tpu.memory_space<vmem_shared>>
        tpu.wait_indirect_dma semaphore(%arg22 : memref<!tpu.dma_semaphore, #tpu.memory_space<semaphore_mem>>) src(%arg12 : memref<96x64xf32, #tpu.memory_space<vmem>>) dst(%dma_wait3A_154 : memref<10240x64xf32, #tpu.memory_space<vmem_shared>>)
      } else {
      }
      %lt3A_91 = arith.constant 108 : i32
      %lt3A_92 = arith.cmpi slt, %add3A_85, %lt3A_91 : i32
      %convert_element_type3A_93 = arith.extui %lt3A_92 : i1 to i32
      %cond3A_94 = arith.constant 0 : i32
      %cond3A_95 = arith.cmpi ne, %convert_element_type3A_93, %cond3A_94 : i32
      scf.if %cond3A_95 {
        %dma_start3A_148 = arith.constant 0 : i32
        %dma_start3A_149 = tpu.memref_slice %arg7[%add3A_85, %dma_start3A_148] : memref<108x96xi32, #tpu.memory_space<vmem>> -> memref<1x96xi32, #tpu.memory_space<vmem>>
        %dma_start3A_150 = tpu.memref_squeeze %dma_start3A_149 : memref<1x96xi32, #tpu.memory_space<vmem>> -> memref<96xi32, #tpu.memory_space<vmem>>
        %dma_start3A_151 = arith.constant 0 : i32
        %dma_start3A_152 = arith.constant 0 : i32
        %dma_start3A_153 = tpu.memref_slice %arg14[%dma_start3A_151, %dma_start3A_152] : memref<10240x64xf32, #tpu.memory_space<vmem_shared>> -> memref<10240x64xf32, #tpu.memory_space<vmem_shared>>
        tpu.enqueue_indirect_dma source(%dma_start3A_153 : memref<10240x64xf32, #tpu.memory_space<vmem_shared>>) target(%arg12 : memref<96x64xf32, #tpu.memory_space<vmem>>) offsets(%dma_start3A_150 : memref<96xi32, #tpu.memory_space<vmem>>) semaphore(%arg18 : memref<!tpu.dma_semaphore, #tpu.memory_space<semaphore_mem>>)
      } else {
      }
      %add3A_96 = arith.constant 2 : i32
      %add3A_97 = arith.addi %mul3A_47, %add3A_96 : i32
      %dma_wait3A_98 = arith.constant 0 : i32
      %dma_wait3A_99 = tpu.memref_slice %arg7[%add3A_97, %dma_wait3A_98] : memref<108x96xi32, #tpu.memory_space<vmem>> -> memref<1x96xi32, #tpu.memory_space<vmem>>
      %dma_wait3A_100 = tpu.memref_squeeze %dma_wait3A_99 : memref<1x96xi32, #tpu.memory_space<vmem>> -> memref<96xi32, #tpu.memory_space<vmem>>
      %dma_wait3A_101 = arith.constant 0 : i32
      %dma_wait3A_102 = arith.constant 0 : i32
      %dma_wait3A_103 = tpu.memref_slice %arg14[%dma_wait3A_101, %dma_wait3A_102] : memref<10240x64xf32, #tpu.memory_space<vmem_shared>> -> memref<10240x64xf32, #tpu.memory_space<vmem_shared>>
      tpu.wait_indirect_dma semaphore(%arg17 : memref<!tpu.dma_semaphore, #tpu.memory_space<semaphore_mem>>) src(%dma_wait3A_103 : memref<10240x64xf32, #tpu.memory_space<vmem_shared>>) dst(%arg11 : memref<96x64xf32, #tpu.memory_space<vmem>>)
      %dma_start3A_104 = arith.constant 0 : i32
      %dma_start3A_105 = tpu.memref_slice %arg8[%add3A_97, %dma_start3A_104] : memref<108x96xi32, #tpu.memory_space<vmem>> -> memref<1x96xi32, #tpu.memory_space<vmem>>
      %dma_start3A_106 = tpu.memref_squeeze %dma_start3A_105 : memref<1x96xi32, #tpu.memory_space<vmem>> -> memref<96xi32, #tpu.memory_space<vmem>>
      %dma_start3A_107 = arith.constant 0 : i32
      %dma_start3A_108 = arith.constant 0 : i32
      %dma_start3A_109 = tpu.memref_slice %arg13[%dma_start3A_107, %dma_start3A_108] : memref<10240x64xf32, #tpu.memory_space<vmem_shared>> -> memref<10240x64xf32, #tpu.memory_space<vmem_shared>>
      tpu.enqueue_indirect_dma source(%arg11 : memref<96x64xf32, #tpu.memory_space<vmem>>) target(%dma_start3A_109 : memref<10240x64xf32, #tpu.memory_space<vmem_shared>>) offsets(%dma_start3A_106 : memref<96xi32, #tpu.memory_space<vmem>>) semaphore(%arg21 : memref<!tpu.dma_semaphore, #tpu.memory_space<semaphore_mem>>) {add = true}
      %add3A_110 = arith.constant 2 : i32
      %add3A_111 = arith.addi %add3A_97, %add3A_110 : i32
      %ge3A_112 = arith.constant 2 : i32
      %ge3A_113 = arith.cmpi sge, %add3A_97, %ge3A_112 : i32
      %convert_element_type3A_114 = arith.extui %ge3A_113 : i1 to i32
      %cond3A_115 = arith.constant 0 : i32
      %cond3A_116 = arith.cmpi ne, %convert_element_type3A_114, %cond3A_115 : i32
      scf.if %cond3A_116 {
        %sub3A = arith.constant 2 : i32
        %sub3A_148 = arith.subi %add3A_97, %sub3A : i32
        %dma_wait3A_149 = arith.constant 0 : i32
        %dma_wait3A_150 = tpu.memref_slice %arg8[%sub3A_148, %dma_wait3A_149] : memref<108x96xi32, #tpu.memory_space<vmem>> -> memref<1x96xi32, #tpu.memory_space<vmem>>
        %dma_wait3A_151 = tpu.memref_squeeze %dma_wait3A_150 : memref<1x96xi32, #tpu.memory_space<vmem>> -> memref<96xi32, #tpu.memory_space<vmem>>
        %dma_wait3A_152 = arith.constant 0 : i32
        %dma_wait3A_153 = arith.constant 0 : i32
        %dma_wait3A_154 = tpu.memref_slice %arg13[%dma_wait3A_152, %dma_wait3A_153] : memref<10240x64xf32, #tpu.memory_space<vmem_shared>> -> memref<10240x64xf32, #tpu.memory_space<vmem_shared>>
        tpu.wait_indirect_dma semaphore(%arg19 : memref<!tpu.dma_semaphore, #tpu.memory_space<semaphore_mem>>) src(%arg9 : memref<96x64xf32, #tpu.memory_space<vmem>>) dst(%dma_wait3A_154 : memref<10240x64xf32, #tpu.memory_space<vmem_shared>>)
      } else {
      }
      %lt3A_117 = arith.constant 108 : i32
      %lt3A_118 = arith.cmpi slt, %add3A_111, %lt3A_117 : i32
      %convert_element_type3A_119 = arith.extui %lt3A_118 : i1 to i32
      %cond3A_120 = arith.constant 0 : i32
      %cond3A_121 = arith.cmpi ne, %convert_element_type3A_119, %cond3A_120 : i32
      scf.if %cond3A_121 {
        %dma_start3A_148 = arith.constant 0 : i32
        %dma_start3A_149 = tpu.memref_slice %arg7[%add3A_111, %dma_start3A_148] : memref<108x96xi32, #tpu.memory_space<vmem>> -> memref<1x96xi32, #tpu.memory_space<vmem>>
        %dma_start3A_150 = tpu.memref_squeeze %dma_start3A_149 : memref<1x96xi32, #tpu.memory_space<vmem>> -> memref<96xi32, #tpu.memory_space<vmem>>
        %dma_start3A_151 = arith.constant 0 : i32
        %dma_start3A_152 = arith.constant 0 : i32
        %dma_start3A_153 = tpu.memref_slice %arg14[%dma_start3A_151, %dma_start3A_152] : memref<10240x64xf32, #tpu.memory_space<vmem_shared>> -> memref<10240x64xf32, #tpu.memory_space<vmem_shared>>
        tpu.enqueue_indirect_dma source(%dma_start3A_153 : memref<10240x64xf32, #tpu.memory_space<vmem_shared>>) target(%arg9 : memref<96x64xf32, #tpu.memory_space<vmem>>) offsets(%dma_start3A_150 : memref<96xi32, #tpu.memory_space<vmem>>) semaphore(%arg15 : memref<!tpu.dma_semaphore, #tpu.memory_space<semaphore_mem>>)
      } else {
      }
      %add3A_122 = arith.constant 3 : i32
      %add3A_123 = arith.addi %mul3A_47, %add3A_122 : i32
      %dma_wait3A_124 = arith.constant 0 : i32
      %dma_wait3A_125 = tpu.memref_slice %arg7[%add3A_123, %dma_wait3A_124] : memref<108x96xi32, #tpu.memory_space<vmem>> -> memref<1x96xi32, #tpu.memory_space<vmem>>
      %dma_wait3A_126 = tpu.memref_squeeze %dma_wait3A_125 : memref<1x96xi32, #tpu.memory_space<vmem>> -> memref<96xi32, #tpu.memory_space<vmem>>
      %dma_wait3A_127 = arith.constant 0 : i32
      %dma_wait3A_128 = arith.constant 0 : i32
      %dma_wait3A_129 = tpu.memref_slice %arg14[%dma_wait3A_127, %dma_wait3A_128] : memref<10240x64xf32, #tpu.memory_space<vmem_shared>> -> memref<10240x64xf32, #tpu.memory_space<vmem_shared>>
      tpu.wait_indirect_dma semaphore(%arg18 : memref<!tpu.dma_semaphore, #tpu.memory_space<semaphore_mem>>) src(%dma_wait3A_129 : memref<10240x64xf32, #tpu.memory_space<vmem_shared>>) dst(%arg12 : memref<96x64xf32, #tpu.memory_space<vmem>>)
      %dma_start3A_130 = arith.constant 0 : i32
      %dma_start3A_131 = tpu.memref_slice %arg8[%add3A_123, %dma_start3A_130] : memref<108x96xi32, #tpu.memory_space<vmem>> -> memref<1x96xi32, #tpu.memory_space<vmem>>
      %dma_start3A_132 = tpu.memref_squeeze %dma_start3A_131 : memref<1x96xi32, #tpu.memory_space<vmem>> -> memref<96xi32, #tpu.memory_space<vmem>>
      %dma_start3A_133 = arith.constant 0 : i32
      %dma_start3A_134 = arith.constant 0 : i32
      %dma_start3A_135 = tpu.memref_slice %arg13[%dma_start3A_133, %dma_start3A_134] : memref<10240x64xf32, #tpu.memory_space<vmem_shared>> -> memref<10240x64xf32, #tpu.memory_space<vmem_shared>>
      tpu.enqueue_indirect_dma source(%arg12 : memref<96x64xf32, #tpu.memory_space<vmem>>) target(%dma_start3A_135 : memref<10240x64xf32, #tpu.memory_space<vmem_shared>>) offsets(%dma_start3A_132 : memref<96xi32, #tpu.memory_space<vmem>>) semaphore(%arg22 : memref<!tpu.dma_semaphore, #tpu.memory_space<semaphore_mem>>) {add = true}
      %add3A_136 = arith.constant 2 : i32
      %add3A_137 = arith.addi %add3A_123, %add3A_136 : i32
      %ge3A_138 = arith.constant 2 : i32
      %ge3A_139 = arith.cmpi sge, %add3A_123, %ge3A_138 : i32
      %convert_element_type3A_140 = arith.extui %ge3A_139 : i1 to i32
      %cond3A_141 = arith.constant 0 : i32
      %cond3A_142 = arith.cmpi ne, %convert_element_type3A_140, %cond3A_141 : i32
      scf.if %cond3A_142 {
        %sub3A = arith.constant 2 : i32
        %sub3A_148 = arith.subi %add3A_123, %sub3A : i32
        %dma_wait3A_149 = arith.constant 0 : i32
        %dma_wait3A_150 = tpu.memref_slice %arg8[%sub3A_148, %dma_wait3A_149] : memref<108x96xi32, #tpu.memory_space<vmem>> -> memref<1x96xi32, #tpu.memory_space<vmem>>
        %dma_wait3A_151 = tpu.memref_squeeze %dma_wait3A_150 : memref<1x96xi32, #tpu.memory_space<vmem>> -> memref<96xi32, #tpu.memory_space<vmem>>
        %dma_wait3A_152 = arith.constant 0 : i32
        %dma_wait3A_153 = arith.constant 0 : i32
        %dma_wait3A_154 = tpu.memref_slice %arg13[%dma_wait3A_152, %dma_wait3A_153] : memref<10240x64xf32, #tpu.memory_space<vmem_shared>> -> memref<10240x64xf32, #tpu.memory_space<vmem_shared>>
        tpu.wait_indirect_dma semaphore(%arg20 : memref<!tpu.dma_semaphore, #tpu.memory_space<semaphore_mem>>) src(%arg10 : memref<96x64xf32, #tpu.memory_space<vmem>>) dst(%dma_wait3A_154 : memref<10240x64xf32, #tpu.memory_space<vmem_shared>>)
      } else {
      }
      %lt3A_143 = arith.constant 108 : i32
      %lt3A_144 = arith.cmpi slt, %add3A_137, %lt3A_143 : i32
      %convert_element_type3A_145 = arith.extui %lt3A_144 : i1 to i32
      %cond3A_146 = arith.constant 0 : i32
      %cond3A_147 = arith.cmpi ne, %convert_element_type3A_145, %cond3A_146 : i32
      scf.if %cond3A_147 {
        %dma_start3A_148 = arith.constant 0 : i32
        %dma_start3A_149 = tpu.memref_slice %arg7[%add3A_137, %dma_start3A_148] : memref<108x96xi32, #tpu.memory_space<vmem>> -> memref<1x96xi32, #tpu.memory_space<vmem>>
        %dma_start3A_150 = tpu.memref_squeeze %dma_start3A_149 : memref<1x96xi32, #tpu.memory_space<vmem>> -> memref<96xi32, #tpu.memory_space<vmem>>
        %dma_start3A_151 = arith.constant 0 : i32
        %dma_start3A_152 = arith.constant 0 : i32
        %dma_start3A_153 = tpu.memref_slice %arg14[%dma_start3A_151, %dma_start3A_152] : memref<10240x64xf32, #tpu.memory_space<vmem_shared>> -> memref<10240x64xf32, #tpu.memory_space<vmem_shared>>
        tpu.enqueue_indirect_dma source(%dma_start3A_153 : memref<10240x64xf32, #tpu.memory_space<vmem_shared>>) target(%arg10 : memref<96x64xf32, #tpu.memory_space<vmem>>) offsets(%dma_start3A_150 : memref<96xi32, #tpu.memory_space<vmem>>) semaphore(%arg16 : memref<!tpu.dma_semaphore, #tpu.memory_space<semaphore_mem>>)
      } else {
      }
    }
    %scan3A_26 = arith.constant 27 : i32
    %dma_wait3A = arith.constant 106 : i32
    %dma_wait3A_27 = arith.constant 0 : i32
    %dma_wait3A_28 = tpu.memref_slice %arg8[%dma_wait3A, %dma_wait3A_27] : memref<108x96xi32, #tpu.memory_space<vmem>> -> memref<1x96xi32, #tpu.memory_space<vmem>>
    %dma_wait3A_29 = tpu.memref_squeeze %dma_wait3A_28 : memref<1x96xi32, #tpu.memory_space<vmem>> -> memref<96xi32, #tpu.memory_space<vmem>>
    %dma_wait3A_30 = arith.constant 0 : i32
    %dma_wait3A_31 = arith.constant 0 : i32
    %dma_wait3A_32 = tpu.memref_slice %arg13[%dma_wait3A_30, %dma_wait3A_31] : memref<10240x64xf32, #tpu.memory_space<vmem_shared>> -> memref<10240x64xf32, #tpu.memory_space<vmem_shared>>
    tpu.wait_indirect_dma semaphore(%arg21 : memref<!tpu.dma_semaphore, #tpu.memory_space<semaphore_mem>>) src(%arg11 : memref<96x64xf32, #tpu.memory_space<vmem>>) dst(%dma_wait3A_32 : memref<10240x64xf32, #tpu.memory_space<vmem_shared>>)
    %dma_wait3A_33 = arith.constant 107 : i32
    %dma_wait3A_34 = arith.constant 0 : i32
    %dma_wait3A_35 = tpu.memref_slice %arg8[%dma_wait3A_33, %dma_wait3A_34] : memref<108x96xi32, #tpu.memory_space<vmem>> -> memref<1x96xi32, #tpu.memory_space<vmem>>
    %dma_wait3A_36 = tpu.memref_squeeze %dma_wait3A_35 : memref<1x96xi32, #tpu.memory_space<vmem>> -> memref<96xi32, #tpu.memory_space<vmem>>
    %dma_wait3A_37 = arith.constant 0 : i32
    %dma_wait3A_38 = arith.constant 0 : i32
    %dma_wait3A_39 = tpu.memref_slice %arg13[%dma_wait3A_37, %dma_wait3A_38] : memref<10240x64xf32, #tpu.memory_space<vmem_shared>> -> memref<10240x64xf32, #tpu.memory_space<vmem_shared>>
    tpu.wait_indirect_dma semaphore(%arg22 : memref<!tpu.dma_semaphore, #tpu.memory_space<semaphore_mem>>) src(%arg12 : memref<96x64xf32, #tpu.memory_space<vmem>>) dst(%dma_wait3A_39 : memref<10240x64xf32, #tpu.memory_space<vmem_shared>>)
    %barrier3A_40 = arith.constant 0 : index
    tpu.barrier barrier_id(%barrier3A_40)
    %mul3A_41 = arith.constant 640 : i32
    %mul3A_42 = arith.muli %arg1, %mul3A_41 : i32
    %mul3A_43 = arith.constant 640 : i32
    %mul3A_44 = arith.muli %arg1, %mul3A_43 : i32
    "tpu.region"() ({
      %run_scoped3A = tpu.sem_alloc : memref<!tpu.dma_semaphore, #tpu.memory_space<semaphore_mem>>
      %dma_start3A_45 = arith.constant 0 : i32
      %dma_start3A_46 = tpu.memref_slice %arg6[%arg0, %mul3A_44, %dma_start3A_45] : memref<2x10240x64xf32, #tpu.memory_space<hbm>> -> memref<1x640x64xf32, #tpu.memory_space<hbm>>
      %dma_start3A_47 = tpu.memref_squeeze %dma_start3A_46 : memref<1x640x64xf32, #tpu.memory_space<hbm>> -> memref<640x64xf32, #tpu.memory_space<hbm>>
      %dma_start3A_48 = arith.constant 0 : i32
      %dma_start3A_49 = tpu.memref_slice %arg13[%mul3A_42, %dma_start3A_48] : memref<10240x64xf32, #tpu.memory_space<vmem_shared>> -> memref<640x64xf32, #tpu.memory_space<vmem_shared>>
      tpu.enqueue_dma source(%dma_start3A_49 : memref<640x64xf32, #tpu.memory_space<vmem_shared>>) target(%dma_start3A_47 : memref<640x64xf32, #tpu.memory_space<hbm>>) target_semaphore(%run_scoped3A : memref<!tpu.dma_semaphore, #tpu.memory_space<semaphore_mem>>)
      %dma_wait3A_50 = arith.constant 0 : i32
      %dma_wait3A_51 = tpu.memref_slice %arg6[%arg0, %mul3A_44, %dma_wait3A_50] : memref<2x10240x64xf32, #tpu.memory_space<hbm>> -> memref<1x640x64xf32, #tpu.memory_space<hbm>>
      %dma_wait3A_52 = tpu.memref_squeeze %dma_wait3A_51 : memref<1x640x64xf32, #tpu.memory_space<hbm>> -> memref<640x64xf32, #tpu.memory_space<hbm>>
      %dma_wait3A_53 = arith.constant 0 : i32
      %dma_wait3A_54 = tpu.memref_slice %arg13[%mul3A_42, %dma_wait3A_53] : memref<10240x64xf32, #tpu.memory_space<vmem_shared>> -> memref<640x64xf32, #tpu.memory_space<vmem_shared>>
      tpu.wait_dma2 semaphore(%run_scoped3A : memref<!tpu.dma_semaphore, #tpu.memory_space<semaphore_mem>>) src(%dma_wait3A_54 : memref<640x64xf32, #tpu.memory_space<vmem_shared>>) dst(%dma_wait3A_52 : memref<640x64xf32, #tpu.memory_space<hbm>>)
      tpu.yield
    }) : () -> ()
    return
  }
}

module attributes {stable_mosaic.version = 14 : i64} {
  func.func @_dense1_body(%arg0: memref<10000x128xf32, #tpu.memory_space<vmem>>, %arg1: memref<128x64xf32, #tpu.memory_space<vmem>>, %arg2: memref<128x64xf32, #tpu.memory_space<vmem>>, %arg3: memref<1x64xf32, #tpu.memory_space<vmem>>, %arg4: memref<10240x64xf32, #tpu.memory_space<vmem>>, %arg5: memref<10240x64xf32, #tpu.memory_space<vmem>>) attributes {dimension_semantics = [], scalar_prefetch = 0 : i64, scratch_operands = 0 : i64, tpu.core_type = #tpu.core_type<tc>} {
    %get3A = arith.constant 0 : index
    %get3A_0 = arith.constant 0 : index
    %get3A_1 = vector.load %arg0[%get3A, %get3A_0] : memref<10000x128xf32, #tpu.memory_space<vmem>>, vector<10000x128xf32>
    %broadcast_in_dim3A = arith.constant 0.000000e+00 : f32
    %broadcast_in_dim3A_2 = vector.broadcast %broadcast_in_dim3A : f32 to vector<240x64xf32>
    %swap3A = arith.constant 10000 : index
    %swap3A_3 = arith.constant 0 : index
    %swap3A_4 = vector.load %arg4[%swap3A, %swap3A_3] : memref<10240x64xf32, #tpu.memory_space<vmem>>, vector<240x64xf32>
    tpu.vector_store %arg4[%swap3A, %swap3A_3], %broadcast_in_dim3A_2 {strides = array<i32>} : memref<10240x64xf32, #tpu.memory_space<vmem>>, vector<240x64xf32>,
    %broadcast_in_dim3A_5 = arith.constant 0.000000e+00 : f32
    %broadcast_in_dim3A_6 = vector.broadcast %broadcast_in_dim3A_5 : f32 to vector<240x64xf32>
    %swap3A_7 = arith.constant 10000 : index
    %swap3A_8 = arith.constant 0 : index
    %swap3A_9 = vector.load %arg5[%swap3A_7, %swap3A_8] : memref<10240x64xf32, #tpu.memory_space<vmem>>, vector<240x64xf32>
    tpu.vector_store %arg5[%swap3A_7, %swap3A_8], %broadcast_in_dim3A_6 {strides = array<i32>} : memref<10240x64xf32, #tpu.memory_space<vmem>>, vector<240x64xf32>,
    %get3A_10 = arith.constant 0 : index
    %get3A_11 = arith.constant 0 : index
    %get3A_12 = vector.load %arg1[%get3A_10, %get3A_11] : memref<128x64xf32, #tpu.memory_space<vmem>>, vector<128x64xf32>
    %dot_general3A = arith.constant dense<0.000000e+00> : vector<10000x64xf32>
    %dot_general3A_13 = tpu.matmul %get3A_1, %get3A_12, %dot_general3A {dimension_numbers = #tpu.dot_dimension_numbers<[1], [0], [0], [1], [0, 0, 1, 1], [], []>, transpose_lhs_hint = false} : vector<10000x128xf32>, vector<128x64xf32>, vector<10000x64xf32> -> vector<10000x64xf32>
    %swap3A_14 = arith.constant 0 : index
    %swap3A_15 = arith.constant 0 : index
    %swap3A_16 = vector.load %arg4[%swap3A_14, %swap3A_15] : memref<10240x64xf32, #tpu.memory_space<vmem>>, vector<10000x64xf32>
    tpu.vector_store %arg4[%swap3A_14, %swap3A_15], %dot_general3A_13 {strides = array<i32>} : memref<10240x64xf32, #tpu.memory_space<vmem>>, vector<10000x64xf32>,
    %get3A_17 = arith.constant 0 : index
    %get3A_18 = arith.constant 0 : index
    %get3A_19 = vector.load %arg2[%get3A_17, %get3A_18] : memref<128x64xf32, #tpu.memory_space<vmem>>, vector<128x64xf32>
    %dot_general3A_20 = arith.constant dense<0.000000e+00> : vector<10000x64xf32>
    %dot_general3A_21 = tpu.matmul %get3A_1, %get3A_19, %dot_general3A_20 {dimension_numbers = #tpu.dot_dimension_numbers<[1], [0], [0], [1], [0, 0, 1, 1], [], []>, transpose_lhs_hint = false} : vector<10000x128xf32>, vector<128x64xf32>, vector<10000x64xf32> -> vector<10000x64xf32>
    %get3A_22 = arith.constant 0 : index
    %get3A_23 = arith.constant 0 : index
    %get3A_24 = vector.load %arg3[%get3A_22, %get3A_23] : memref<1x64xf32, #tpu.memory_space<vmem>>, vector<1x64xf32>
    %add3A = vector.broadcast %get3A_24 : vector<1x64xf32> to vector<10000x64xf32>
    %add3A_25 = arith.addf %dot_general3A_21, %add3A : vector<10000x64xf32>
    %max3A = arith.constant 0.000000e+00 : f32
    %max3A_26 = vector.broadcast %max3A : f32 to vector<10000x64xf32>
    %max3A_27 = arith.maximumf %add3A_25, %max3A_26 : vector<10000x64xf32>
    %swap3A_28 = arith.constant 0 : index
    %swap3A_29 = arith.constant 0 : index
    %swap3A_30 = vector.load %arg5[%swap3A_28, %swap3A_29] : memref<10240x64xf32, #tpu.memory_space<vmem>>, vector<10000x64xf32>
    tpu.vector_store %arg5[%swap3A_28, %swap3A_29], %max3A_27 {strides = array<i32>} : memref<10240x64xf32, #tpu.memory_space<vmem>>, vector<10000x64xf32>,
    return
  }
}

module attributes {stable_mosaic.version = 14 : i64} {
  func.func @_dense2_body(%arg0: memref<2x10240x64xf32, #tpu.memory_space<vmem>>, %arg1: memref<10240x64xf32, #tpu.memory_space<vmem>>, %arg2: memref<1x64xf32, #tpu.memory_space<vmem>>, %arg3: memref<1x64xf32, #tpu.memory_space<vmem>>, %arg4: memref<1x64xf32, #tpu.memory_space<vmem>>, %arg5: memref<64x64xf32, #tpu.memory_space<vmem>>, %arg6: memref<64x64xf32, #tpu.memory_space<vmem>>, %arg7: memref<1x64xf32, #tpu.memory_space<vmem>>, %arg8: memref<10240x64xf32, #tpu.memory_space<vmem>>, %arg9: memref<10240x64xf32, #tpu.memory_space<vmem>>) attributes {dimension_semantics = [], scalar_prefetch = 0 : i64, scratch_operands = 0 : i64, tpu.core_type = #tpu.core_type<tc>} {
    %get3A = arith.constant 0 : index
    %get3A_0 = arith.constant 0 : index
    %get3A_1 = arith.constant 0 : index
    %get3A_2 = vector.load %arg0[%get3A, %get3A_0, %get3A_1] : memref<2x10240x64xf32, #tpu.memory_space<vmem>>, vector<1x10240x64xf32>
    %get3A_3 = vector.shape_cast %get3A_2 : vector<1x10240x64xf32> to vector<10240x64xf32>
    %get3A_4 = arith.constant 1 : index
    %get3A_5 = arith.constant 0 : index
    %get3A_6 = arith.constant 0 : index
    %get3A_7 = vector.load %arg0[%get3A_4, %get3A_5, %get3A_6] : memref<2x10240x64xf32, #tpu.memory_space<vmem>>, vector<1x10240x64xf32>
    %get3A_8 = vector.shape_cast %get3A_7 : vector<1x10240x64xf32> to vector<10240x64xf32>
    %add3A = arith.addf %get3A_3, %get3A_8 : vector<10240x64xf32>
    %get3A_9 = arith.constant 0 : index
    %get3A_10 = arith.constant 0 : index
    %get3A_11 = vector.load %arg3[%get3A_9, %get3A_10] : memref<1x64xf32, #tpu.memory_space<vmem>>, vector<1x64xf32>
    %get3A_12 = arith.constant 0 : index
    %get3A_13 = arith.constant 0 : index
    %get3A_14 = vector.load %arg2[%get3A_12, %get3A_13] : memref<1x64xf32, #tpu.memory_space<vmem>>, vector<1x64xf32>
    %add3A_15 = vector.broadcast %get3A_14 : vector<1x64xf32> to vector<10240x64xf32>
    %add3A_16 = arith.addf %add3A, %add3A_15 : vector<10240x64xf32>
    %max3A = arith.constant 0.000000e+00 : f32
    %max3A_17 = vector.broadcast %max3A : f32 to vector<10240x64xf32>
    %max3A_18 = arith.maximumf %add3A_16, %max3A_17 : vector<10240x64xf32>
    %get3A_19 = arith.constant 0 : index
    %get3A_20 = arith.constant 0 : index
    %get3A_21 = vector.load %arg1[%get3A_19, %get3A_20] : memref<10240x64xf32, #tpu.memory_space<vmem>>, vector<10240x64xf32>
    %add3A_22 = arith.addf %max3A_18, %get3A_21 : vector<10240x64xf32>
    %mul3A = vector.broadcast %get3A_11 : vector<1x64xf32> to vector<10240x64xf32>
    %mul3A_23 = arith.mulf %mul3A, %add3A_22 : vector<10240x64xf32>
    %get3A_24 = arith.constant 0 : index
    %get3A_25 = arith.constant 0 : index
    %get3A_26 = vector.load %arg4[%get3A_24, %get3A_25] : memref<1x64xf32, #tpu.memory_space<vmem>>, vector<1x64xf32>
    %add3A_27 = vector.broadcast %get3A_26 : vector<1x64xf32> to vector<10240x64xf32>
    %add3A_28 = arith.addf %mul3A_23, %add3A_27 : vector<10240x64xf32>
    %get3A_29 = arith.constant 0 : index
    %get3A_30 = arith.constant 0 : index
    %get3A_31 = vector.load %arg5[%get3A_29, %get3A_30] : memref<64x64xf32, #tpu.memory_space<vmem>>, vector<64x64xf32>
    %dot_general3A = arith.constant dense<0.000000e+00> : vector<10240x64xf32>
    %dot_general3A_32 = tpu.matmul %add3A_28, %get3A_31, %dot_general3A {dimension_numbers = #tpu.dot_dimension_numbers<[1], [0], [0], [1], [0, 0, 1, 1], [], []>, transpose_lhs_hint = false} : vector<10240x64xf32>, vector<64x64xf32>, vector<10240x64xf32> -> vector<10240x64xf32>
    %swap3A = arith.constant 0 : index
    %swap3A_33 = arith.constant 0 : index
    %swap3A_34 = vector.load %arg8[%swap3A, %swap3A_33] : memref<10240x64xf32, #tpu.memory_space<vmem>>, vector<10240x64xf32>
    tpu.vector_store %arg8[%swap3A, %swap3A_33], %dot_general3A_32 {strides = array<i32>} : memref<10240x64xf32, #tpu.memory_space<vmem>>, vector<10240x64xf32>,
    %get3A_35 = arith.constant 0 : index
    %get3A_36 = arith.constant 0 : index
    %get3A_37 = vector.load %arg6[%get3A_35, %get3A_36] : memref<64x64xf32, #tpu.memory_space<vmem>>, vector<64x64xf32>
    %dot_general3A_38 = arith.constant dense<0.000000e+00> : vector<10240x64xf32>
    %dot_general3A_39 = tpu.matmul %add3A_28, %get3A_37, %dot_general3A_38 {dimension_numbers = #tpu.dot_dimension_numbers<[1], [0], [0], [1], [0, 0, 1, 1], [], []>, transpose_lhs_hint = false} : vector<10240x64xf32>, vector<64x64xf32>, vector<10240x64xf32> -> vector<10240x64xf32>
    %get3A_40 = arith.constant 0 : index
    %get3A_41 = arith.constant 0 : index
    %get3A_42 = vector.load %arg7[%get3A_40, %get3A_41] : memref<1x64xf32, #tpu.memory_space<vmem>>, vector<1x64xf32>
    %add3A_43 = vector.broadcast %get3A_42 : vector<1x64xf32> to vector<10240x64xf32>
    %add3A_44 = arith.addf %dot_general3A_39, %add3A_43 : vector<10240x64xf32>
    %max3A_45 = arith.constant 0.000000e+00 : f32
    %max3A_46 = vector.broadcast %max3A_45 : f32 to vector<10240x64xf32>
    %max3A_47 = arith.maximumf %add3A_44, %max3A_46 : vector<10240x64xf32>
    %swap3A_48 = arith.constant 0 : index
    %swap3A_49 = arith.constant 0 : index
    %swap3A_50 = vector.load %arg9[%swap3A_48, %swap3A_49] : memref<10240x64xf32, #tpu.memory_space<vmem>>, vector<10240x64xf32>
    tpu.vector_store %arg9[%swap3A_48, %swap3A_49], %max3A_47 {strides = array<i32>} : memref<10240x64xf32, #tpu.memory_space<vmem>>, vector<10240x64xf32>,
    return
  }
}

module attributes {stable_mosaic.version = 14 : i64} {
  func.func @_head_body(%arg0: memref<2x10240x64xf32, #tpu.memory_space<vmem>>, %arg1: memref<10240x64xf32, #tpu.memory_space<vmem>>, %arg2: memref<1x64xf32, #tpu.memory_space<vmem>>, %arg3: memref<1x64xf32, #tpu.memory_space<vmem>>, %arg4: memref<1x64xf32, #tpu.memory_space<vmem>>, %arg5: memref<64x128xf32, #tpu.memory_space<vmem>>, %arg6: memref<1x1xf32, #tpu.memory_space<vmem>>, %arg7: memref<128x128xf32, #tpu.memory_space<vmem>>, %arg8: memref<1x128xf32, #tpu.memory_space<vmem>>, %arg9: memref<1x128xf32, #tpu.memory_space<vmem>>, %arg10: memref<1x128xf32, #tpu.memory_space<vmem>>, %arg11: memref<1x128xf32, #tpu.memory_space<vmem>>, %arg12: memref<1x1xf32, #tpu.memory_space<vmem>>, %arg13: memref<1x128xf32, #tpu.memory_space<vmem>>, %arg14: memref<1x128xf32, #tpu.memory_space<vmem>>) attributes {dimension_semantics = [], scalar_prefetch = 0 : i64, scratch_operands = 0 : i64, tpu.core_type = #tpu.core_type<tc>} {
    %get3A = arith.constant 0 : index
    %get3A_0 = arith.constant 0 : index
    %get3A_1 = arith.constant 0 : index
    %get3A_2 = vector.load %arg0[%get3A, %get3A_0, %get3A_1] : memref<2x10240x64xf32, #tpu.memory_space<vmem>>, vector<1x10000x64xf32>
    %get3A_3 = vector.shape_cast %get3A_2 : vector<1x10000x64xf32> to vector<10000x64xf32>
    %get3A_4 = arith.constant 1 : index
    %get3A_5 = arith.constant 0 : index
    %get3A_6 = arith.constant 0 : index
    %get3A_7 = vector.load %arg0[%get3A_4, %get3A_5, %get3A_6] : memref<2x10240x64xf32, #tpu.memory_space<vmem>>, vector<1x10000x64xf32>
    %get3A_8 = vector.shape_cast %get3A_7 : vector<1x10000x64xf32> to vector<10000x64xf32>
    %add3A = arith.addf %get3A_3, %get3A_8 : vector<10000x64xf32>
    %get3A_9 = arith.constant 0 : index
    %get3A_10 = arith.constant 0 : index
    %get3A_11 = vector.load %arg3[%get3A_9, %get3A_10] : memref<1x64xf32, #tpu.memory_space<vmem>>, vector<1x64xf32>
    %get3A_12 = arith.constant 0 : index
    %get3A_13 = arith.constant 0 : index
    %get3A_14 = vector.load %arg2[%get3A_12, %get3A_13] : memref<1x64xf32, #tpu.memory_space<vmem>>, vector<1x64xf32>
    %add3A_15 = vector.broadcast %get3A_14 : vector<1x64xf32> to vector<10000x64xf32>
    %add3A_16 = arith.addf %add3A, %add3A_15 : vector<10000x64xf32>
    %max3A = arith.constant 0.000000e+00 : f32
    %max3A_17 = vector.broadcast %max3A : f32 to vector<10000x64xf32>
    %max3A_18 = arith.maximumf %add3A_16, %max3A_17 : vector<10000x64xf32>
    %get3A_19 = arith.constant 0 : index
    %get3A_20 = arith.constant 0 : index
    %get3A_21 = vector.load %arg1[%get3A_19, %get3A_20] : memref<10240x64xf32, #tpu.memory_space<vmem>>, vector<10000x64xf32>
    %add3A_22 = arith.addf %max3A_18, %get3A_21 : vector<10000x64xf32>
    %mul3A = vector.broadcast %get3A_11 : vector<1x64xf32> to vector<10000x64xf32>
    %mul3A_23 = arith.mulf %mul3A, %add3A_22 : vector<10000x64xf32>
    %get3A_24 = arith.constant 0 : index
    %get3A_25 = arith.constant 0 : index
    %get3A_26 = vector.load %arg4[%get3A_24, %get3A_25] : memref<1x64xf32, #tpu.memory_space<vmem>>, vector<1x64xf32>
    %add3A_27 = vector.broadcast %get3A_26 : vector<1x64xf32> to vector<10000x64xf32>
    %add3A_28 = arith.addf %mul3A_23, %add3A_27 : vector<10000x64xf32>
    %get3A_29 = arith.constant 0 : index
    %get3A_30 = arith.constant 0 : index
    %get3A_31 = vector.load %arg5[%get3A_29, %get3A_30] : memref<64x128xf32, #tpu.memory_space<vmem>>, vector<64x128xf32>
    %dot_general3A = arith.constant dense<0.000000e+00> : vector<10000x128xf32>
    %dot_general3A_32 = tpu.matmul %add3A_28, %get3A_31, %dot_general3A {dimension_numbers = #tpu.dot_dimension_numbers<[1], [0], [0], [1], [0, 0, 1, 1], [], []>, transpose_lhs_hint = false} : vector<10000x64xf32>, vector<64x128xf32>, vector<10000x128xf32> -> vector<10000x128xf32>
    %slice3A = vector.extract_strided_slice %dot_general3A_32 {offsets = [0, 0], sizes = [10000, 1], strides = [1, 1]} : vector<10000x128xf32> to vector<10000x1xf32>
    %get3A_33 = arith.constant 0 : index
    %get3A_34 = arith.constant 0 : index
    %get3A_35 = vector.load %arg6[%get3A_33, %get3A_34] : memref<1x1xf32, #tpu.memory_space<vmem>>, vector<1x1xf32>
    %add3A_36 = vector.broadcast %get3A_35 : vector<1x1xf32> to vector<10000x1xf32>
    %add3A_37 = arith.addf %slice3A, %add3A_36 : vector<10000x1xf32>
    %logistic3A = arith.negf %add3A_37 : vector<10000x1xf32>
    %logistic3A_38 = math.exp %logistic3A : vector<10000x1xf32>
    %logistic3A_39 = arith.constant 1.000000e+00 : f32
    %logistic3A_40 = vector.broadcast %logistic3A_39 : f32 to vector<10000x1xf32>
    %logistic3A_41 = arith.addf %logistic3A_40, %logistic3A_38 : vector<10000x1xf32>
    %logistic3A_42 = arith.divf %logistic3A_40, %logistic3A_41 : vector<10000x1xf32>
    %mul3A_43 = vector.broadcast %logistic3A_42 : vector<10000x1xf32> to vector<10000x64xf32>
    %mul3A_44 = arith.mulf %add3A_28, %mul3A_43 : vector<10000x64xf32>
    %reduce_sum3A = arith.constant dense<0.000000e+00> : vector<64xf32>
    %reduce_sum3A_45 = vector.multi_reduction <add>, %mul3A_44, %reduce_sum3A [0] : vector<10000x64xf32> to vector<64xf32>
    %broadcast_in_dim3A = vector.shape_cast %reduce_sum3A_45 : vector<64xf32> to vector<1x64xf32>
    %reduce_max3A = arith.constant dense<0xFF800000> : vector<64xf32>
    %reduce_max3A_46 = vector.multi_reduction <maximumf>, %add3A_28, %reduce_max3A [0] : vector<10000x64xf32> to vector<64xf32>
    %broadcast_in_dim3A_47 = vector.shape_cast %reduce_max3A_46 : vector<64xf32> to vector<1x64xf32>
    %concatenate3A = tpu.concatenate %broadcast_in_dim3A, %broadcast_in_dim3A_47 in 1 : vector<1x64xf32>, vector<1x64xf32> -> vector<1x128xf32>
    %get3A_48 = arith.constant 0 : index
    %get3A_49 = arith.constant 0 : index
    %get3A_50 = vector.load %arg8[%get3A_48, %get3A_49] : memref<1x128xf32, #tpu.memory_space<vmem>>, vector<1x128xf32>
    %slice3A_51 = vector.extract_strided_slice %concatenate3A {offsets = [0, 0], sizes = [1, 1], strides = [1, 1]} : vector<1x128xf32> to vector<1x1xf32>
    %squeeze3A = vector.extract %slice3A_51[0, 0] : f32 from vector<1x1xf32>
    %get3A_52 = arith.constant 0 : index
    %get3A_53 = arith.constant 0 : index
    %get3A_54 = vector.load %arg7[%get3A_52, %get3A_53] : memref<128x128xf32, #tpu.memory_space<vmem>>, vector<1x128xf32>
    %mul3A_55 = vector.broadcast %squeeze3A : f32 to vector<1x128xf32>
    %mul3A_56 = arith.mulf %mul3A_55, %get3A_54 : vector<1x128xf32>
    %add3A_57 = arith.addf %get3A_50, %mul3A_56 : vector<1x128xf32>
    %slice3A_58 = vector.extract_strided_slice %concatenate3A {offsets = [0, 1], sizes = [1, 1], strides = [1, 1]} : vector<1x128xf32> to vector<1x1xf32>
    %squeeze3A_59 = vector.extract %slice3A_58[0, 0] : f32 from vector<1x1xf32>
    %get3A_60 = arith.constant 1 : index
    %get3A_61 = arith.constant 0 : index
    %get3A_62 = vector.load %arg7[%get3A_60, %get3A_61] : memref<128x128xf32, #tpu.memory_space<vmem>>, vector<1x128xf32>
    %mul3A_63 = vector.broadcast %squeeze3A_59 : f32 to vector<1x128xf32>
    %mul3A_64 = arith.mulf %mul3A_63, %get3A_62 : vector<1x128xf32>
    %add3A_65 = arith.addf %add3A_57, %mul3A_64 : vector<1x128xf32>
    %slice3A_66 = vector.extract_strided_slice %concatenate3A {offsets = [0, 2], sizes = [1, 1], strides = [1, 1]} : vector<1x128xf32> to vector<1x1xf32>
    %squeeze3A_67 = vector.extract %slice3A_66[0, 0] : f32 from vector<1x1xf32>
    %get3A_68 = arith.constant 2 : index
    %get3A_69 = arith.constant 0 : index
    %get3A_70 = vector.load %arg7[%get3A_68, %get3A_69] : memref<128x128xf32, #tpu.memory_space<vmem>>, vector<1x128xf32>
    %mul3A_71 = vector.broadcast %squeeze3A_67 : f32 to vector<1x128xf32>
    %mul3A_72 = arith.mulf %mul3A_71, %get3A_70 : vector<1x128xf32>
    %add3A_73 = arith.addf %add3A_65, %mul3A_72 : vector<1x128xf32>
    %slice3A_74 = vector.extract_strided_slice %concatenate3A {offsets = [0, 3], sizes = [1, 1], strides = [1, 1]} : vector<1x128xf32> to vector<1x1xf32>
    %squeeze3A_75 = vector.extract %slice3A_74[0, 0] : f32 from vector<1x1xf32>
    %get3A_76 = arith.constant 3 : index
    %get3A_77 = arith.constant 0 : index
    %get3A_78 = vector.load %arg7[%get3A_76, %get3A_77] : memref<128x128xf32, #tpu.memory_space<vmem>>, vector<1x128xf32>
    %mul3A_79 = vector.broadcast %squeeze3A_75 : f32 to vector<1x128xf32>
    %mul3A_80 = arith.mulf %mul3A_79, %get3A_78 : vector<1x128xf32>
    %add3A_81 = arith.addf %add3A_73, %mul3A_80 : vector<1x128xf32>
    %slice3A_82 = vector.extract_strided_slice %concatenate3A {offsets = [0, 4], sizes = [1, 1], strides = [1, 1]} : vector<1x128xf32> to vector<1x1xf32>
    %squeeze3A_83 = vector.extract %slice3A_82[0, 0] : f32 from vector<1x1xf32>
    %get3A_84 = arith.constant 4 : index
    %get3A_85 = arith.constant 0 : index
    %get3A_86 = vector.load %arg7[%get3A_84, %get3A_85] : memref<128x128xf32, #tpu.memory_space<vmem>>, vector<1x128xf32>
    %mul3A_87 = vector.broadcast %squeeze3A_83 : f32 to vector<1x128xf32>
    %mul3A_88 = arith.mulf %mul3A_87, %get3A_86 : vector<1x128xf32>
    %add3A_89 = arith.addf %add3A_81, %mul3A_88 : vector<1x128xf32>
    %slice3A_90 = vector.extract_strided_slice %concatenate3A {offsets = [0, 5], sizes = [1, 1], strides = [1, 1]} : vector<1x128xf32> to vector<1x1xf32>
    %squeeze3A_91 = vector.extract %slice3A_90[0, 0] : f32 from vector<1x1xf32>
    %get3A_92 = arith.constant 5 : index
    %get3A_93 = arith.constant 0 : index
    %get3A_94 = vector.load %arg7[%get3A_92, %get3A_93] : memref<128x128xf32, #tpu.memory_space<vmem>>, vector<1x128xf32>
    %mul3A_95 = vector.broadcast %squeeze3A_91 : f32 to vector<1x128xf32>
    %mul3A_96 = arith.mulf %mul3A_95, %get3A_94 : vector<1x128xf32>
    %add3A_97 = arith.addf %add3A_89, %mul3A_96 : vector<1x128xf32>
    %slice3A_98 = vector.extract_strided_slice %concatenate3A {offsets = [0, 6], sizes = [1, 1], strides = [1, 1]} : vector<1x128xf32> to vector<1x1xf32>
    %squeeze3A_99 = vector.extract %slice3A_98[0, 0] : f32 from vector<1x1xf32>
    %get3A_100 = arith.constant 6 : index
    %get3A_101 = arith.constant 0 : index
    %get3A_102 = vector.load %arg7[%get3A_100, %get3A_101] : memref<128x128xf32, #tpu.memory_space<vmem>>, vector<1x128xf32>
    %mul3A_103 = vector.broadcast %squeeze3A_99 : f32 to vector<1x128xf32>
    %mul3A_104 = arith.mulf %mul3A_103, %get3A_102 : vector<1x128xf32>
    %add3A_105 = arith.addf %add3A_97, %mul3A_104 : vector<1x128xf32>
    %slice3A_106 = vector.extract_strided_slice %concatenate3A {offsets = [0, 7], sizes = [1, 1], strides = [1, 1]} : vector<1x128xf32> to vector<1x1xf32>
    %squeeze3A_107 = vector.extract %slice3A_106[0, 0] : f32 from vector<1x1xf32>
    %get3A_108 = arith.constant 7 : index
    %get3A_109 = arith.constant 0 : index
    %get3A_110 = vector.load %arg7[%get3A_108, %get3A_109] : memref<128x128xf32, #tpu.memory_space<vmem>>, vector<1x128xf32>
    %mul3A_111 = vector.broadcast %squeeze3A_107 : f32 to vector<1x128xf32>
    %mul3A_112 = arith.mulf %mul3A_111, %get3A_110 : vector<1x128xf32>
    %add3A_113 = arith.addf %add3A_105, %mul3A_112 : vector<1x128xf32>
    %slice3A_114 = vector.extract_strided_slice %concatenate3A {offsets = [0, 8], sizes = [1, 1], strides = [1, 1]} : vector<1x128xf32> to vector<1x1xf32>
    %squeeze3A_115 = vector.extract %slice3A_114[0, 0] : f32 from vector<1x1xf32>
    %get3A_116 = arith.constant 8 : index
    %get3A_117 = arith.constant 0 : index
    %get3A_118 = vector.load %arg7[%get3A_116, %get3A_117] : memref<128x128xf32, #tpu.memory_space<vmem>>, vector<1x128xf32>
    %mul3A_119 = vector.broadcast %squeeze3A_115 : f32 to vector<1x128xf32>
    %mul3A_120 = arith.mulf %mul3A_119, %get3A_118 : vector<1x128xf32>
    %add3A_121 = arith.addf %add3A_113, %mul3A_120 : vector<1x128xf32>
    %slice3A_122 = vector.extract_strided_slice %concatenate3A {offsets = [0, 9], sizes = [1, 1], strides = [1, 1]} : vector<1x128xf32> to vector<1x1xf32>
    %squeeze3A_123 = vector.extract %slice3A_122[0, 0] : f32 from vector<1x1xf32>
    %get3A_124 = arith.constant 9 : index
    %get3A_125 = arith.constant 0 : index
    %get3A_126 = vector.load %arg7[%get3A_124, %get3A_125] : memref<128x128xf32, #tpu.memory_space<vmem>>, vector<1x128xf32>
    %mul3A_127 = vector.broadcast %squeeze3A_123 : f32 to vector<1x128xf32>
    %mul3A_128 = arith.mulf %mul3A_127, %get3A_126 : vector<1x128xf32>
    %add3A_129 = arith.addf %add3A_121, %mul3A_128 : vector<1x128xf32>
    %slice3A_130 = vector.extract_strided_slice %concatenate3A {offsets = [0, 10], sizes = [1, 1], strides = [1, 1]} : vector<1x128xf32> to vector<1x1xf32>
    %squeeze3A_131 = vector.extract %slice3A_130[0, 0] : f32 from vector<1x1xf32>
    %get3A_132 = arith.constant 10 : index
    %get3A_133 = arith.constant 0 : index
    %get3A_134 = vector.load %arg7[%get3A_132, %get3A_133] : memref<128x128xf32, #tpu.memory_space<vmem>>, vector<1x128xf32>
    %mul3A_135 = vector.broadcast %squeeze3A_131 : f32 to vector<1x128xf32>
    %mul3A_136 = arith.mulf %mul3A_135, %get3A_134 : vector<1x128xf32>
    %add3A_137 = arith.addf %add3A_129, %mul3A_136 : vector<1x128xf32>
    %slice3A_138 = vector.extract_strided_slice %concatenate3A {offsets = [0, 11], sizes = [1, 1], strides = [1, 1]} : vector<1x128xf32> to vector<1x1xf32>
    %squeeze3A_139 = vector.extract %slice3A_138[0, 0] : f32 from vector<1x1xf32>
    %get3A_140 = arith.constant 11 : index
    %get3A_141 = arith.constant 0 : index
    %get3A_142 = vector.load %arg7[%get3A_140, %get3A_141] : memref<128x128xf32, #tpu.memory_space<vmem>>, vector<1x128xf32>
    %mul3A_143 = vector.broadcast %squeeze3A_139 : f32 to vector<1x128xf32>
    %mul3A_144 = arith.mulf %mul3A_143, %get3A_142 : vector<1x128xf32>
    %add3A_145 = arith.addf %add3A_137, %mul3A_144 : vector<1x128xf32>
    %slice3A_146 = vector.extract_strided_slice %concatenate3A {offsets = [0, 12], sizes = [1, 1], strides = [1, 1]} : vector<1x128xf32> to vector<1x1xf32>
    %squeeze3A_147 = vector.extract %slice3A_146[0, 0] : f32 from vector<1x1xf32>
    %get3A_148 = arith.constant 12 : index
    %get3A_149 = arith.constant 0 : index
    %get3A_150 = vector.load %arg7[%get3A_148, %get3A_149] : memref<128x128xf32, #tpu.memory_space<vmem>>, vector<1x128xf32>
    %mul3A_151 = vector.broadcast %squeeze3A_147 : f32 to vector<1x128xf32>
    %mul3A_152 = arith.mulf %mul3A_151, %get3A_150 : vector<1x128xf32>
    %add3A_153 = arith.addf %add3A_145, %mul3A_152 : vector<1x128xf32>
    %slice3A_154 = vector.extract_strided_slice %concatenate3A {offsets = [0, 13], sizes = [1, 1], strides = [1, 1]} : vector<1x128xf32> to vector<1x1xf32>
    %squeeze3A_155 = vector.extract %slice3A_154[0, 0] : f32 from vector<1x1xf32>
    %get3A_156 = arith.constant 13 : index
    %get3A_157 = arith.constant 0 : index
    %get3A_158 = vector.load %arg7[%get3A_156, %get3A_157] : memref<128x128xf32, #tpu.memory_space<vmem>>, vector<1x128xf32>
    %mul3A_159 = vector.broadcast %squeeze3A_155 : f32 to vector<1x128xf32>
    %mul3A_160 = arith.mulf %mul3A_159, %get3A_158 : vector<1x128xf32>
    %add3A_161 = arith.addf %add3A_153, %mul3A_160 : vector<1x128xf32>
    %slice3A_162 = vector.extract_strided_slice %concatenate3A {offsets = [0, 14], sizes = [1, 1], strides = [1, 1]} : vector<1x128xf32> to vector<1x1xf32>
    %squeeze3A_163 = vector.extract %slice3A_162[0, 0] : f32 from vector<1x1xf32>
    %get3A_164 = arith.constant 14 : index
    %get3A_165 = arith.constant 0 : index
    %get3A_166 = vector.load %arg7[%get3A_164, %get3A_165] : memref<128x128xf32, #tpu.memory_space<vmem>>, vector<1x128xf32>
    %mul3A_167 = vector.broadcast %squeeze3A_163 : f32 to vector<1x128xf32>
    %mul3A_168 = arith.mulf %mul3A_167, %get3A_166 : vector<1x128xf32>
    %add3A_169 = arith.addf %add3A_161, %mul3A_168 : vector<1x128xf32>
    %slice3A_170 = vector.extract_strided_slice %concatenate3A {offsets = [0, 15], sizes = [1, 1], strides = [1, 1]} : vector<1x128xf32> to vector<1x1xf32>
    %squeeze3A_171 = vector.extract %slice3A_170[0, 0] : f32 from vector<1x1xf32>
    %get3A_172 = arith.constant 15 : index
    %get3A_173 = arith.constant 0 : index
    %get3A_174 = vector.load %arg7[%get3A_172, %get3A_173] : memref<128x128xf32, #tpu.memory_space<vmem>>, vector<1x128xf32>
    %mul3A_175 = vector.broadcast %squeeze3A_171 : f32 to vector<1x128xf32>
    %mul3A_176 = arith.mulf %mul3A_175, %get3A_174 : vector<1x128xf32>
    %add3A_177 = arith.addf %add3A_169, %mul3A_176 : vector<1x128xf32>
    %slice3A_178 = vector.extract_strided_slice %concatenate3A {offsets = [0, 16], sizes = [1, 1], strides = [1, 1]} : vector<1x128xf32> to vector<1x1xf32>
    %squeeze3A_179 = vector.extract %slice3A_178[0, 0] : f32 from vector<1x1xf32>
    %get3A_180 = arith.constant 16 : index
    %get3A_181 = arith.constant 0 : index
    %get3A_182 = vector.load %arg7[%get3A_180, %get3A_181] : memref<128x128xf32, #tpu.memory_space<vmem>>, vector<1x128xf32>
    %mul3A_183 = vector.broadcast %squeeze3A_179 : f32 to vector<1x128xf32>
    %mul3A_184 = arith.mulf %mul3A_183, %get3A_182 : vector<1x128xf32>
    %add3A_185 = arith.addf %add3A_177, %mul3A_184 : vector<1x128xf32>
    %slice3A_186 = vector.extract_strided_slice %concatenate3A {offsets = [0, 17], sizes = [1, 1], strides = [1, 1]} : vector<1x128xf32> to vector<1x1xf32>
    %squeeze3A_187 = vector.extract %slice3A_186[0, 0] : f32 from vector<1x1xf32>
    %get3A_188 = arith.constant 17 : index
    %get3A_189 = arith.constant 0 : index
    %get3A_190 = vector.load %arg7[%get3A_188, %get3A_189] : memref<128x128xf32, #tpu.memory_space<vmem>>, vector<1x128xf32>
    %mul3A_191 = vector.broadcast %squeeze3A_187 : f32 to vector<1x128xf32>
    %mul3A_192 = arith.mulf %mul3A_191, %get3A_190 : vector<1x128xf32>
    %add3A_193 = arith.addf %add3A_185, %mul3A_192 : vector<1x128xf32>
    %slice3A_194 = vector.extract_strided_slice %concatenate3A {offsets = [0, 18], sizes = [1, 1], strides = [1, 1]} : vector<1x128xf32> to vector<1x1xf32>
    %squeeze3A_195 = vector.extract %slice3A_194[0, 0] : f32 from vector<1x1xf32>
    %get3A_196 = arith.constant 18 : index
    %get3A_197 = arith.constant 0 : index
    %get3A_198 = vector.load %arg7[%get3A_196, %get3A_197] : memref<128x128xf32, #tpu.memory_space<vmem>>, vector<1x128xf32>
    %mul3A_199 = vector.broadcast %squeeze3A_195 : f32 to vector<1x128xf32>
    %mul3A_200 = arith.mulf %mul3A_199, %get3A_198 : vector<1x128xf32>
    %add3A_201 = arith.addf %add3A_193, %mul3A_200 : vector<1x128xf32>
    %slice3A_202 = vector.extract_strided_slice %concatenate3A {offsets = [0, 19], sizes = [1, 1], strides = [1, 1]} : vector<1x128xf32> to vector<1x1xf32>
    %squeeze3A_203 = vector.extract %slice3A_202[0, 0] : f32 from vector<1x1xf32>
    %get3A_204 = arith.constant 19 : index
    %get3A_205 = arith.constant 0 : index
    %get3A_206 = vector.load %arg7[%get3A_204, %get3A_205] : memref<128x128xf32, #tpu.memory_space<vmem>>, vector<1x128xf32>
    %mul3A_207 = vector.broadcast %squeeze3A_203 : f32 to vector<1x128xf32>
    %mul3A_208 = arith.mulf %mul3A_207, %get3A_206 : vector<1x128xf32>
    %add3A_209 = arith.addf %add3A_201, %mul3A_208 : vector<1x128xf32>
    %slice3A_210 = vector.extract_strided_slice %concatenate3A {offsets = [0, 20], sizes = [1, 1], strides = [1, 1]} : vector<1x128xf32> to vector<1x1xf32>
    %squeeze3A_211 = vector.extract %slice3A_210[0, 0] : f32 from vector<1x1xf32>
    %get3A_212 = arith.constant 20 : index
    %get3A_213 = arith.constant 0 : index
    %get3A_214 = vector.load %arg7[%get3A_212, %get3A_213] : memref<128x128xf32, #tpu.memory_space<vmem>>, vector<1x128xf32>
    %mul3A_215 = vector.broadcast %squeeze3A_211 : f32 to vector<1x128xf32>
    %mul3A_216 = arith.mulf %mul3A_215, %get3A_214 : vector<1x128xf32>
    %add3A_217 = arith.addf %add3A_209, %mul3A_216 : vector<1x128xf32>
    %slice3A_218 = vector.extract_strided_slice %concatenate3A {offsets = [0, 21], sizes = [1, 1], strides = [1, 1]} : vector<1x128xf32> to vector<1x1xf32>
    %squeeze3A_219 = vector.extract %slice3A_218[0, 0] : f32 from vector<1x1xf32>
    %get3A_220 = arith.constant 21 : index
    %get3A_221 = arith.constant 0 : index
    %get3A_222 = vector.load %arg7[%get3A_220, %get3A_221] : memref<128x128xf32, #tpu.memory_space<vmem>>, vector<1x128xf32>
    %mul3A_223 = vector.broadcast %squeeze3A_219 : f32 to vector<1x128xf32>
    %mul3A_224 = arith.mulf %mul3A_223, %get3A_222 : vector<1x128xf32>
    %add3A_225 = arith.addf %add3A_217, %mul3A_224 : vector<1x128xf32>
    %slice3A_226 = vector.extract_strided_slice %concatenate3A {offsets = [0, 22], sizes = [1, 1], strides = [1, 1]} : vector<1x128xf32> to vector<1x1xf32>
    %squeeze3A_227 = vector.extract %slice3A_226[0, 0] : f32 from vector<1x1xf32>
    %get3A_228 = arith.constant 22 : index
    %get3A_229 = arith.constant 0 : index
    %get3A_230 = vector.load %arg7[%get3A_228, %get3A_229] : memref<128x128xf32, #tpu.memory_space<vmem>>, vector<1x128xf32>
    %mul3A_231 = vector.broadcast %squeeze3A_227 : f32 to vector<1x128xf32>
    %mul3A_232 = arith.mulf %mul3A_231, %get3A_230 : vector<1x128xf32>
    %add3A_233 = arith.addf %add3A_225, %mul3A_232 : vector<1x128xf32>
    %slice3A_234 = vector.extract_strided_slice %concatenate3A {offsets = [0, 23], sizes = [1, 1], strides = [1, 1]} : vector<1x128xf32> to vector<1x1xf32>
    %squeeze3A_235 = vector.extract %slice3A_234[0, 0] : f32 from vector<1x1xf32>
    %get3A_236 = arith.constant 23 : index
    %get3A_237 = arith.constant 0 : index
    %get3A_238 = vector.load %arg7[%get3A_236, %get3A_237] : memref<128x128xf32, #tpu.memory_space<vmem>>, vector<1x128xf32>
    %mul3A_239 = vector.broadcast %squeeze3A_235 : f32 to vector<1x128xf32>
    %mul3A_240 = arith.mulf %mul3A_239, %get3A_238 : vector<1x128xf32>
    %add3A_241 = arith.addf %add3A_233, %mul3A_240 : vector<1x128xf32>
    %slice3A_242 = vector.extract_strided_slice %concatenate3A {offsets = [0, 24], sizes = [1, 1], strides = [1, 1]} : vector<1x128xf32> to vector<1x1xf32>
    %squeeze3A_243 = vector.extract %slice3A_242[0, 0] : f32 from vector<1x1xf32>
    %get3A_244 = arith.constant 24 : index
    %get3A_245 = arith.constant 0 : index
    %get3A_246 = vector.load %arg7[%get3A_244, %get3A_245] : memref<128x128xf32, #tpu.memory_space<vmem>>, vector<1x128xf32>
    %mul3A_247 = vector.broadcast %squeeze3A_243 : f32 to vector<1x128xf32>
    %mul3A_248 = arith.mulf %mul3A_247, %get3A_246 : vector<1x128xf32>
    %add3A_249 = arith.addf %add3A_241, %mul3A_248 : vector<1x128xf32>
    %slice3A_250 = vector.extract_strided_slice %concatenate3A {offsets = [0, 25], sizes = [1, 1], strides = [1, 1]} : vector<1x128xf32> to vector<1x1xf32>
    %squeeze3A_251 = vector.extract %slice3A_250[0, 0] : f32 from vector<1x1xf32>
    %get3A_252 = arith.constant 25 : index
    %get3A_253 = arith.constant 0 : index
    %get3A_254 = vector.load %arg7[%get3A_252, %get3A_253] : memref<128x128xf32, #tpu.memory_space<vmem>>, vector<1x128xf32>
    %mul3A_255 = vector.broadcast %squeeze3A_251 : f32 to vector<1x128xf32>
    %mul3A_256 = arith.mulf %mul3A_255, %get3A_254 : vector<1x128xf32>
    %add3A_257 = arith.addf %add3A_249, %mul3A_256 : vector<1x128xf32>
    %slice3A_258 = vector.extract_strided_slice %concatenate3A {offsets = [0, 26], sizes = [1, 1], strides = [1, 1]} : vector<1x128xf32> to vector<1x1xf32>
    %squeeze3A_259 = vector.extract %slice3A_258[0, 0] : f32 from vector<1x1xf32>
    %get3A_260 = arith.constant 26 : index
    %get3A_261 = arith.constant 0 : index
    %get3A_262 = vector.load %arg7[%get3A_260, %get3A_261] : memref<128x128xf32, #tpu.memory_space<vmem>>, vector<1x128xf32>
    %mul3A_263 = vector.broadcast %squeeze3A_259 : f32 to vector<1x128xf32>
    %mul3A_264 = arith.mulf %mul3A_263, %get3A_262 : vector<1x128xf32>
    %add3A_265 = arith.addf %add3A_257, %mul3A_264 : vector<1x128xf32>
    %slice3A_266 = vector.extract_strided_slice %concatenate3A {offsets = [0, 27], sizes = [1, 1], strides = [1, 1]} : vector<1x128xf32> to vector<1x1xf32>
    %squeeze3A_267 = vector.extract %slice3A_266[0, 0] : f32 from vector<1x1xf32>
    %get3A_268 = arith.constant 27 : index
    %get3A_269 = arith.constant 0 : index
    %get3A_270 = vector.load %arg7[%get3A_268, %get3A_269] : memref<128x128xf32, #tpu.memory_space<vmem>>, vector<1x128xf32>
    %mul3A_271 = vector.broadcast %squeeze3A_267 : f32 to vector<1x128xf32>
    %mul3A_272 = arith.mulf %mul3A_271, %get3A_270 : vector<1x128xf32>
    %add3A_273 = arith.addf %add3A_265, %mul3A_272 : vector<1x128xf32>
    %slice3A_274 = vector.extract_strided_slice %concatenate3A {offsets = [0, 28], sizes = [1, 1], strides = [1, 1]} : vector<1x128xf32> to vector<1x1xf32>
    %squeeze3A_275 = vector.extract %slice3A_274[0, 0] : f32 from vector<1x1xf32>
    %get3A_276 = arith.constant 28 : index
    %get3A_277 = arith.constant 0 : index
    %get3A_278 = vector.load %arg7[%get3A_276, %get3A_277] : memref<128x128xf32, #tpu.memory_space<vmem>>, vector<1x128xf32>
    %mul3A_279 = vector.broadcast %squeeze3A_275 : f32 to vector<1x128xf32>
    %mul3A_280 = arith.mulf %mul3A_279, %get3A_278 : vector<1x128xf32>
    %add3A_281 = arith.addf %add3A_273, %mul3A_280 : vector<1x128xf32>
    %slice3A_282 = vector.extract_strided_slice %concatenate3A {offsets = [0, 29], sizes = [1, 1], strides = [1, 1]} : vector<1x128xf32> to vector<1x1xf32>
    %squeeze3A_283 = vector.extract %slice3A_282[0, 0] : f32 from vector<1x1xf32>
    %get3A_284 = arith.constant 29 : index
    %get3A_285 = arith.constant 0 : index
    %get3A_286 = vector.load %arg7[%get3A_284, %get3A_285] : memref<128x128xf32, #tpu.memory_space<vmem>>, vector<1x128xf32>
    %mul3A_287 = vector.broadcast %squeeze3A_283 : f32 to vector<1x128xf32>
    %mul3A_288 = arith.mulf %mul3A_287, %get3A_286 : vector<1x128xf32>
    %add3A_289 = arith.addf %add3A_281, %mul3A_288 : vector<1x128xf32>
    %slice3A_290 = vector.extract_strided_slice %concatenate3A {offsets = [0, 30], sizes = [1, 1], strides = [1, 1]} : vector<1x128xf32> to vector<1x1xf32>
    %squeeze3A_291 = vector.extract %slice3A_290[0, 0] : f32 from vector<1x1xf32>
    %get3A_292 = arith.constant 30 : index
    %get3A_293 = arith.constant 0 : index
    %get3A_294 = vector.load %arg7[%get3A_292, %get3A_293] : memref<128x128xf32, #tpu.memory_space<vmem>>, vector<1x128xf32>
    %mul3A_295 = vector.broadcast %squeeze3A_291 : f32 to vector<1x128xf32>
    %mul3A_296 = arith.mulf %mul3A_295, %get3A_294 : vector<1x128xf32>
    %add3A_297 = arith.addf %add3A_289, %mul3A_296 : vector<1x128xf32>
    %slice3A_298 = vector.extract_strided_slice %concatenate3A {offsets = [0, 31], sizes = [1, 1], strides = [1, 1]} : vector<1x128xf32> to vector<1x1xf32>
    %squeeze3A_299 = vector.extract %slice3A_298[0, 0] : f32 from vector<1x1xf32>
    %get3A_300 = arith.constant 31 : index
    %get3A_301 = arith.constant 0 : index
    %get3A_302 = vector.load %arg7[%get3A_300, %get3A_301] : memref<128x128xf32, #tpu.memory_space<vmem>>, vector<1x128xf32>
    %mul3A_303 = vector.broadcast %squeeze3A_299 : f32 to vector<1x128xf32>
    %mul3A_304 = arith.mulf %mul3A_303, %get3A_302 : vector<1x128xf32>
    %add3A_305 = arith.addf %add3A_297, %mul3A_304 : vector<1x128xf32>
    %slice3A_306 = vector.extract_strided_slice %concatenate3A {offsets = [0, 32], sizes = [1, 1], strides = [1, 1]} : vector<1x128xf32> to vector<1x1xf32>
    %squeeze3A_307 = vector.extract %slice3A_306[0, 0] : f32 from vector<1x1xf32>
    %get3A_308 = arith.constant 32 : index
    %get3A_309 = arith.constant 0 : index
    %get3A_310 = vector.load %arg7[%get3A_308, %get3A_309] : memref<128x128xf32, #tpu.memory_space<vmem>>, vector<1x128xf32>
    %mul3A_311 = vector.broadcast %squeeze3A_307 : f32 to vector<1x128xf32>
    %mul3A_312 = arith.mulf %mul3A_311, %get3A_310 : vector<1x128xf32>
    %add3A_313 = arith.addf %add3A_305, %mul3A_312 : vector<1x128xf32>
    %slice3A_314 = vector.extract_strided_slice %concatenate3A {offsets = [0, 33], sizes = [1, 1], strides = [1, 1]} : vector<1x128xf32> to vector<1x1xf32>
    %squeeze3A_315 = vector.extract %slice3A_314[0, 0] : f32 from vector<1x1xf32>
    %get3A_316 = arith.constant 33 : index
    %get3A_317 = arith.constant 0 : index
    %get3A_318 = vector.load %arg7[%get3A_316, %get3A_317] : memref<128x128xf32, #tpu.memory_space<vmem>>, vector<1x128xf32>
    %mul3A_319 = vector.broadcast %squeeze3A_315 : f32 to vector<1x128xf32>
    %mul3A_320 = arith.mulf %mul3A_319, %get3A_318 : vector<1x128xf32>
    %add3A_321 = arith.addf %add3A_313, %mul3A_320 : vector<1x128xf32>
    %slice3A_322 = vector.extract_strided_slice %concatenate3A {offsets = [0, 34], sizes = [1, 1], strides = [1, 1]} : vector<1x128xf32> to vector<1x1xf32>
    %squeeze3A_323 = vector.extract %slice3A_322[0, 0] : f32 from vector<1x1xf32>
    %get3A_324 = arith.constant 34 : index
    %get3A_325 = arith.constant 0 : index
    %get3A_326 = vector.load %arg7[%get3A_324, %get3A_325] : memref<128x128xf32, #tpu.memory_space<vmem>>, vector<1x128xf32>
    %mul3A_327 = vector.broadcast %squeeze3A_323 : f32 to vector<1x128xf32>
    %mul3A_328 = arith.mulf %mul3A_327, %get3A_326 : vector<1x128xf32>
    %add3A_329 = arith.addf %add3A_321, %mul3A_328 : vector<1x128xf32>
    %slice3A_330 = vector.extract_strided_slice %concatenate3A {offsets = [0, 35], sizes = [1, 1], strides = [1, 1]} : vector<1x128xf32> to vector<1x1xf32>
    %squeeze3A_331 = vector.extract %slice3A_330[0, 0] : f32 from vector<1x1xf32>
    %get3A_332 = arith.constant 35 : index
    %get3A_333 = arith.constant 0 : index
    %get3A_334 = vector.load %arg7[%get3A_332, %get3A_333] : memref<128x128xf32, #tpu.memory_space<vmem>>, vector<1x128xf32>
    %mul3A_335 = vector.broadcast %squeeze3A_331 : f32 to vector<1x128xf32>
    %mul3A_336 = arith.mulf %mul3A_335, %get3A_334 : vector<1x128xf32>
    %add3A_337 = arith.addf %add3A_329, %mul3A_336 : vector<1x128xf32>
    %slice3A_338 = vector.extract_strided_slice %concatenate3A {offsets = [0, 36], sizes = [1, 1], strides = [1, 1]} : vector<1x128xf32> to vector<1x1xf32>
    %squeeze3A_339 = vector.extract %slice3A_338[0, 0] : f32 from vector<1x1xf32>
    %get3A_340 = arith.constant 36 : index
    %get3A_341 = arith.constant 0 : index
    %get3A_342 = vector.load %arg7[%get3A_340, %get3A_341] : memref<128x128xf32, #tpu.memory_space<vmem>>, vector<1x128xf32>
    %mul3A_343 = vector.broadcast %squeeze3A_339 : f32 to vector<1x128xf32>
    %mul3A_344 = arith.mulf %mul3A_343, %get3A_342 : vector<1x128xf32>
    %add3A_345 = arith.addf %add3A_337, %mul3A_344 : vector<1x128xf32>
    %slice3A_346 = vector.extract_strided_slice %concatenate3A {offsets = [0, 37], sizes = [1, 1], strides = [1, 1]} : vector<1x128xf32> to vector<1x1xf32>
    %squeeze3A_347 = vector.extract %slice3A_346[0, 0] : f32 from vector<1x1xf32>
    %get3A_348 = arith.constant 37 : index
    %get3A_349 = arith.constant 0 : index
    %get3A_350 = vector.load %arg7[%get3A_348, %get3A_349] : memref<128x128xf32, #tpu.memory_space<vmem>>, vector<1x128xf32>
    %mul3A_351 = vector.broadcast %squeeze3A_347 : f32 to vector<1x128xf32>
    %mul3A_352 = arith.mulf %mul3A_351, %get3A_350 : vector<1x128xf32>
    %add3A_353 = arith.addf %add3A_345, %mul3A_352 : vector<1x128xf32>
    %slice3A_354 = vector.extract_strided_slice %concatenate3A {offsets = [0, 38], sizes = [1, 1], strides = [1, 1]} : vector<1x128xf32> to vector<1x1xf32>
    %squeeze3A_355 = vector.extract %slice3A_354[0, 0] : f32 from vector<1x1xf32>
    %get3A_356 = arith.constant 38 : index
    %get3A_357 = arith.constant 0 : index
    %get3A_358 = vector.load %arg7[%get3A_356, %get3A_357] : memref<128x128xf32, #tpu.memory_space<vmem>>, vector<1x128xf32>
    %mul3A_359 = vector.broadcast %squeeze3A_355 : f32 to vector<1x128xf32>
    %mul3A_360 = arith.mulf %mul3A_359, %get3A_358 : vector<1x128xf32>
    %add3A_361 = arith.addf %add3A_353, %mul3A_360 : vector<1x128xf32>
    %slice3A_362 = vector.extract_strided_slice %concatenate3A {offsets = [0, 39], sizes = [1, 1], strides = [1, 1]} : vector<1x128xf32> to vector<1x1xf32>
    %squeeze3A_363 = vector.extract %slice3A_362[0, 0] : f32 from vector<1x1xf32>
    %get3A_364 = arith.constant 39 : index
    %get3A_365 = arith.constant 0 : index
    %get3A_366 = vector.load %arg7[%get3A_364, %get3A_365] : memref<128x128xf32, #tpu.memory_space<vmem>>, vector<1x128xf32>
    %mul3A_367 = vector.broadcast %squeeze3A_363 : f32 to vector<1x128xf32>
    %mul3A_368 = arith.mulf %mul3A_367, %get3A_366 : vector<1x128xf32>
    %add3A_369 = arith.addf %add3A_361, %mul3A_368 : vector<1x128xf32>
    %slice3A_370 = vector.extract_strided_slice %concatenate3A {offsets = [0, 40], sizes = [1, 1], strides = [1, 1]} : vector<1x128xf32> to vector<1x1xf32>
    %squeeze3A_371 = vector.extract %slice3A_370[0, 0] : f32 from vector<1x1xf32>
    %get3A_372 = arith.constant 40 : index
    %get3A_373 = arith.constant 0 : index
    %get3A_374 = vector.load %arg7[%get3A_372, %get3A_373] : memref<128x128xf32, #tpu.memory_space<vmem>>, vector<1x128xf32>
    %mul3A_375 = vector.broadcast %squeeze3A_371 : f32 to vector<1x128xf32>
    %mul3A_376 = arith.mulf %mul3A_375, %get3A_374 : vector<1x128xf32>
    %add3A_377 = arith.addf %add3A_369, %mul3A_376 : vector<1x128xf32>
    %slice3A_378 = vector.extract_strided_slice %concatenate3A {offsets = [0, 41], sizes = [1, 1], strides = [1, 1]} : vector<1x128xf32> to vector<1x1xf32>
    %squeeze3A_379 = vector.extract %slice3A_378[0, 0] : f32 from vector<1x1xf32>
    %get3A_380 = arith.constant 41 : index
    %get3A_381 = arith.constant 0 : index
    %get3A_382 = vector.load %arg7[%get3A_380, %get3A_381] : memref<128x128xf32, #tpu.memory_space<vmem>>, vector<1x128xf32>
    %mul3A_383 = vector.broadcast %squeeze3A_379 : f32 to vector<1x128xf32>
    %mul3A_384 = arith.mulf %mul3A_383, %get3A_382 : vector<1x128xf32>
    %add3A_385 = arith.addf %add3A_377, %mul3A_384 : vector<1x128xf32>
    %slice3A_386 = vector.extract_strided_slice %concatenate3A {offsets = [0, 42], sizes = [1, 1], strides = [1, 1]} : vector<1x128xf32> to vector<1x1xf32>
    %squeeze3A_387 = vector.extract %slice3A_386[0, 0] : f32 from vector<1x1xf32>
    %get3A_388 = arith.constant 42 : index
    %get3A_389 = arith.constant 0 : index
    %get3A_390 = vector.load %arg7[%get3A_388, %get3A_389] : memref<128x128xf32, #tpu.memory_space<vmem>>, vector<1x128xf32>
    %mul3A_391 = vector.broadcast %squeeze3A_387 : f32 to vector<1x128xf32>
    %mul3A_392 = arith.mulf %mul3A_391, %get3A_390 : vector<1x128xf32>
    %add3A_393 = arith.addf %add3A_385, %mul3A_392 : vector<1x128xf32>
    %slice3A_394 = vector.extract_strided_slice %concatenate3A {offsets = [0, 43], sizes = [1, 1], strides = [1, 1]} : vector<1x128xf32> to vector<1x1xf32>
    %squeeze3A_395 = vector.extract %slice3A_394[0, 0] : f32 from vector<1x1xf32>
    %get3A_396 = arith.constant 43 : index
    %get3A_397 = arith.constant 0 : index
    %get3A_398 = vector.load %arg7[%get3A_396, %get3A_397] : memref<128x128xf32, #tpu.memory_space<vmem>>, vector<1x128xf32>
    %mul3A_399 = vector.broadcast %squeeze3A_395 : f32 to vector<1x128xf32>
    %mul3A_400 = arith.mulf %mul3A_399, %get3A_398 : vector<1x128xf32>
    %add3A_401 = arith.addf %add3A_393, %mul3A_400 : vector<1x128xf32>
    %slice3A_402 = vector.extract_strided_slice %concatenate3A {offsets = [0, 44], sizes = [1, 1], strides = [1, 1]} : vector<1x128xf32> to vector<1x1xf32>
    %squeeze3A_403 = vector.extract %slice3A_402[0, 0] : f32 from vector<1x1xf32>
    %get3A_404 = arith.constant 44 : index
    %get3A_405 = arith.constant 0 : index
    %get3A_406 = vector.load %arg7[%get3A_404, %get3A_405] : memref<128x128xf32, #tpu.memory_space<vmem>>, vector<1x128xf32>
    %mul3A_407 = vector.broadcast %squeeze3A_403 : f32 to vector<1x128xf32>
    %mul3A_408 = arith.mulf %mul3A_407, %get3A_406 : vector<1x128xf32>
    %add3A_409 = arith.addf %add3A_401, %mul3A_408 : vector<1x128xf32>
    %slice3A_410 = vector.extract_strided_slice %concatenate3A {offsets = [0, 45], sizes = [1, 1], strides = [1, 1]} : vector<1x128xf32> to vector<1x1xf32>
    %squeeze3A_411 = vector.extract %slice3A_410[0, 0] : f32 from vector<1x1xf32>
    %get3A_412 = arith.constant 45 : index
    %get3A_413 = arith.constant 0 : index
    %get3A_414 = vector.load %arg7[%get3A_412, %get3A_413] : memref<128x128xf32, #tpu.memory_space<vmem>>, vector<1x128xf32>
    %mul3A_415 = vector.broadcast %squeeze3A_411 : f32 to vector<1x128xf32>
    %mul3A_416 = arith.mulf %mul3A_415, %get3A_414 : vector<1x128xf32>
    %add3A_417 = arith.addf %add3A_409, %mul3A_416 : vector<1x128xf32>
    %slice3A_418 = vector.extract_strided_slice %concatenate3A {offsets = [0, 46], sizes = [1, 1], strides = [1, 1]} : vector<1x128xf32> to vector<1x1xf32>
    %squeeze3A_419 = vector.extract %slice3A_418[0, 0] : f32 from vector<1x1xf32>
    %get3A_420 = arith.constant 46 : index
    %get3A_421 = arith.constant 0 : index
    %get3A_422 = vector.load %arg7[%get3A_420, %get3A_421] : memref<128x128xf32, #tpu.memory_space<vmem>>, vector<1x128xf32>
    %mul3A_423 = vector.broadcast %squeeze3A_419 : f32 to vector<1x128xf32>
    %mul3A_424 = arith.mulf %mul3A_423, %get3A_422 : vector<1x128xf32>
    %add3A_425 = arith.addf %add3A_417, %mul3A_424 : vector<1x128xf32>
    %slice3A_426 = vector.extract_strided_slice %concatenate3A {offsets = [0, 47], sizes = [1, 1], strides = [1, 1]} : vector<1x128xf32> to vector<1x1xf32>
    %squeeze3A_427 = vector.extract %slice3A_426[0, 0] : f32 from vector<1x1xf32>
    %get3A_428 = arith.constant 47 : index
    %get3A_429 = arith.constant 0 : index
    %get3A_430 = vector.load %arg7[%get3A_428, %get3A_429] : memref<128x128xf32, #tpu.memory_space<vmem>>, vector<1x128xf32>
    %mul3A_431 = vector.broadcast %squeeze3A_427 : f32 to vector<1x128xf32>
    %mul3A_432 = arith.mulf %mul3A_431, %get3A_430 : vector<1x128xf32>
    %add3A_433 = arith.addf %add3A_425, %mul3A_432 : vector<1x128xf32>
    %slice3A_434 = vector.extract_strided_slice %concatenate3A {offsets = [0, 48], sizes = [1, 1], strides = [1, 1]} : vector<1x128xf32> to vector<1x1xf32>
    %squeeze3A_435 = vector.extract %slice3A_434[0, 0] : f32 from vector<1x1xf32>
    %get3A_436 = arith.constant 48 : index
    %get3A_437 = arith.constant 0 : index
    %get3A_438 = vector.load %arg7[%get3A_436, %get3A_437] : memref<128x128xf32, #tpu.memory_space<vmem>>, vector<1x128xf32>
    %mul3A_439 = vector.broadcast %squeeze3A_435 : f32 to vector<1x128xf32>
    %mul3A_440 = arith.mulf %mul3A_439, %get3A_438 : vector<1x128xf32>
    %add3A_441 = arith.addf %add3A_433, %mul3A_440 : vector<1x128xf32>
    %slice3A_442 = vector.extract_strided_slice %concatenate3A {offsets = [0, 49], sizes = [1, 1], strides = [1, 1]} : vector<1x128xf32> to vector<1x1xf32>
    %squeeze3A_443 = vector.extract %slice3A_442[0, 0] : f32 from vector<1x1xf32>
    %get3A_444 = arith.constant 49 : index
    %get3A_445 = arith.constant 0 : index
    %get3A_446 = vector.load %arg7[%get3A_444, %get3A_445] : memref<128x128xf32, #tpu.memory_space<vmem>>, vector<1x128xf32>
    %mul3A_447 = vector.broadcast %squeeze3A_443 : f32 to vector<1x128xf32>
    %mul3A_448 = arith.mulf %mul3A_447, %get3A_446 : vector<1x128xf32>
    %add3A_449 = arith.addf %add3A_441, %mul3A_448 : vector<1x128xf32>
    %slice3A_450 = vector.extract_strided_slice %concatenate3A {offsets = [0, 50], sizes = [1, 1], strides = [1, 1]} : vector<1x128xf32> to vector<1x1xf32>
    %squeeze3A_451 = vector.extract %slice3A_450[0, 0] : f32 from vector<1x1xf32>
    %get3A_452 = arith.constant 50 : index
    %get3A_453 = arith.constant 0 : index
    %get3A_454 = vector.load %arg7[%get3A_452, %get3A_453] : memref<128x128xf32, #tpu.memory_space<vmem>>, vector<1x128xf32>
    %mul3A_455 = vector.broadcast %squeeze3A_451 : f32 to vector<1x128xf32>
    %mul3A_456 = arith.mulf %mul3A_455, %get3A_454 : vector<1x128xf32>
    %add3A_457 = arith.addf %add3A_449, %mul3A_456 : vector<1x128xf32>
    %slice3A_458 = vector.extract_strided_slice %concatenate3A {offsets = [0, 51], sizes = [1, 1], strides = [1, 1]} : vector<1x128xf32> to vector<1x1xf32>
    %squeeze3A_459 = vector.extract %slice3A_458[0, 0] : f32 from vector<1x1xf32>
    %get3A_460 = arith.constant 51 : index
    %get3A_461 = arith.constant 0 : index
    %get3A_462 = vector.load %arg7[%get3A_460, %get3A_461] : memref<128x128xf32, #tpu.memory_space<vmem>>, vector<1x128xf32>
    %mul3A_463 = vector.broadcast %squeeze3A_459 : f32 to vector<1x128xf32>
    %mul3A_464 = arith.mulf %mul3A_463, %get3A_462 : vector<1x128xf32>
    %add3A_465 = arith.addf %add3A_457, %mul3A_464 : vector<1x128xf32>
    %slice3A_466 = vector.extract_strided_slice %concatenate3A {offsets = [0, 52], sizes = [1, 1], strides = [1, 1]} : vector<1x128xf32> to vector<1x1xf32>
    %squeeze3A_467 = vector.extract %slice3A_466[0, 0] : f32 from vector<1x1xf32>
    %get3A_468 = arith.constant 52 : index
    %get3A_469 = arith.constant 0 : index
    %get3A_470 = vector.load %arg7[%get3A_468, %get3A_469] : memref<128x128xf32, #tpu.memory_space<vmem>>, vector<1x128xf32>
    %mul3A_471 = vector.broadcast %squeeze3A_467 : f32 to vector<1x128xf32>
    %mul3A_472 = arith.mulf %mul3A_471, %get3A_470 : vector<1x128xf32>
    %add3A_473 = arith.addf %add3A_465, %mul3A_472 : vector<1x128xf32>
    %slice3A_474 = vector.extract_strided_slice %concatenate3A {offsets = [0, 53], sizes = [1, 1], strides = [1, 1]} : vector<1x128xf32> to vector<1x1xf32>
    %squeeze3A_475 = vector.extract %slice3A_474[0, 0] : f32 from vector<1x1xf32>
    %get3A_476 = arith.constant 53 : index
    %get3A_477 = arith.constant 0 : index
    %get3A_478 = vector.load %arg7[%get3A_476, %get3A_477] : memref<128x128xf32, #tpu.memory_space<vmem>>, vector<1x128xf32>
    %mul3A_479 = vector.broadcast %squeeze3A_475 : f32 to vector<1x128xf32>
    %mul3A_480 = arith.mulf %mul3A_479, %get3A_478 : vector<1x128xf32>
    %add3A_481 = arith.addf %add3A_473, %mul3A_480 : vector<1x128xf32>
    %slice3A_482 = vector.extract_strided_slice %concatenate3A {offsets = [0, 54], sizes = [1, 1], strides = [1, 1]} : vector<1x128xf32> to vector<1x1xf32>
    %squeeze3A_483 = vector.extract %slice3A_482[0, 0] : f32 from vector<1x1xf32>
    %get3A_484 = arith.constant 54 : index
    %get3A_485 = arith.constant 0 : index
    %get3A_486 = vector.load %arg7[%get3A_484, %get3A_485] : memref<128x128xf32, #tpu.memory_space<vmem>>, vector<1x128xf32>
    %mul3A_487 = vector.broadcast %squeeze3A_483 : f32 to vector<1x128xf32>
    %mul3A_488 = arith.mulf %mul3A_487, %get3A_486 : vector<1x128xf32>
    %add3A_489 = arith.addf %add3A_481, %mul3A_488 : vector<1x128xf32>
    %slice3A_490 = vector.extract_strided_slice %concatenate3A {offsets = [0, 55], sizes = [1, 1], strides = [1, 1]} : vector<1x128xf32> to vector<1x1xf32>
    %squeeze3A_491 = vector.extract %slice3A_490[0, 0] : f32 from vector<1x1xf32>
    %get3A_492 = arith.constant 55 : index
    %get3A_493 = arith.constant 0 : index
    %get3A_494 = vector.load %arg7[%get3A_492, %get3A_493] : memref<128x128xf32, #tpu.memory_space<vmem>>, vector<1x128xf32>
    %mul3A_495 = vector.broadcast %squeeze3A_491 : f32 to vector<1x128xf32>
    %mul3A_496 = arith.mulf %mul3A_495, %get3A_494 : vector<1x128xf32>
    %add3A_497 = arith.addf %add3A_489, %mul3A_496 : vector<1x128xf32>
    %slice3A_498 = vector.extract_strided_slice %concatenate3A {offsets = [0, 56], sizes = [1, 1], strides = [1, 1]} : vector<1x128xf32> to vector<1x1xf32>
    %squeeze3A_499 = vector.extract %slice3A_498[0, 0] : f32 from vector<1x1xf32>
    %get3A_500 = arith.constant 56 : index
    %get3A_501 = arith.constant 0 : index
    %get3A_502 = vector.load %arg7[%get3A_500, %get3A_501] : memref<128x128xf32, #tpu.memory_space<vmem>>, vector<1x128xf32>
    %mul3A_503 = vector.broadcast %squeeze3A_499 : f32 to vector<1x128xf32>
    %mul3A_504 = arith.mulf %mul3A_503, %get3A_502 : vector<1x128xf32>
    %add3A_505 = arith.addf %add3A_497, %mul3A_504 : vector<1x128xf32>
    %slice3A_506 = vector.extract_strided_slice %concatenate3A {offsets = [0, 57], sizes = [1, 1], strides = [1, 1]} : vector<1x128xf32> to vector<1x1xf32>
    %squeeze3A_507 = vector.extract %slice3A_506[0, 0] : f32 from vector<1x1xf32>
    %get3A_508 = arith.constant 57 : index
    %get3A_509 = arith.constant 0 : index
    %get3A_510 = vector.load %arg7[%get3A_508, %get3A_509] : memref<128x128xf32, #tpu.memory_space<vmem>>, vector<1x128xf32>
    %mul3A_511 = vector.broadcast %squeeze3A_507 : f32 to vector<1x128xf32>
    %mul3A_512 = arith.mulf %mul3A_511, %get3A_510 : vector<1x128xf32>
    %add3A_513 = arith.addf %add3A_505, %mul3A_512 : vector<1x128xf32>
    %slice3A_514 = vector.extract_strided_slice %concatenate3A {offsets = [0, 58], sizes = [1, 1], strides = [1, 1]} : vector<1x128xf32> to vector<1x1xf32>
    %squeeze3A_515 = vector.extract %slice3A_514[0, 0] : f32 from vector<1x1xf32>
    %get3A_516 = arith.constant 58 : index
    %get3A_517 = arith.constant 0 : index
    %get3A_518 = vector.load %arg7[%get3A_516, %get3A_517] : memref<128x128xf32, #tpu.memory_space<vmem>>, vector<1x128xf32>
    %mul3A_519 = vector.broadcast %squeeze3A_515 : f32 to vector<1x128xf32>
    %mul3A_520 = arith.mulf %mul3A_519, %get3A_518 : vector<1x128xf32>
    %add3A_521 = arith.addf %add3A_513, %mul3A_520 : vector<1x128xf32>
    %slice3A_522 = vector.extract_strided_slice %concatenate3A {offsets = [0, 59], sizes = [1, 1], strides = [1, 1]} : vector<1x128xf32> to vector<1x1xf32>
    %squeeze3A_523 = vector.extract %slice3A_522[0, 0] : f32 from vector<1x1xf32>
    %get3A_524 = arith.constant 59 : index
    %get3A_525 = arith.constant 0 : index
    %get3A_526 = vector.load %arg7[%get3A_524, %get3A_525] : memref<128x128xf32, #tpu.memory_space<vmem>>, vector<1x128xf32>
    %mul3A_527 = vector.broadcast %squeeze3A_523 : f32 to vector<1x128xf32>
    %mul3A_528 = arith.mulf %mul3A_527, %get3A_526 : vector<1x128xf32>
    %add3A_529 = arith.addf %add3A_521, %mul3A_528 : vector<1x128xf32>
    %slice3A_530 = vector.extract_strided_slice %concatenate3A {offsets = [0, 60], sizes = [1, 1], strides = [1, 1]} : vector<1x128xf32> to vector<1x1xf32>
    %squeeze3A_531 = vector.extract %slice3A_530[0, 0] : f32 from vector<1x1xf32>
    %get3A_532 = arith.constant 60 : index
    %get3A_533 = arith.constant 0 : index
    %get3A_534 = vector.load %arg7[%get3A_532, %get3A_533] : memref<128x128xf32, #tpu.memory_space<vmem>>, vector<1x128xf32>
    %mul3A_535 = vector.broadcast %squeeze3A_531 : f32 to vector<1x128xf32>
    %mul3A_536 = arith.mulf %mul3A_535, %get3A_534 : vector<1x128xf32>
    %add3A_537 = arith.addf %add3A_529, %mul3A_536 : vector<1x128xf32>
    %slice3A_538 = vector.extract_strided_slice %concatenate3A {offsets = [0, 61], sizes = [1, 1], strides = [1, 1]} : vector<1x128xf32> to vector<1x1xf32>
    %squeeze3A_539 = vector.extract %slice3A_538[0, 0] : f32 from vector<1x1xf32>
    %get3A_540 = arith.constant 61 : index
    %get3A_541 = arith.constant 0 : index
    %get3A_542 = vector.load %arg7[%get3A_540, %get3A_541] : memref<128x128xf32, #tpu.memory_space<vmem>>, vector<1x128xf32>
    %mul3A_543 = vector.broadcast %squeeze3A_539 : f32 to vector<1x128xf32>
    %mul3A_544 = arith.mulf %mul3A_543, %get3A_542 : vector<1x128xf32>
    %add3A_545 = arith.addf %add3A_537, %mul3A_544 : vector<1x128xf32>
    %slice3A_546 = vector.extract_strided_slice %concatenate3A {offsets = [0, 62], sizes = [1, 1], strides = [1, 1]} : vector<1x128xf32> to vector<1x1xf32>
    %squeeze3A_547 = vector.extract %slice3A_546[0, 0] : f32 from vector<1x1xf32>
    %get3A_548 = arith.constant 62 : index
    %get3A_549 = arith.constant 0 : index
    %get3A_550 = vector.load %arg7[%get3A_548, %get3A_549] : memref<128x128xf32, #tpu.memory_space<vmem>>, vector<1x128xf32>
    %mul3A_551 = vector.broadcast %squeeze3A_547 : f32 to vector<1x128xf32>
    %mul3A_552 = arith.mulf %mul3A_551, %get3A_550 : vector<1x128xf32>
    %add3A_553 = arith.addf %add3A_545, %mul3A_552 : vector<1x128xf32>
    %slice3A_554 = vector.extract_strided_slice %concatenate3A {offsets = [0, 63], sizes = [1, 1], strides = [1, 1]} : vector<1x128xf32> to vector<1x1xf32>
    %squeeze3A_555 = vector.extract %slice3A_554[0, 0] : f32 from vector<1x1xf32>
    %get3A_556 = arith.constant 63 : index
    %get3A_557 = arith.constant 0 : index
    %get3A_558 = vector.load %arg7[%get3A_556, %get3A_557] : memref<128x128xf32, #tpu.memory_space<vmem>>, vector<1x128xf32>
    %mul3A_559 = vector.broadcast %squeeze3A_555 : f32 to vector<1x128xf32>
    %mul3A_560 = arith.mulf %mul3A_559, %get3A_558 : vector<1x128xf32>
    %add3A_561 = arith.addf %add3A_553, %mul3A_560 : vector<1x128xf32>
    %slice3A_562 = vector.extract_strided_slice %concatenate3A {offsets = [0, 64], sizes = [1, 1], strides = [1, 1]} : vector<1x128xf32> to vector<1x1xf32>
    %squeeze3A_563 = vector.extract %slice3A_562[0, 0] : f32 from vector<1x1xf32>
    %get3A_564 = arith.constant 64 : index
    %get3A_565 = arith.constant 0 : index
    %get3A_566 = vector.load %arg7[%get3A_564, %get3A_565] : memref<128x128xf32, #tpu.memory_space<vmem>>, vector<1x128xf32>
    %mul3A_567 = vector.broadcast %squeeze3A_563 : f32 to vector<1x128xf32>
    %mul3A_568 = arith.mulf %mul3A_567, %get3A_566 : vector<1x128xf32>
    %add3A_569 = arith.addf %add3A_561, %mul3A_568 : vector<1x128xf32>
    %slice3A_570 = vector.extract_strided_slice %concatenate3A {offsets = [0, 65], sizes = [1, 1], strides = [1, 1]} : vector<1x128xf32> to vector<1x1xf32>
    %squeeze3A_571 = vector.extract %slice3A_570[0, 0] : f32 from vector<1x1xf32>
    %get3A_572 = arith.constant 65 : index
    %get3A_573 = arith.constant 0 : index
    %get3A_574 = vector.load %arg7[%get3A_572, %get3A_573] : memref<128x128xf32, #tpu.memory_space<vmem>>, vector<1x128xf32>
    %mul3A_575 = vector.broadcast %squeeze3A_571 : f32 to vector<1x128xf32>
    %mul3A_576 = arith.mulf %mul3A_575, %get3A_574 : vector<1x128xf32>
    %add3A_577 = arith.addf %add3A_569, %mul3A_576 : vector<1x128xf32>
    %slice3A_578 = vector.extract_strided_slice %concatenate3A {offsets = [0, 66], sizes = [1, 1], strides = [1, 1]} : vector<1x128xf32> to vector<1x1xf32>
    %squeeze3A_579 = vector.extract %slice3A_578[0, 0] : f32 from vector<1x1xf32>
    %get3A_580 = arith.constant 66 : index
    %get3A_581 = arith.constant 0 : index
    %get3A_582 = vector.load %arg7[%get3A_580, %get3A_581] : memref<128x128xf32, #tpu.memory_space<vmem>>, vector<1x128xf32>
    %mul3A_583 = vector.broadcast %squeeze3A_579 : f32 to vector<1x128xf32>
    %mul3A_584 = arith.mulf %mul3A_583, %get3A_582 : vector<1x128xf32>
    %add3A_585 = arith.addf %add3A_577, %mul3A_584 : vector<1x128xf32>
    %slice3A_586 = vector.extract_strided_slice %concatenate3A {offsets = [0, 67], sizes = [1, 1], strides = [1, 1]} : vector<1x128xf32> to vector<1x1xf32>
    %squeeze3A_587 = vector.extract %slice3A_586[0, 0] : f32 from vector<1x1xf32>
    %get3A_588 = arith.constant 67 : index
    %get3A_589 = arith.constant 0 : index
    %get3A_590 = vector.load %arg7[%get3A_588, %get3A_589] : memref<128x128xf32, #tpu.memory_space<vmem>>, vector<1x128xf32>
    %mul3A_591 = vector.broadcast %squeeze3A_587 : f32 to vector<1x128xf32>
    %mul3A_592 = arith.mulf %mul3A_591, %get3A_590 : vector<1x128xf32>
    %add3A_593 = arith.addf %add3A_585, %mul3A_592 : vector<1x128xf32>
    %slice3A_594 = vector.extract_strided_slice %concatenate3A {offsets = [0, 68], sizes = [1, 1], strides = [1, 1]} : vector<1x128xf32> to vector<1x1xf32>
    %squeeze3A_595 = vector.extract %slice3A_594[0, 0] : f32 from vector<1x1xf32>
    %get3A_596 = arith.constant 68 : index
    %get3A_597 = arith.constant 0 : index
    %get3A_598 = vector.load %arg7[%get3A_596, %get3A_597] : memref<128x128xf32, #tpu.memory_space<vmem>>, vector<1x128xf32>
    %mul3A_599 = vector.broadcast %squeeze3A_595 : f32 to vector<1x128xf32>
    %mul3A_600 = arith.mulf %mul3A_599, %get3A_598 : vector<1x128xf32>
    %add3A_601 = arith.addf %add3A_593, %mul3A_600 : vector<1x128xf32>
    %slice3A_602 = vector.extract_strided_slice %concatenate3A {offsets = [0, 69], sizes = [1, 1], strides = [1, 1]} : vector<1x128xf32> to vector<1x1xf32>
    %squeeze3A_603 = vector.extract %slice3A_602[0, 0] : f32 from vector<1x1xf32>
    %get3A_604 = arith.constant 69 : index
    %get3A_605 = arith.constant 0 : index
    %get3A_606 = vector.load %arg7[%get3A_604, %get3A_605] : memref<128x128xf32, #tpu.memory_space<vmem>>, vector<1x128xf32>
    %mul3A_607 = vector.broadcast %squeeze3A_603 : f32 to vector<1x128xf32>
    %mul3A_608 = arith.mulf %mul3A_607, %get3A_606 : vector<1x128xf32>
    %add3A_609 = arith.addf %add3A_601, %mul3A_608 : vector<1x128xf32>
    %slice3A_610 = vector.extract_strided_slice %concatenate3A {offsets = [0, 70], sizes = [1, 1], strides = [1, 1]} : vector<1x128xf32> to vector<1x1xf32>
    %squeeze3A_611 = vector.extract %slice3A_610[0, 0] : f32 from vector<1x1xf32>
    %get3A_612 = arith.constant 70 : index
    %get3A_613 = arith.constant 0 : index
    %get3A_614 = vector.load %arg7[%get3A_612, %get3A_613] : memref<128x128xf32, #tpu.memory_space<vmem>>, vector<1x128xf32>
    %mul3A_615 = vector.broadcast %squeeze3A_611 : f32 to vector<1x128xf32>
    %mul3A_616 = arith.mulf %mul3A_615, %get3A_614 : vector<1x128xf32>
    %add3A_617 = arith.addf %add3A_609, %mul3A_616 : vector<1x128xf32>
    %slice3A_618 = vector.extract_strided_slice %concatenate3A {offsets = [0, 71], sizes = [1, 1], strides = [1, 1]} : vector<1x128xf32> to vector<1x1xf32>
    %squeeze3A_619 = vector.extract %slice3A_618[0, 0] : f32 from vector<1x1xf32>
    %get3A_620 = arith.constant 71 : index
    %get3A_621 = arith.constant 0 : index
    %get3A_622 = vector.load %arg7[%get3A_620, %get3A_621] : memref<128x128xf32, #tpu.memory_space<vmem>>, vector<1x128xf32>
    %mul3A_623 = vector.broadcast %squeeze3A_619 : f32 to vector<1x128xf32>
    %mul3A_624 = arith.mulf %mul3A_623, %get3A_622 : vector<1x128xf32>
    %add3A_625 = arith.addf %add3A_617, %mul3A_624 : vector<1x128xf32>
    %slice3A_626 = vector.extract_strided_slice %concatenate3A {offsets = [0, 72], sizes = [1, 1], strides = [1, 1]} : vector<1x128xf32> to vector<1x1xf32>
    %squeeze3A_627 = vector.extract %slice3A_626[0, 0] : f32 from vector<1x1xf32>
    %get3A_628 = arith.constant 72 : index
    %get3A_629 = arith.constant 0 : index
    %get3A_630 = vector.load %arg7[%get3A_628, %get3A_629] : memref<128x128xf32, #tpu.memory_space<vmem>>, vector<1x128xf32>
    %mul3A_631 = vector.broadcast %squeeze3A_627 : f32 to vector<1x128xf32>
    %mul3A_632 = arith.mulf %mul3A_631, %get3A_630 : vector<1x128xf32>
    %add3A_633 = arith.addf %add3A_625, %mul3A_632 : vector<1x128xf32>
    %slice3A_634 = vector.extract_strided_slice %concatenate3A {offsets = [0, 73], sizes = [1, 1], strides = [1, 1]} : vector<1x128xf32> to vector<1x1xf32>
    %squeeze3A_635 = vector.extract %slice3A_634[0, 0] : f32 from vector<1x1xf32>
    %get3A_636 = arith.constant 73 : index
    %get3A_637 = arith.constant 0 : index
    %get3A_638 = vector.load %arg7[%get3A_636, %get3A_637] : memref<128x128xf32, #tpu.memory_space<vmem>>, vector<1x128xf32>
    %mul3A_639 = vector.broadcast %squeeze3A_635 : f32 to vector<1x128xf32>
    %mul3A_640 = arith.mulf %mul3A_639, %get3A_638 : vector<1x128xf32>
    %add3A_641 = arith.addf %add3A_633, %mul3A_640 : vector<1x128xf32>
    %slice3A_642 = vector.extract_strided_slice %concatenate3A {offsets = [0, 74], sizes = [1, 1], strides = [1, 1]} : vector<1x128xf32> to vector<1x1xf32>
    %squeeze3A_643 = vector.extract %slice3A_642[0, 0] : f32 from vector<1x1xf32>
    %get3A_644 = arith.constant 74 : index
    %get3A_645 = arith.constant 0 : index
    %get3A_646 = vector.load %arg7[%get3A_644, %get3A_645] : memref<128x128xf32, #tpu.memory_space<vmem>>, vector<1x128xf32>
    %mul3A_647 = vector.broadcast %squeeze3A_643 : f32 to vector<1x128xf32>
    %mul3A_648 = arith.mulf %mul3A_647, %get3A_646 : vector<1x128xf32>
    %add3A_649 = arith.addf %add3A_641, %mul3A_648 : vector<1x128xf32>
    %slice3A_650 = vector.extract_strided_slice %concatenate3A {offsets = [0, 75], sizes = [1, 1], strides = [1, 1]} : vector<1x128xf32> to vector<1x1xf32>
    %squeeze3A_651 = vector.extract %slice3A_650[0, 0] : f32 from vector<1x1xf32>
    %get3A_652 = arith.constant 75 : index
    %get3A_653 = arith.constant 0 : index
    %get3A_654 = vector.load %arg7[%get3A_652, %get3A_653] : memref<128x128xf32, #tpu.memory_space<vmem>>, vector<1x128xf32>
    %mul3A_655 = vector.broadcast %squeeze3A_651 : f32 to vector<1x128xf32>
    %mul3A_656 = arith.mulf %mul3A_655, %get3A_654 : vector<1x128xf32>
    %add3A_657 = arith.addf %add3A_649, %mul3A_656 : vector<1x128xf32>
    %slice3A_658 = vector.extract_strided_slice %concatenate3A {offsets = [0, 76], sizes = [1, 1], strides = [1, 1]} : vector<1x128xf32> to vector<1x1xf32>
    %squeeze3A_659 = vector.extract %slice3A_658[0, 0] : f32 from vector<1x1xf32>
    %get3A_660 = arith.constant 76 : index
    %get3A_661 = arith.constant 0 : index
    %get3A_662 = vector.load %arg7[%get3A_660, %get3A_661] : memref<128x128xf32, #tpu.memory_space<vmem>>, vector<1x128xf32>
    %mul3A_663 = vector.broadcast %squeeze3A_659 : f32 to vector<1x128xf32>
    %mul3A_664 = arith.mulf %mul3A_663, %get3A_662 : vector<1x128xf32>
    %add3A_665 = arith.addf %add3A_657, %mul3A_664 : vector<1x128xf32>
    %slice3A_666 = vector.extract_strided_slice %concatenate3A {offsets = [0, 77], sizes = [1, 1], strides = [1, 1]} : vector<1x128xf32> to vector<1x1xf32>
    %squeeze3A_667 = vector.extract %slice3A_666[0, 0] : f32 from vector<1x1xf32>
    %get3A_668 = arith.constant 77 : index
    %get3A_669 = arith.constant 0 : index
    %get3A_670 = vector.load %arg7[%get3A_668, %get3A_669] : memref<128x128xf32, #tpu.memory_space<vmem>>, vector<1x128xf32>
    %mul3A_671 = vector.broadcast %squeeze3A_667 : f32 to vector<1x128xf32>
    %mul3A_672 = arith.mulf %mul3A_671, %get3A_670 : vector<1x128xf32>
    %add3A_673 = arith.addf %add3A_665, %mul3A_672 : vector<1x128xf32>
    %slice3A_674 = vector.extract_strided_slice %concatenate3A {offsets = [0, 78], sizes = [1, 1], strides = [1, 1]} : vector<1x128xf32> to vector<1x1xf32>
    %squeeze3A_675 = vector.extract %slice3A_674[0, 0] : f32 from vector<1x1xf32>
    %get3A_676 = arith.constant 78 : index
    %get3A_677 = arith.constant 0 : index
    %get3A_678 = vector.load %arg7[%get3A_676, %get3A_677] : memref<128x128xf32, #tpu.memory_space<vmem>>, vector<1x128xf32>
    %mul3A_679 = vector.broadcast %squeeze3A_675 : f32 to vector<1x128xf32>
    %mul3A_680 = arith.mulf %mul3A_679, %get3A_678 : vector<1x128xf32>
    %add3A_681 = arith.addf %add3A_673, %mul3A_680 : vector<1x128xf32>
    %slice3A_682 = vector.extract_strided_slice %concatenate3A {offsets = [0, 79], sizes = [1, 1], strides = [1, 1]} : vector<1x128xf32> to vector<1x1xf32>
    %squeeze3A_683 = vector.extract %slice3A_682[0, 0] : f32 from vector<1x1xf32>
    %get3A_684 = arith.constant 79 : index
    %get3A_685 = arith.constant 0 : index
    %get3A_686 = vector.load %arg7[%get3A_684, %get3A_685] : memref<128x128xf32, #tpu.memory_space<vmem>>, vector<1x128xf32>
    %mul3A_687 = vector.broadcast %squeeze3A_683 : f32 to vector<1x128xf32>
    %mul3A_688 = arith.mulf %mul3A_687, %get3A_686 : vector<1x128xf32>
    %add3A_689 = arith.addf %add3A_681, %mul3A_688 : vector<1x128xf32>
    %slice3A_690 = vector.extract_strided_slice %concatenate3A {offsets = [0, 80], sizes = [1, 1], strides = [1, 1]} : vector<1x128xf32> to vector<1x1xf32>
    %squeeze3A_691 = vector.extract %slice3A_690[0, 0] : f32 from vector<1x1xf32>
    %get3A_692 = arith.constant 80 : index
    %get3A_693 = arith.constant 0 : index
    %get3A_694 = vector.load %arg7[%get3A_692, %get3A_693] : memref<128x128xf32, #tpu.memory_space<vmem>>, vector<1x128xf32>
    %mul3A_695 = vector.broadcast %squeeze3A_691 : f32 to vector<1x128xf32>
    %mul3A_696 = arith.mulf %mul3A_695, %get3A_694 : vector<1x128xf32>
    %add3A_697 = arith.addf %add3A_689, %mul3A_696 : vector<1x128xf32>
    %slice3A_698 = vector.extract_strided_slice %concatenate3A {offsets = [0, 81], sizes = [1, 1], strides = [1, 1]} : vector<1x128xf32> to vector<1x1xf32>
    %squeeze3A_699 = vector.extract %slice3A_698[0, 0] : f32 from vector<1x1xf32>
    %get3A_700 = arith.constant 81 : index
    %get3A_701 = arith.constant 0 : index
    %get3A_702 = vector.load %arg7[%get3A_700, %get3A_701] : memref<128x128xf32, #tpu.memory_space<vmem>>, vector<1x128xf32>
    %mul3A_703 = vector.broadcast %squeeze3A_699 : f32 to vector<1x128xf32>
    %mul3A_704 = arith.mulf %mul3A_703, %get3A_702 : vector<1x128xf32>
    %add3A_705 = arith.addf %add3A_697, %mul3A_704 : vector<1x128xf32>
    %slice3A_706 = vector.extract_strided_slice %concatenate3A {offsets = [0, 82], sizes = [1, 1], strides = [1, 1]} : vector<1x128xf32> to vector<1x1xf32>
    %squeeze3A_707 = vector.extract %slice3A_706[0, 0] : f32 from vector<1x1xf32>
    %get3A_708 = arith.constant 82 : index
    %get3A_709 = arith.constant 0 : index
    %get3A_710 = vector.load %arg7[%get3A_708, %get3A_709] : memref<128x128xf32, #tpu.memory_space<vmem>>, vector<1x128xf32>
    %mul3A_711 = vector.broadcast %squeeze3A_707 : f32 to vector<1x128xf32>
    %mul3A_712 = arith.mulf %mul3A_711, %get3A_710 : vector<1x128xf32>
    %add3A_713 = arith.addf %add3A_705, %mul3A_712 : vector<1x128xf32>
    %slice3A_714 = vector.extract_strided_slice %concatenate3A {offsets = [0, 83], sizes = [1, 1], strides = [1, 1]} : vector<1x128xf32> to vector<1x1xf32>
    %squeeze3A_715 = vector.extract %slice3A_714[0, 0] : f32 from vector<1x1xf32>
    %get3A_716 = arith.constant 83 : index
    %get3A_717 = arith.constant 0 : index
    %get3A_718 = vector.load %arg7[%get3A_716, %get3A_717] : memref<128x128xf32, #tpu.memory_space<vmem>>, vector<1x128xf32>
    %mul3A_719 = vector.broadcast %squeeze3A_715 : f32 to vector<1x128xf32>
    %mul3A_720 = arith.mulf %mul3A_719, %get3A_718 : vector<1x128xf32>
    %add3A_721 = arith.addf %add3A_713, %mul3A_720 : vector<1x128xf32>
    %slice3A_722 = vector.extract_strided_slice %concatenate3A {offsets = [0, 84], sizes = [1, 1], strides = [1, 1]} : vector<1x128xf32> to vector<1x1xf32>
    %squeeze3A_723 = vector.extract %slice3A_722[0, 0] : f32 from vector<1x1xf32>
    %get3A_724 = arith.constant 84 : index
    %get3A_725 = arith.constant 0 : index
    %get3A_726 = vector.load %arg7[%get3A_724, %get3A_725] : memref<128x128xf32, #tpu.memory_space<vmem>>, vector<1x128xf32>
    %mul3A_727 = vector.broadcast %squeeze3A_723 : f32 to vector<1x128xf32>
    %mul3A_728 = arith.mulf %mul3A_727, %get3A_726 : vector<1x128xf32>
    %add3A_729 = arith.addf %add3A_721, %mul3A_728 : vector<1x128xf32>
    %slice3A_730 = vector.extract_strided_slice %concatenate3A {offsets = [0, 85], sizes = [1, 1], strides = [1, 1]} : vector<1x128xf32> to vector<1x1xf32>
    %squeeze3A_731 = vector.extract %slice3A_730[0, 0] : f32 from vector<1x1xf32>
    %get3A_732 = arith.constant 85 : index
    %get3A_733 = arith.constant 0 : index
    %get3A_734 = vector.load %arg7[%get3A_732, %get3A_733] : memref<128x128xf32, #tpu.memory_space<vmem>>, vector<1x128xf32>
    %mul3A_735 = vector.broadcast %squeeze3A_731 : f32 to vector<1x128xf32>
    %mul3A_736 = arith.mulf %mul3A_735, %get3A_734 : vector<1x128xf32>
    %add3A_737 = arith.addf %add3A_729, %mul3A_736 : vector<1x128xf32>
    %slice3A_738 = vector.extract_strided_slice %concatenate3A {offsets = [0, 86], sizes = [1, 1], strides = [1, 1]} : vector<1x128xf32> to vector<1x1xf32>
    %squeeze3A_739 = vector.extract %slice3A_738[0, 0] : f32 from vector<1x1xf32>
    %get3A_740 = arith.constant 86 : index
    %get3A_741 = arith.constant 0 : index
    %get3A_742 = vector.load %arg7[%get3A_740, %get3A_741] : memref<128x128xf32, #tpu.memory_space<vmem>>, vector<1x128xf32>
    %mul3A_743 = vector.broadcast %squeeze3A_739 : f32 to vector<1x128xf32>
    %mul3A_744 = arith.mulf %mul3A_743, %get3A_742 : vector<1x128xf32>
    %add3A_745 = arith.addf %add3A_737, %mul3A_744 : vector<1x128xf32>
    %slice3A_746 = vector.extract_strided_slice %concatenate3A {offsets = [0, 87], sizes = [1, 1], strides = [1, 1]} : vector<1x128xf32> to vector<1x1xf32>
    %squeeze3A_747 = vector.extract %slice3A_746[0, 0] : f32 from vector<1x1xf32>
    %get3A_748 = arith.constant 87 : index
    %get3A_749 = arith.constant 0 : index
    %get3A_750 = vector.load %arg7[%get3A_748, %get3A_749] : memref<128x128xf32, #tpu.memory_space<vmem>>, vector<1x128xf32>
    %mul3A_751 = vector.broadcast %squeeze3A_747 : f32 to vector<1x128xf32>
    %mul3A_752 = arith.mulf %mul3A_751, %get3A_750 : vector<1x128xf32>
    %add3A_753 = arith.addf %add3A_745, %mul3A_752 : vector<1x128xf32>
    %slice3A_754 = vector.extract_strided_slice %concatenate3A {offsets = [0, 88], sizes = [1, 1], strides = [1, 1]} : vector<1x128xf32> to vector<1x1xf32>
    %squeeze3A_755 = vector.extract %slice3A_754[0, 0] : f32 from vector<1x1xf32>
    %get3A_756 = arith.constant 88 : index
    %get3A_757 = arith.constant 0 : index
    %get3A_758 = vector.load %arg7[%get3A_756, %get3A_757] : memref<128x128xf32, #tpu.memory_space<vmem>>, vector<1x128xf32>
    %mul3A_759 = vector.broadcast %squeeze3A_755 : f32 to vector<1x128xf32>
    %mul3A_760 = arith.mulf %mul3A_759, %get3A_758 : vector<1x128xf32>
    %add3A_761 = arith.addf %add3A_753, %mul3A_760 : vector<1x128xf32>
    %slice3A_762 = vector.extract_strided_slice %concatenate3A {offsets = [0, 89], sizes = [1, 1], strides = [1, 1]} : vector<1x128xf32> to vector<1x1xf32>
    %squeeze3A_763 = vector.extract %slice3A_762[0, 0] : f32 from vector<1x1xf32>
    %get3A_764 = arith.constant 89 : index
    %get3A_765 = arith.constant 0 : index
    %get3A_766 = vector.load %arg7[%get3A_764, %get3A_765] : memref<128x128xf32, #tpu.memory_space<vmem>>, vector<1x128xf32>
    %mul3A_767 = vector.broadcast %squeeze3A_763 : f32 to vector<1x128xf32>
    %mul3A_768 = arith.mulf %mul3A_767, %get3A_766 : vector<1x128xf32>
    %add3A_769 = arith.addf %add3A_761, %mul3A_768 : vector<1x128xf32>
    %slice3A_770 = vector.extract_strided_slice %concatenate3A {offsets = [0, 90], sizes = [1, 1], strides = [1, 1]} : vector<1x128xf32> to vector<1x1xf32>
    %squeeze3A_771 = vector.extract %slice3A_770[0, 0] : f32 from vector<1x1xf32>
    %get3A_772 = arith.constant 90 : index
    %get3A_773 = arith.constant 0 : index
    %get3A_774 = vector.load %arg7[%get3A_772, %get3A_773] : memref<128x128xf32, #tpu.memory_space<vmem>>, vector<1x128xf32>
    %mul3A_775 = vector.broadcast %squeeze3A_771 : f32 to vector<1x128xf32>
    %mul3A_776 = arith.mulf %mul3A_775, %get3A_774 : vector<1x128xf32>
    %add3A_777 = arith.addf %add3A_769, %mul3A_776 : vector<1x128xf32>
    %slice3A_778 = vector.extract_strided_slice %concatenate3A {offsets = [0, 91], sizes = [1, 1], strides = [1, 1]} : vector<1x128xf32> to vector<1x1xf32>
    %squeeze3A_779 = vector.extract %slice3A_778[0, 0] : f32 from vector<1x1xf32>
    %get3A_780 = arith.constant 91 : index
    %get3A_781 = arith.constant 0 : index
    %get3A_782 = vector.load %arg7[%get3A_780, %get3A_781] : memref<128x128xf32, #tpu.memory_space<vmem>>, vector<1x128xf32>
    %mul3A_783 = vector.broadcast %squeeze3A_779 : f32 to vector<1x128xf32>
    %mul3A_784 = arith.mulf %mul3A_783, %get3A_782 : vector<1x128xf32>
    %add3A_785 = arith.addf %add3A_777, %mul3A_784 : vector<1x128xf32>
    %slice3A_786 = vector.extract_strided_slice %concatenate3A {offsets = [0, 92], sizes = [1, 1], strides = [1, 1]} : vector<1x128xf32> to vector<1x1xf32>
    %squeeze3A_787 = vector.extract %slice3A_786[0, 0] : f32 from vector<1x1xf32>
    %get3A_788 = arith.constant 92 : index
    %get3A_789 = arith.constant 0 : index
    %get3A_790 = vector.load %arg7[%get3A_788, %get3A_789] : memref<128x128xf32, #tpu.memory_space<vmem>>, vector<1x128xf32>
    %mul3A_791 = vector.broadcast %squeeze3A_787 : f32 to vector<1x128xf32>
    %mul3A_792 = arith.mulf %mul3A_791, %get3A_790 : vector<1x128xf32>
    %add3A_793 = arith.addf %add3A_785, %mul3A_792 : vector<1x128xf32>
    %slice3A_794 = vector.extract_strided_slice %concatenate3A {offsets = [0, 93], sizes = [1, 1], strides = [1, 1]} : vector<1x128xf32> to vector<1x1xf32>
    %squeeze3A_795 = vector.extract %slice3A_794[0, 0] : f32 from vector<1x1xf32>
    %get3A_796 = arith.constant 93 : index
    %get3A_797 = arith.constant 0 : index
    %get3A_798 = vector.load %arg7[%get3A_796, %get3A_797] : memref<128x128xf32, #tpu.memory_space<vmem>>, vector<1x128xf32>
    %mul3A_799 = vector.broadcast %squeeze3A_795 : f32 to vector<1x128xf32>
    %mul3A_800 = arith.mulf %mul3A_799, %get3A_798 : vector<1x128xf32>
    %add3A_801 = arith.addf %add3A_793, %mul3A_800 : vector<1x128xf32>
    %slice3A_802 = vector.extract_strided_slice %concatenate3A {offsets = [0, 94], sizes = [1, 1], strides = [1, 1]} : vector<1x128xf32> to vector<1x1xf32>
    %squeeze3A_803 = vector.extract %slice3A_802[0, 0] : f32 from vector<1x1xf32>
    %get3A_804 = arith.constant 94 : index
    %get3A_805 = arith.constant 0 : index
    %get3A_806 = vector.load %arg7[%get3A_804, %get3A_805] : memref<128x128xf32, #tpu.memory_space<vmem>>, vector<1x128xf32>
    %mul3A_807 = vector.broadcast %squeeze3A_803 : f32 to vector<1x128xf32>
    %mul3A_808 = arith.mulf %mul3A_807, %get3A_806 : vector<1x128xf32>
    %add3A_809 = arith.addf %add3A_801, %mul3A_808 : vector<1x128xf32>
    %slice3A_810 = vector.extract_strided_slice %concatenate3A {offsets = [0, 95], sizes = [1, 1], strides = [1, 1]} : vector<1x128xf32> to vector<1x1xf32>
    %squeeze3A_811 = vector.extract %slice3A_810[0, 0] : f32 from vector<1x1xf32>
    %get3A_812 = arith.constant 95 : index
    %get3A_813 = arith.constant 0 : index
    %get3A_814 = vector.load %arg7[%get3A_812, %get3A_813] : memref<128x128xf32, #tpu.memory_space<vmem>>, vector<1x128xf32>
    %mul3A_815 = vector.broadcast %squeeze3A_811 : f32 to vector<1x128xf32>
    %mul3A_816 = arith.mulf %mul3A_815, %get3A_814 : vector<1x128xf32>
    %add3A_817 = arith.addf %add3A_809, %mul3A_816 : vector<1x128xf32>
    %slice3A_818 = vector.extract_strided_slice %concatenate3A {offsets = [0, 96], sizes = [1, 1], strides = [1, 1]} : vector<1x128xf32> to vector<1x1xf32>
    %squeeze3A_819 = vector.extract %slice3A_818[0, 0] : f32 from vector<1x1xf32>
    %get3A_820 = arith.constant 96 : index
    %get3A_821 = arith.constant 0 : index
    %get3A_822 = vector.load %arg7[%get3A_820, %get3A_821] : memref<128x128xf32, #tpu.memory_space<vmem>>, vector<1x128xf32>
    %mul3A_823 = vector.broadcast %squeeze3A_819 : f32 to vector<1x128xf32>
    %mul3A_824 = arith.mulf %mul3A_823, %get3A_822 : vector<1x128xf32>
    %add3A_825 = arith.addf %add3A_817, %mul3A_824 : vector<1x128xf32>
    %slice3A_826 = vector.extract_strided_slice %concatenate3A {offsets = [0, 97], sizes = [1, 1], strides = [1, 1]} : vector<1x128xf32> to vector<1x1xf32>
    %squeeze3A_827 = vector.extract %slice3A_826[0, 0] : f32 from vector<1x1xf32>
    %get3A_828 = arith.constant 97 : index
    %get3A_829 = arith.constant 0 : index
    %get3A_830 = vector.load %arg7[%get3A_828, %get3A_829] : memref<128x128xf32, #tpu.memory_space<vmem>>, vector<1x128xf32>
    %mul3A_831 = vector.broadcast %squeeze3A_827 : f32 to vector<1x128xf32>
    %mul3A_832 = arith.mulf %mul3A_831, %get3A_830 : vector<1x128xf32>
    %add3A_833 = arith.addf %add3A_825, %mul3A_832 : vector<1x128xf32>
    %slice3A_834 = vector.extract_strided_slice %concatenate3A {offsets = [0, 98], sizes = [1, 1], strides = [1, 1]} : vector<1x128xf32> to vector<1x1xf32>
    %squeeze3A_835 = vector.extract %slice3A_834[0, 0] : f32 from vector<1x1xf32>
    %get3A_836 = arith.constant 98 : index
    %get3A_837 = arith.constant 0 : index
    %get3A_838 = vector.load %arg7[%get3A_836, %get3A_837] : memref<128x128xf32, #tpu.memory_space<vmem>>, vector<1x128xf32>
    %mul3A_839 = vector.broadcast %squeeze3A_835 : f32 to vector<1x128xf32>
    %mul3A_840 = arith.mulf %mul3A_839, %get3A_838 : vector<1x128xf32>
    %add3A_841 = arith.addf %add3A_833, %mul3A_840 : vector<1x128xf32>
    %slice3A_842 = vector.extract_strided_slice %concatenate3A {offsets = [0, 99], sizes = [1, 1], strides = [1, 1]} : vector<1x128xf32> to vector<1x1xf32>
    %squeeze3A_843 = vector.extract %slice3A_842[0, 0] : f32 from vector<1x1xf32>
    %get3A_844 = arith.constant 99 : index
    %get3A_845 = arith.constant 0 : index
    %get3A_846 = vector.load %arg7[%get3A_844, %get3A_845] : memref<128x128xf32, #tpu.memory_space<vmem>>, vector<1x128xf32>
    %mul3A_847 = vector.broadcast %squeeze3A_843 : f32 to vector<1x128xf32>
    %mul3A_848 = arith.mulf %mul3A_847, %get3A_846 : vector<1x128xf32>
    %add3A_849 = arith.addf %add3A_841, %mul3A_848 : vector<1x128xf32>
    %slice3A_850 = vector.extract_strided_slice %concatenate3A {offsets = [0, 100], sizes = [1, 1], strides = [1, 1]} : vector<1x128xf32> to vector<1x1xf32>
    %squeeze3A_851 = vector.extract %slice3A_850[0, 0] : f32 from vector<1x1xf32>
    %get3A_852 = arith.constant 100 : index
    %get3A_853 = arith.constant 0 : index
    %get3A_854 = vector.load %arg7[%get3A_852, %get3A_853] : memref<128x128xf32, #tpu.memory_space<vmem>>, vector<1x128xf32>
    %mul3A_855 = vector.broadcast %squeeze3A_851 : f32 to vector<1x128xf32>
    %mul3A_856 = arith.mulf %mul3A_855, %get3A_854 : vector<1x128xf32>
    %add3A_857 = arith.addf %add3A_849, %mul3A_856 : vector<1x128xf32>
    %slice3A_858 = vector.extract_strided_slice %concatenate3A {offsets = [0, 101], sizes = [1, 1], strides = [1, 1]} : vector<1x128xf32> to vector<1x1xf32>
    %squeeze3A_859 = vector.extract %slice3A_858[0, 0] : f32 from vector<1x1xf32>
    %get3A_860 = arith.constant 101 : index
    %get3A_861 = arith.constant 0 : index
    %get3A_862 = vector.load %arg7[%get3A_860, %get3A_861] : memref<128x128xf32, #tpu.memory_space<vmem>>, vector<1x128xf32>
    %mul3A_863 = vector.broadcast %squeeze3A_859 : f32 to vector<1x128xf32>
    %mul3A_864 = arith.mulf %mul3A_863, %get3A_862 : vector<1x128xf32>
    %add3A_865 = arith.addf %add3A_857, %mul3A_864 : vector<1x128xf32>
    %slice3A_866 = vector.extract_strided_slice %concatenate3A {offsets = [0, 102], sizes = [1, 1], strides = [1, 1]} : vector<1x128xf32> to vector<1x1xf32>
    %squeeze3A_867 = vector.extract %slice3A_866[0, 0] : f32 from vector<1x1xf32>
    %get3A_868 = arith.constant 102 : index
    %get3A_869 = arith.constant 0 : index
    %get3A_870 = vector.load %arg7[%get3A_868, %get3A_869] : memref<128x128xf32, #tpu.memory_space<vmem>>, vector<1x128xf32>
    %mul3A_871 = vector.broadcast %squeeze3A_867 : f32 to vector<1x128xf32>
    %mul3A_872 = arith.mulf %mul3A_871, %get3A_870 : vector<1x128xf32>
    %add3A_873 = arith.addf %add3A_865, %mul3A_872 : vector<1x128xf32>
    %slice3A_874 = vector.extract_strided_slice %concatenate3A {offsets = [0, 103], sizes = [1, 1], strides = [1, 1]} : vector<1x128xf32> to vector<1x1xf32>
    %squeeze3A_875 = vector.extract %slice3A_874[0, 0] : f32 from vector<1x1xf32>
    %get3A_876 = arith.constant 103 : index
    %get3A_877 = arith.constant 0 : index
    %get3A_878 = vector.load %arg7[%get3A_876, %get3A_877] : memref<128x128xf32, #tpu.memory_space<vmem>>, vector<1x128xf32>
    %mul3A_879 = vector.broadcast %squeeze3A_875 : f32 to vector<1x128xf32>
    %mul3A_880 = arith.mulf %mul3A_879, %get3A_878 : vector<1x128xf32>
    %add3A_881 = arith.addf %add3A_873, %mul3A_880 : vector<1x128xf32>
    %slice3A_882 = vector.extract_strided_slice %concatenate3A {offsets = [0, 104], sizes = [1, 1], strides = [1, 1]} : vector<1x128xf32> to vector<1x1xf32>
    %squeeze3A_883 = vector.extract %slice3A_882[0, 0] : f32 from vector<1x1xf32>
    %get3A_884 = arith.constant 104 : index
    %get3A_885 = arith.constant 0 : index
    %get3A_886 = vector.load %arg7[%get3A_884, %get3A_885] : memref<128x128xf32, #tpu.memory_space<vmem>>, vector<1x128xf32>
    %mul3A_887 = vector.broadcast %squeeze3A_883 : f32 to vector<1x128xf32>
    %mul3A_888 = arith.mulf %mul3A_887, %get3A_886 : vector<1x128xf32>
    %add3A_889 = arith.addf %add3A_881, %mul3A_888 : vector<1x128xf32>
    %slice3A_890 = vector.extract_strided_slice %concatenate3A {offsets = [0, 105], sizes = [1, 1], strides = [1, 1]} : vector<1x128xf32> to vector<1x1xf32>
    %squeeze3A_891 = vector.extract %slice3A_890[0, 0] : f32 from vector<1x1xf32>
    %get3A_892 = arith.constant 105 : index
    %get3A_893 = arith.constant 0 : index
    %get3A_894 = vector.load %arg7[%get3A_892, %get3A_893] : memref<128x128xf32, #tpu.memory_space<vmem>>, vector<1x128xf32>
    %mul3A_895 = vector.broadcast %squeeze3A_891 : f32 to vector<1x128xf32>
    %mul3A_896 = arith.mulf %mul3A_895, %get3A_894 : vector<1x128xf32>
    %add3A_897 = arith.addf %add3A_889, %mul3A_896 : vector<1x128xf32>
    %slice3A_898 = vector.extract_strided_slice %concatenate3A {offsets = [0, 106], sizes = [1, 1], strides = [1, 1]} : vector<1x128xf32> to vector<1x1xf32>
    %squeeze3A_899 = vector.extract %slice3A_898[0, 0] : f32 from vector<1x1xf32>
    %get3A_900 = arith.constant 106 : index
    %get3A_901 = arith.constant 0 : index
    %get3A_902 = vector.load %arg7[%get3A_900, %get3A_901] : memref<128x128xf32, #tpu.memory_space<vmem>>, vector<1x128xf32>
    %mul3A_903 = vector.broadcast %squeeze3A_899 : f32 to vector<1x128xf32>
    %mul3A_904 = arith.mulf %mul3A_903, %get3A_902 : vector<1x128xf32>
    %add3A_905 = arith.addf %add3A_897, %mul3A_904 : vector<1x128xf32>
    %slice3A_906 = vector.extract_strided_slice %concatenate3A {offsets = [0, 107], sizes = [1, 1], strides = [1, 1]} : vector<1x128xf32> to vector<1x1xf32>
    %squeeze3A_907 = vector.extract %slice3A_906[0, 0] : f32 from vector<1x1xf32>
    %get3A_908 = arith.constant 107 : index
    %get3A_909 = arith.constant 0 : index
    %get3A_910 = vector.load %arg7[%get3A_908, %get3A_909] : memref<128x128xf32, #tpu.memory_space<vmem>>, vector<1x128xf32>
    %mul3A_911 = vector.broadcast %squeeze3A_907 : f32 to vector<1x128xf32>
    %mul3A_912 = arith.mulf %mul3A_911, %get3A_910 : vector<1x128xf32>
    %add3A_913 = arith.addf %add3A_905, %mul3A_912 : vector<1x128xf32>
    %slice3A_914 = vector.extract_strided_slice %concatenate3A {offsets = [0, 108], sizes = [1, 1], strides = [1, 1]} : vector<1x128xf32> to vector<1x1xf32>
    %squeeze3A_915 = vector.extract %slice3A_914[0, 0] : f32 from vector<1x1xf32>
    %get3A_916 = arith.constant 108 : index
    %get3A_917 = arith.constant 0 : index
    %get3A_918 = vector.load %arg7[%get3A_916, %get3A_917] : memref<128x128xf32, #tpu.memory_space<vmem>>, vector<1x128xf32>
    %mul3A_919 = vector.broadcast %squeeze3A_915 : f32 to vector<1x128xf32>
    %mul3A_920 = arith.mulf %mul3A_919, %get3A_918 : vector<1x128xf32>
    %add3A_921 = arith.addf %add3A_913, %mul3A_920 : vector<1x128xf32>
    %slice3A_922 = vector.extract_strided_slice %concatenate3A {offsets = [0, 109], sizes = [1, 1], strides = [1, 1]} : vector<1x128xf32> to vector<1x1xf32>
    %squeeze3A_923 = vector.extract %slice3A_922[0, 0] : f32 from vector<1x1xf32>
    %get3A_924 = arith.constant 109 : index
    %get3A_925 = arith.constant 0 : index
    %get3A_926 = vector.load %arg7[%get3A_924, %get3A_925] : memref<128x128xf32, #tpu.memory_space<vmem>>, vector<1x128xf32>
    %mul3A_927 = vector.broadcast %squeeze3A_923 : f32 to vector<1x128xf32>
    %mul3A_928 = arith.mulf %mul3A_927, %get3A_926 : vector<1x128xf32>
    %add3A_929 = arith.addf %add3A_921, %mul3A_928 : vector<1x128xf32>
    %slice3A_930 = vector.extract_strided_slice %concatenate3A {offsets = [0, 110], sizes = [1, 1], strides = [1, 1]} : vector<1x128xf32> to vector<1x1xf32>
    %squeeze3A_931 = vector.extract %slice3A_930[0, 0] : f32 from vector<1x1xf32>
    %get3A_932 = arith.constant 110 : index
    %get3A_933 = arith.constant 0 : index
    %get3A_934 = vector.load %arg7[%get3A_932, %get3A_933] : memref<128x128xf32, #tpu.memory_space<vmem>>, vector<1x128xf32>
    %mul3A_935 = vector.broadcast %squeeze3A_931 : f32 to vector<1x128xf32>
    %mul3A_936 = arith.mulf %mul3A_935, %get3A_934 : vector<1x128xf32>
    %add3A_937 = arith.addf %add3A_929, %mul3A_936 : vector<1x128xf32>
    %slice3A_938 = vector.extract_strided_slice %concatenate3A {offsets = [0, 111], sizes = [1, 1], strides = [1, 1]} : vector<1x128xf32> to vector<1x1xf32>
    %squeeze3A_939 = vector.extract %slice3A_938[0, 0] : f32 from vector<1x1xf32>
    %get3A_940 = arith.constant 111 : index
    %get3A_941 = arith.constant 0 : index
    %get3A_942 = vector.load %arg7[%get3A_940, %get3A_941] : memref<128x128xf32, #tpu.memory_space<vmem>>, vector<1x128xf32>
    %mul3A_943 = vector.broadcast %squeeze3A_939 : f32 to vector<1x128xf32>
    %mul3A_944 = arith.mulf %mul3A_943, %get3A_942 : vector<1x128xf32>
    %add3A_945 = arith.addf %add3A_937, %mul3A_944 : vector<1x128xf32>
    %slice3A_946 = vector.extract_strided_slice %concatenate3A {offsets = [0, 112], sizes = [1, 1], strides = [1, 1]} : vector<1x128xf32> to vector<1x1xf32>
    %squeeze3A_947 = vector.extract %slice3A_946[0, 0] : f32 from vector<1x1xf32>
    %get3A_948 = arith.constant 112 : index
    %get3A_949 = arith.constant 0 : index
    %get3A_950 = vector.load %arg7[%get3A_948, %get3A_949] : memref<128x128xf32, #tpu.memory_space<vmem>>, vector<1x128xf32>
    %mul3A_951 = vector.broadcast %squeeze3A_947 : f32 to vector<1x128xf32>
    %mul3A_952 = arith.mulf %mul3A_951, %get3A_950 : vector<1x128xf32>
    %add3A_953 = arith.addf %add3A_945, %mul3A_952 : vector<1x128xf32>
    %slice3A_954 = vector.extract_strided_slice %concatenate3A {offsets = [0, 113], sizes = [1, 1], strides = [1, 1]} : vector<1x128xf32> to vector<1x1xf32>
    %squeeze3A_955 = vector.extract %slice3A_954[0, 0] : f32 from vector<1x1xf32>
    %get3A_956 = arith.constant 113 : index
    %get3A_957 = arith.constant 0 : index
    %get3A_958 = vector.load %arg7[%get3A_956, %get3A_957] : memref<128x128xf32, #tpu.memory_space<vmem>>, vector<1x128xf32>
    %mul3A_959 = vector.broadcast %squeeze3A_955 : f32 to vector<1x128xf32>
    %mul3A_960 = arith.mulf %mul3A_959, %get3A_958 : vector<1x128xf32>
    %add3A_961 = arith.addf %add3A_953, %mul3A_960 : vector<1x128xf32>
    %slice3A_962 = vector.extract_strided_slice %concatenate3A {offsets = [0, 114], sizes = [1, 1], strides = [1, 1]} : vector<1x128xf32> to vector<1x1xf32>
    %squeeze3A_963 = vector.extract %slice3A_962[0, 0] : f32 from vector<1x1xf32>
    %get3A_964 = arith.constant 114 : index
    %get3A_965 = arith.constant 0 : index
    %get3A_966 = vector.load %arg7[%get3A_964, %get3A_965] : memref<128x128xf32, #tpu.memory_space<vmem>>, vector<1x128xf32>
    %mul3A_967 = vector.broadcast %squeeze3A_963 : f32 to vector<1x128xf32>
    %mul3A_968 = arith.mulf %mul3A_967, %get3A_966 : vector<1x128xf32>
    %add3A_969 = arith.addf %add3A_961, %mul3A_968 : vector<1x128xf32>
    %slice3A_970 = vector.extract_strided_slice %concatenate3A {offsets = [0, 115], sizes = [1, 1], strides = [1, 1]} : vector<1x128xf32> to vector<1x1xf32>
    %squeeze3A_971 = vector.extract %slice3A_970[0, 0] : f32 from vector<1x1xf32>
    %get3A_972 = arith.constant 115 : index
    %get3A_973 = arith.constant 0 : index
    %get3A_974 = vector.load %arg7[%get3A_972, %get3A_973] : memref<128x128xf32, #tpu.memory_space<vmem>>, vector<1x128xf32>
    %mul3A_975 = vector.broadcast %squeeze3A_971 : f32 to vector<1x128xf32>
    %mul3A_976 = arith.mulf %mul3A_975, %get3A_974 : vector<1x128xf32>
    %add3A_977 = arith.addf %add3A_969, %mul3A_976 : vector<1x128xf32>
    %slice3A_978 = vector.extract_strided_slice %concatenate3A {offsets = [0, 116], sizes = [1, 1], strides = [1, 1]} : vector<1x128xf32> to vector<1x1xf32>
    %squeeze3A_979 = vector.extract %slice3A_978[0, 0] : f32 from vector<1x1xf32>
    %get3A_980 = arith.constant 116 : index
    %get3A_981 = arith.constant 0 : index
    %get3A_982 = vector.load %arg7[%get3A_980, %get3A_981] : memref<128x128xf32, #tpu.memory_space<vmem>>, vector<1x128xf32>
    %mul3A_983 = vector.broadcast %squeeze3A_979 : f32 to vector<1x128xf32>
    %mul3A_984 = arith.mulf %mul3A_983, %get3A_982 : vector<1x128xf32>
    %add3A_985 = arith.addf %add3A_977, %mul3A_984 : vector<1x128xf32>
    %slice3A_986 = vector.extract_strided_slice %concatenate3A {offsets = [0, 117], sizes = [1, 1], strides = [1, 1]} : vector<1x128xf32> to vector<1x1xf32>
    %squeeze3A_987 = vector.extract %slice3A_986[0, 0] : f32 from vector<1x1xf32>
    %get3A_988 = arith.constant 117 : index
    %get3A_989 = arith.constant 0 : index
    %get3A_990 = vector.load %arg7[%get3A_988, %get3A_989] : memref<128x128xf32, #tpu.memory_space<vmem>>, vector<1x128xf32>
    %mul3A_991 = vector.broadcast %squeeze3A_987 : f32 to vector<1x128xf32>
    %mul3A_992 = arith.mulf %mul3A_991, %get3A_990 : vector<1x128xf32>
    %add3A_993 = arith.addf %add3A_985, %mul3A_992 : vector<1x128xf32>
    %slice3A_994 = vector.extract_strided_slice %concatenate3A {offsets = [0, 118], sizes = [1, 1], strides = [1, 1]} : vector<1x128xf32> to vector<1x1xf32>
    %squeeze3A_995 = vector.extract %slice3A_994[0, 0] : f32 from vector<1x1xf32>
    %get3A_996 = arith.constant 118 : index
    %get3A_997 = arith.constant 0 : index
    %get3A_998 = vector.load %arg7[%get3A_996, %get3A_997] : memref<128x128xf32, #tpu.memory_space<vmem>>, vector<1x128xf32>
    %mul3A_999 = vector.broadcast %squeeze3A_995 : f32 to vector<1x128xf32>
    %mul3A_1000 = arith.mulf %mul3A_999, %get3A_998 : vector<1x128xf32>
    %add3A_1001 = arith.addf %add3A_993, %mul3A_1000 : vector<1x128xf32>
    %slice3A_1002 = vector.extract_strided_slice %concatenate3A {offsets = [0, 119], sizes = [1, 1], strides = [1, 1]} : vector<1x128xf32> to vector<1x1xf32>
    %squeeze3A_1003 = vector.extract %slice3A_1002[0, 0] : f32 from vector<1x1xf32>
    %get3A_1004 = arith.constant 119 : index
    %get3A_1005 = arith.constant 0 : index
    %get3A_1006 = vector.load %arg7[%get3A_1004, %get3A_1005] : memref<128x128xf32, #tpu.memory_space<vmem>>, vector<1x128xf32>
    %mul3A_1007 = vector.broadcast %squeeze3A_1003 : f32 to vector<1x128xf32>
    %mul3A_1008 = arith.mulf %mul3A_1007, %get3A_1006 : vector<1x128xf32>
    %add3A_1009 = arith.addf %add3A_1001, %mul3A_1008 : vector<1x128xf32>
    %slice3A_1010 = vector.extract_strided_slice %concatenate3A {offsets = [0, 120], sizes = [1, 1], strides = [1, 1]} : vector<1x128xf32> to vector<1x1xf32>
    %squeeze3A_1011 = vector.extract %slice3A_1010[0, 0] : f32 from vector<1x1xf32>
    %get3A_1012 = arith.constant 120 : index
    %get3A_1013 = arith.constant 0 : index
    %get3A_1014 = vector.load %arg7[%get3A_1012, %get3A_1013] : memref<128x128xf32, #tpu.memory_space<vmem>>, vector<1x128xf32>
    %mul3A_1015 = vector.broadcast %squeeze3A_1011 : f32 to vector<1x128xf32>
    %mul3A_1016 = arith.mulf %mul3A_1015, %get3A_1014 : vector<1x128xf32>
    %add3A_1017 = arith.addf %add3A_1009, %mul3A_1016 : vector<1x128xf32>
    %slice3A_1018 = vector.extract_strided_slice %concatenate3A {offsets = [0, 121], sizes = [1, 1], strides = [1, 1]} : vector<1x128xf32> to vector<1x1xf32>
    %squeeze3A_1019 = vector.extract %slice3A_1018[0, 0] : f32 from vector<1x1xf32>
    %get3A_1020 = arith.constant 121 : index
    %get3A_1021 = arith.constant 0 : index
    %get3A_1022 = vector.load %arg7[%get3A_1020, %get3A_1021] : memref<128x128xf32, #tpu.memory_space<vmem>>, vector<1x128xf32>
    %mul3A_1023 = vector.broadcast %squeeze3A_1019 : f32 to vector<1x128xf32>
    %mul3A_1024 = arith.mulf %mul3A_1023, %get3A_1022 : vector<1x128xf32>
    %add3A_1025 = arith.addf %add3A_1017, %mul3A_1024 : vector<1x128xf32>
    %slice3A_1026 = vector.extract_strided_slice %concatenate3A {offsets = [0, 122], sizes = [1, 1], strides = [1, 1]} : vector<1x128xf32> to vector<1x1xf32>
    %squeeze3A_1027 = vector.extract %slice3A_1026[0, 0] : f32 from vector<1x1xf32>
    %get3A_1028 = arith.constant 122 : index
    %get3A_1029 = arith.constant 0 : index
    %get3A_1030 = vector.load %arg7[%get3A_1028, %get3A_1029] : memref<128x128xf32, #tpu.memory_space<vmem>>, vector<1x128xf32>
    %mul3A_1031 = vector.broadcast %squeeze3A_1027 : f32 to vector<1x128xf32>
    %mul3A_1032 = arith.mulf %mul3A_1031, %get3A_1030 : vector<1x128xf32>
    %add3A_1033 = arith.addf %add3A_1025, %mul3A_1032 : vector<1x128xf32>
    %slice3A_1034 = vector.extract_strided_slice %concatenate3A {offsets = [0, 123], sizes = [1, 1], strides = [1, 1]} : vector<1x128xf32> to vector<1x1xf32>
    %squeeze3A_1035 = vector.extract %slice3A_1034[0, 0] : f32 from vector<1x1xf32>
    %get3A_1036 = arith.constant 123 : index
    %get3A_1037 = arith.constant 0 : index
    %get3A_1038 = vector.load %arg7[%get3A_1036, %get3A_1037] : memref<128x128xf32, #tpu.memory_space<vmem>>, vector<1x128xf32>
    %mul3A_1039 = vector.broadcast %squeeze3A_1035 : f32 to vector<1x128xf32>
    %mul3A_1040 = arith.mulf %mul3A_1039, %get3A_1038 : vector<1x128xf32>
    %add3A_1041 = arith.addf %add3A_1033, %mul3A_1040 : vector<1x128xf32>
    %slice3A_1042 = vector.extract_strided_slice %concatenate3A {offsets = [0, 124], sizes = [1, 1], strides = [1, 1]} : vector<1x128xf32> to vector<1x1xf32>
    %squeeze3A_1043 = vector.extract %slice3A_1042[0, 0] : f32 from vector<1x1xf32>
    %get3A_1044 = arith.constant 124 : index
    %get3A_1045 = arith.constant 0 : index
    %get3A_1046 = vector.load %arg7[%get3A_1044, %get3A_1045] : memref<128x128xf32, #tpu.memory_space<vmem>>, vector<1x128xf32>
    %mul3A_1047 = vector.broadcast %squeeze3A_1043 : f32 to vector<1x128xf32>
    %mul3A_1048 = arith.mulf %mul3A_1047, %get3A_1046 : vector<1x128xf32>
    %add3A_1049 = arith.addf %add3A_1041, %mul3A_1048 : vector<1x128xf32>
    %slice3A_1050 = vector.extract_strided_slice %concatenate3A {offsets = [0, 125], sizes = [1, 1], strides = [1, 1]} : vector<1x128xf32> to vector<1x1xf32>
    %squeeze3A_1051 = vector.extract %slice3A_1050[0, 0] : f32 from vector<1x1xf32>
    %get3A_1052 = arith.constant 125 : index
    %get3A_1053 = arith.constant 0 : index
    %get3A_1054 = vector.load %arg7[%get3A_1052, %get3A_1053] : memref<128x128xf32, #tpu.memory_space<vmem>>, vector<1x128xf32>
    %mul3A_1055 = vector.broadcast %squeeze3A_1051 : f32 to vector<1x128xf32>
    %mul3A_1056 = arith.mulf %mul3A_1055, %get3A_1054 : vector<1x128xf32>
    %add3A_1057 = arith.addf %add3A_1049, %mul3A_1056 : vector<1x128xf32>
    %slice3A_1058 = vector.extract_strided_slice %concatenate3A {offsets = [0, 126], sizes = [1, 1], strides = [1, 1]} : vector<1x128xf32> to vector<1x1xf32>
    %squeeze3A_1059 = vector.extract %slice3A_1058[0, 0] : f32 from vector<1x1xf32>
    %get3A_1060 = arith.constant 126 : index
    %get3A_1061 = arith.constant 0 : index
    %get3A_1062 = vector.load %arg7[%get3A_1060, %get3A_1061] : memref<128x128xf32, #tpu.memory_space<vmem>>, vector<1x128xf32>
    %mul3A_1063 = vector.broadcast %squeeze3A_1059 : f32 to vector<1x128xf32>
    %mul3A_1064 = arith.mulf %mul3A_1063, %get3A_1062 : vector<1x128xf32>
    %add3A_1065 = arith.addf %add3A_1057, %mul3A_1064 : vector<1x128xf32>
    %slice3A_1066 = vector.extract_strided_slice %concatenate3A {offsets = [0, 127], sizes = [1, 1], strides = [1, 1]} : vector<1x128xf32> to vector<1x1xf32>
    %squeeze3A_1067 = vector.extract %slice3A_1066[0, 0] : f32 from vector<1x1xf32>
    %get3A_1068 = arith.constant 127 : index
    %get3A_1069 = arith.constant 0 : index
    %get3A_1070 = vector.load %arg7[%get3A_1068, %get3A_1069] : memref<128x128xf32, #tpu.memory_space<vmem>>, vector<1x128xf32>
    %mul3A_1071 = vector.broadcast %squeeze3A_1067 : f32 to vector<1x128xf32>
    %mul3A_1072 = arith.mulf %mul3A_1071, %get3A_1070 : vector<1x128xf32>
    %add3A_1073 = arith.addf %add3A_1065, %mul3A_1072 : vector<1x128xf32>
    %max3A_1074 = arith.constant 0.000000e+00 : f32
    %max3A_1075 = vector.broadcast %max3A_1074 : f32 to vector<1x128xf32>
    %max3A_1076 = arith.maximumf %add3A_1073, %max3A_1075 : vector<1x128xf32>
    %get3A_1077 = arith.constant 0 : index
    %get3A_1078 = arith.constant 0 : index
    %get3A_1079 = vector.load %arg9[%get3A_1077, %get3A_1078] : memref<1x128xf32, #tpu.memory_space<vmem>>, vector<1x128xf32>
    %mul3A_1080 = arith.mulf %get3A_1079, %max3A_1076 : vector<1x128xf32>
    %get3A_1081 = arith.constant 0 : index
    %get3A_1082 = arith.constant 0 : index
    %get3A_1083 = vector.load %arg10[%get3A_1081, %get3A_1082] : memref<1x128xf32, #tpu.memory_space<vmem>>, vector<1x128xf32>
    %add3A_1084 = arith.addf %mul3A_1080, %get3A_1083 : vector<1x128xf32>
    %get3A_1085 = arith.constant 0 : index
    %get3A_1086 = arith.constant 0 : index
    %get3A_1087 = vector.load %arg11[%get3A_1085, %get3A_1086] : memref<1x128xf32, #tpu.memory_space<vmem>>, vector<1x128xf32>
    %mul3A_1088 = arith.mulf %add3A_1084, %get3A_1087 : vector<1x128xf32>
    %reduce_sum3A_1089 = arith.constant dense<0.000000e+00> : vector<1xf32>
    %reduce_sum3A_1090 = vector.multi_reduction <add>, %mul3A_1088, %reduce_sum3A_1089 [1] : vector<1x128xf32> to vector<1xf32>
    %broadcast_in_dim3A_1091 = vector.shape_cast %reduce_sum3A_1090 : vector<1xf32> to vector<1x1xf32>
    %get3A_1092 = arith.constant 0 : index
    %get3A_1093 = arith.constant 0 : index
    %get3A_1094 = vector.load %arg12[%get3A_1092, %get3A_1093] : memref<1x1xf32, #tpu.memory_space<vmem>>, vector<1x1xf32>
    %add3A_1095 = arith.addf %broadcast_in_dim3A_1091, %get3A_1094 : vector<1x1xf32>
    %broadcast_in_dim3A_1096 = vector.shape_cast %add3A_1095 : vector<1x1xf32> to vector<1x1xf32>
    %broadcast_in_dim3A_1097 = vector.broadcast %broadcast_in_dim3A_1096 : vector<1x1xf32> to vector<1x128xf32>
    %swap3A = arith.constant 0 : index
    %swap3A_1098 = arith.constant 0 : index
    %swap3A_1099 = vector.load %arg13[%swap3A, %swap3A_1098] : memref<1x128xf32, #tpu.memory_space<vmem>>, vector<1x128xf32>
    tpu.vector_store %arg13[%swap3A, %swap3A_1098], %broadcast_in_dim3A_1097 {strides = array<i32>} : memref<1x128xf32, #tpu.memory_space<vmem>>, vector<1x128xf32>,
    %swap3A_1100 = arith.constant 0 : index
    %swap3A_1101 = arith.constant 0 : index
    %swap3A_1102 = vector.load %arg14[%swap3A_1100, %swap3A_1101] : memref<1x128xf32, #tpu.memory_space<vmem>>, vector<1x128xf32>
    tpu.vector_store %arg14[%swap3A_1100, %swap3A_1101], %concatenate3A {strides = array<i32>} : memref<1x128xf32, #tpu.memory_space<vmem>>, vector<1x128xf32>,
    return
  }
}

</mosaic_0001>

<sc_bundles>
// kernel: kernel.10.cloned.1.call-start
scs
__scs_entry_jumppad:
0x0: {  	(pc) =	sbr.rel $0x88, $3  }
0x1: {  	(tag) =	ssettag $0x0;
	lr =	simm.s32 $0x1  }
0x2: {  	[smem:$0x3F8B] =	sst lr;
	_ =	strace $0xD0000000  }
0x3: {  	_ = 	snop  }
0x4: {  	_ = 	snop  }
0x5: {  	_ = 	snop  }
0x6: {  	_ = 	snop  }
0x7: {  	_ = 	snop  }
__scs_overlays_trampoline_lowered:
0x8: {  	[smem:$0x3F9A] =	sst s0  }
0x9: {  	[smem:$0x3F9B] =	sst s1  }
0xa: {  	[smem:$0x3F9C] =	sst s2  }
0xb: {  	[smem:$0x3F9D] =	sst s3  }
0xc: {  	[smem:$0x3F9E] =	sst s4  }
0xd: {  	[smem:$0x3F9F] =	sst s5  }
0xe: {  	[smem:$0x3FA0] =	sst s6  }
0xf: {  	[smem:$0x3FA1] =	sst s7  }
0x10: {  	[smem:$0x3FA2] =	sst s8  }
0x11: {  	[smem:$0x3FA3] =	sst s9;
	s0 =	simm.s32 @!p0 $0x0  }
0x12: {  	s1 =	sld [smem:$0x3F89];
	s0 =	simm.s32 @p0 $0x1  }
0x13: {  	[smem:$0x3FA4] =	sst s0;
	s0 =	simm.s32 @!p1 $0x0  }
0x14: {  	s2 =	sld [smem:$0x3F88];
	s0 =	simm.s32 @p1 $0x1  }
0x15: {  	[smem:$0x3FA5] =	sst s0;
	s0 =	simm.s32 @!p2 $0x0  }
0x16: {  	s3 =	sld [smem:$0x3FDB];
	s0 =	simm.s32 @p2 $0x1  }
0x17: {  	s4 =	simm.s32 $0x1BF5;
	[smem:$0x3FA7] =	sst s0  }
0x18: {  	s0 =	sld [smem:$0x3F8A];
	_ =	swait.ge [sflag:s4], $0x0  }
0x19: {  	s7 =	sld [smem:$0x3F8B]  }
0x1a: {  	s8 =	sadd.s32 $0xFFFFE003, lr  }
0x1b: {  	s9 =	sadd.s32 $0xFFFFFEF7, lr;
	s5 =	simm.s32 $0xFFFFFFFF;
	p2 =	slt.u32 s8, $0xFFFFF086  }
0x1c: {  	p1 =	slt.u32 s9, $0xF7A;
	s5 =	simm.s32 @!p2 $0x0  }
0x1d: {  	s5 =	simm.s32 @p1 $0x1;
	p0 =	seq.s32 s7, s2  }
0x1e: {  	s7 =	smul.u32 @!p0 $0xF7A, s2;
	p2 =	seq.s32 @!p0 s5, $0x0  }
0x1f: {  	s9 =	smul.u32 $0xF7A, s1;
	s8 =	simm.s32 @!p0 $0x1BF5;
	p2 =	por !p2, p0  }
0x20: {  	[sflag:s8] =	ssyncset.s32 @!p0 $0xFFFFF086;
	s6 =	sadd.s32 @!p0 s3, s7;
	s7 =	simm.s32 @!p0 $0x108  }
0x21: {  	s3 =	sadd.s32 s3, s9;
	s6 =	sadd.s32 @!p0 $0x88, s6;
	s7 =	simm.s32 @p2 $0x1082  }
0x22: {  	[simem:s7], [sflag:s8] =	dma.local @!p0 [hbm:s6], $0xF7A  }
0x23: {  	s9 =	sor.u32 $0xD0000000, s2;
	s6 =	simm.s32 $0x108;
	_ =	swait.ge @!p0 [sflag:s8], $0x0  }
0x24: {  	s3 =	sadd.s32 $0x88, s3;
	s6 =	simm.s32 @!p1 $0x1082;
	[sflag:s4] =	ssyncset.s32 $0xFFFFF086  }
0x25: {  	[simem:s6], [sflag:s4] =	dma.local [hbm:s3], $0xF7A  }
0x26: {  	[smem:$0x3F8B] =	sst s1;
	(tag) =	ssettag s2;
	_ =	strace s9  }
0x27: {  	s1 =	sld [smem:$0x3F9B]  }
0x28: {  	s2 =	sld [smem:$0x3F9C]  }
0x29: {  	s4 =	sld [smem:$0x3F9E]  }
0x2a: {  	p0 =	seq.s32 s5, $0x0;
	s5 =	sld [smem:$0x3F9F]  }
0x2b: {  	s6 =	sld [smem:$0x3FA0]  }
0x2c: {  	s7 =	sld [smem:$0x3FA1]  }
0x2d: {  	s3 =	simm.s32 $0x108;
	s8 =	sld [smem:$0x3FA2]  }
0x2e: {  	s3 =	simm.s32 @!p0 $0x1082;
	s9 =	sld [smem:$0x3FA3]  }
0x2f: {  	lr =	sadd.s32 s0, s3;
	s0 =	sld [smem:$0x3F9A]  }
0x30: {  	s3 =	sld [smem:$0x3F9D]  }
0x31: {  	[smem:$0x3FA6] =	sst s10  }
0x32: {  	s10 =	sld [smem:$0x3FA4];
	_ =	sdelay $0x3  }
0x33: {  	p0 =	seq.s32 s10, $0x1;
	s10 =	sld [smem:$0x3FA6];
	_ =	sdelay $0x3  }
0x34: {  	[smem:$0x3FA6] =	sst s10  }
0x35: {  	s10 =	sld [smem:$0x3FA5];
	_ =	sdelay $0x3  }
0x36: {  	p1 =	seq.s32 s10, $0x1;
	s10 =	sld [smem:$0x3FA6];
	_ =	sdelay $0x3  }
0x37: {  	[smem:$0x3FA6] =	sst s10  }
0x38: {  	s10 =	sld [smem:$0x3FA7]  }
0x39: {  	_ = 	snop;
	(pc) =	sbr.ind lr, $3  }
0x3a: {  	_ = 	snop  }
0x3b: {  	_ = 	snop  }
0x3c: {  	p2 =	seq.s32 s10, $0x1;
	s10 =	sld [smem:$0x3FA6]  }
0x3d: {  	_ =	shalt  }
0x3e: {  	_ =	shalt  }
0x3f: {  	_ =	shalt  }
0x40: {  	_ =	shalt  }
0x41: {  	_ =	shalt  }
0x42: {  	_ =	shalt  }
0x43: {  	_ =	shalt  }
0x44: {  	_ =	shalt  }
0x45: {  	_ =	shalt  }
0x46: {  	_ =	shalt  }
0x47: {  	_ =	shalt  }
0x48: {  	_ =	shalt  }
0x49: {  	_ =	shalt  }
0x4a: {  	_ =	shalt  }
0x4b: {  	_ =	shalt  }
0x4c: {  	_ =	shalt  }
0x4d: {  	_ =	shalt  }
0x4e: {  	_ =	shalt  }
0x4f: {  	_ =	shalt  }
0x50: {  	_ =	shalt  }
0x51: {  	_ =	shalt  }
0x52: {  	_ =	shalt  }
0x53: {  	_ =	shalt  }
0x54: {  	_ =	shalt  }
0x55: {  	_ =	shalt  }
0x56: {  	_ =	shalt  }
0x57: {  	_ =	shalt  }
0x58: {  	_ =	shalt  }
0x59: {  	_ =	shalt  }
0x5a: {  	_ =	shalt  }
0x5b: {  	_ =	shalt  }
0x5c: {  	_ =	shalt  }
0x5d: {  	_ =	shalt  }
0x5e: {  	_ =	shalt  }
0x5f: {  	_ =	shalt  }
0x60: {  	_ =	shalt  }
0x61: {  	_ =	shalt  }
0x62: {  	_ =	shalt  }
0x63: {  	_ =	shalt  }
0x64: {  	_ =	shalt  }
0x65: {  	_ =	shalt  }
0x66: {  	_ =	shalt  }
0x67: {  	_ =	shalt  }
0x68: {  	_ =	shalt  }
0x69: {  	_ =	shalt  }
0x6a: {  	_ =	shalt  }
0x6b: {  	_ =	shalt  }
0x6c: {  	_ =	shalt  }
0x6d: {  	_ =	shalt  }
0x6e: {  	_ =	shalt  }
0x6f: {  	_ =	shalt  }
0x70: {  	_ =	shalt  }
0x71: {  	_ =	shalt  }
0x72: {  	_ =	shalt  }
0x73: {  	_ =	shalt  }
0x74: {  	_ =	shalt  }
0x75: {  	_ =	shalt  }
0x76: {  	_ =	shalt  }
0x77: {  	_ =	shalt  }
0x78: {  	_ =	shalt  }
0x79: {  	_ =	shalt  }
0x7a: {  	_ =	shalt  }
0x7b: {  	_ =	shalt  }
0x7c: {  	_ =	shalt  }
0x7d: {  	_ =	shalt  }
0x7e: {  	_ =	shalt  }
0x7f: {  	_ =	shalt  }
0x80: {  	_ =	shalt  }
0x81: {  	_ =	shalt  }
0x82: {  	_ =	shalt  }
0x83: {  	_ =	shalt  }
0x84: {  	_ =	shalt  }
0x85: {  	_ =	shalt  }
0x86: {  	_ =	shalt  }
0x87: {  	_ =	shalt  }
.Lfunc_end0:
.L_simem_size_0:
called_computation.1_lowered:
.L_overlay_start_0:
0x88: {  	s2 =	sld [smem:$0x3FD9]  }
0x89: {  	s3 =	sld [smem:$0x3FFE];
	_ =	sdelay $0x1  }
0x8a: {  	s1 =	srdreg.scid  }
0x8b: {  	s0 =	sand.u32 $0x1, s1  }
0x8c: {  	s16 =	sshll.u32 s0, $0xA;
	s2 =	sadd.s32 s3, s2  }
0x8d: {  	s2 =	sadd.s32 s2, s16  }
0x8e: {  	[smem:$0x3FB2] =	sst s2  }
0x8f: {  	_ = 	snop  }
0x90: {  	(tm) =	ssettm $0x1  }
0x91: {  	s17 =	sld [smem:$0x3FFB];
	_ =	sdelay $0x3  }
0x92: {  	_ =	strace s17  }
0x93: {  	s2 =	sld [smem:$0x3FFC];
	_ =	sdelay $0x3  }
0x94: {  	_ =	strace s2  }
0x95: {  	s2 =	sld [smem:$0x3FFD];
	_ =	sdelay $0x3  }
0x96: {  	_ =	strace s2  }
0x97: {  	_ =	strace $0x8FFFFFFF  }
0x98: {  	s18 =	sld [smem:$0x3FDB];
	_ =	sdelay $0x1  }
0x99: {  	s19 =	simm.s32 $_scs_section_size  }
0x9a: {  	s4 =	simm.s32 $_size__tile_overlayer_lowered;
	s5 =	simm.s32 $_tile_overlayer_lowered  }
0x9b: {  	s22 =	simm.s32 $0x1BFF;
	s21 =	sshll.u32 s5, $0x1;
	s2 =	sadd.s32 s19, s18  }
0x9c: {  	s6 =	simm.s32 $0x0;
	s20 =	sshll.u32 s4, $0x1;
	s4 =	sadd.s32 s21, s2  }
0x9d: {  	[timem:s6], [sflag:s22] =	dma.local [hbm:s4], s20  }
0x9e: {  	_ =	swait.ge [sflag:s22], s20  }
0x9f: {  	s3 =	ssub.s32 $0x0, s20;
	[sflag:s22] =	ssyncset.done $0x0  }
0xa0: {  	[sflag:s22] =	ssyncadd.s32 s3;
	_ =	sdelay $0x1  }
0xa1: {  	s23 =	simm.s32 $0x1B8B  }
0xa2: {  	_ =	swait.ge [sflag:s23], $0x1  }
0xa3: {  	[sflag:s23] =	ssyncset.done $0x0  }
0xa4: {  	s25 =	simm.s32 $0x1B8E;
	s24 =	sld [smem:$0x3FFE];
	[sflag:s23] =	ssyncadd.s32 $0xFFFFFFFF  }
0xa5: {  	s26 =	simm.s32 $execute0_lowered;
	[smem:$0x3FD2] =	sst s25  }
0xa6: {  	s4 =	sshll.u32 s26, $0x1;
	_ =	strace $0x80000049;
	[dreg:$0x1] =	wrdreg $0xFFFFFFFF  }
0xa7: {  	s28 =	simm.s32 $_size_execute0_lowered;
	s2 =	sadd.s32 s2, s4;
	[dreg:$0x0] =	wrdreg $0x0  }
0xa8: {  	s4 =	sshll.u32 s28, $0x1;
	[dreg:$0x2] =	wrdreg s2  }
0xa9: {  	[dreg:$0x3] =	wrdreg s4  }
0xaa: {  	[dreg:$0x4] =	wrdreg $0xC0  }
0xab: {  	_ =	task [dreg:s6], $0x5FFFF  }
0xac: {  	[dreg:$0x1] =	wrdreg $0xFFFFFFFF  }
0xad: {  	[dreg:$0x0] =	wrdreg $0x60  }
0xae: {  	[dreg:$0x2] =	wrdreg s24  }
0xaf: {  	[dreg:$0x3] =	wrdreg $0x151000  }
0xb0: {  	[dreg:$0x4] =	wrdreg $0xB1000  }
0xb1: {  	[dreg:$0x5] =	wrdreg $0x9  }
0xb2: {  	_ =	task.clear_ibuf [dreg:s6], $0x6FFFF;
	_ =	strace $0x90000049  }
0xb3: {  	s29 =	simm.s32 $0x9;
	_ =	strace $0x8000004B  }
0xb4: {  	_ =	swait.ge [sflag:s29], $0x1  }
0xb5: {  	[sflag:s29] =	ssyncadd.s32 $0xFFFFFFFF  }
0xb6: {  	_ =	strace $0x9000004B  }
0xb7: {  	_ =	sfence  }
0xb8: {  	s30 =	sld [smem:$0x0];
	_ =	sdelay $0x2  }
0xb9: {  	s31 =	sshll.u32 s1, $0xD;
	s1 =	sshrl.u32 s1, $0x2  }
0xba: {  	s3 =	sand.u32 $0x4000, s31;
	s1 =	sadd.s32 s1, s30  }
0xbb: {  	s0 =	sor.u32 s3, s0;
	s1 =	sshll.u32 s1, $0x11  }
0xbc: {  	s0 =	sor.u32 s1, s0  }
0xbd: {  	s0 =	sadd.s32 $0x8F2B, s0  }
0xbe: {  	[sflag:s0] =	ssyncadd.remote.s32 $0x1  }
0xbf: {  	_ =	sfence.sel $0xFFFF  }
0xc0: {  	[dreg:$0x0] =	wrdreg $0xFFFFFFFF;
	(pc) =	sbr.abs _section_cstart, $3  }
0xc1: {  	[dreg:$0x1] =	wrdreg $0xFFFFFFFF  }
0xc2: {  	_ =	task.clear_ibuf [dreg:s6], $0x2FFFF;
	_ =	strace $0x9FFFFFFF  }
0xc3: {  	(tm) =	ssettm $0x7FFFFFFF  }
tec
execute0_lowered:
.L_overlay_start_1:
0x0: {  	(tag) =	ssettag $0x1  }
0x1: {  	s5 =	rddreg [dreg:$0x0]  }
0x2: {  	s0 =	srdreg.scid;
	s2 =	rddreg [dreg:$0x1]  }
0x3: {  	s9 =	stileid.u32;
	s3 =	rddreg [dreg:$0x2]  }
0x4: {  	s4 =	simm.s32 $0x0;
	s13 =	simm.s32 $0x9;
	s15 =	simm.s32 $0x2880  }
0x5: {  	s16 =	simm.s32 $0x60;
	s17 =	simm.s32 $0x5100;
	s18 =	simm.s32 $0x6900  }
0x6: {  	s19 =	simm.s32 $0x1;
	s21 =	simm.s32 $0x8100;
	s22 =	simm.s32 $0x2  }
0x7: {  	s29 =	simm.s32 $0x5;
	s31 =	simm.s32 $0x4;
	s23 =	simm.s32 $0x7  }
0x8: {  	s24 =	simm.s32 $0x8;
	s28 =	simm.s32 $0x0;
	s0 =	sand.u32 $0x1, s0  }
0x9: {  	s7 =	smul.u32 $0xA000, s9;
	[smem:$0x7FF] =	sst s4;
	s26 =	sshll.u32 s9, $0x6  }
0xa: {  	s1 =	sshll.u32 s0, $0x4;
	s6 =	smul.u32 $0xA0000, s0;
	_ =	strace $0x8000004A  }
0xb: {  	s0 =	ssub.s32 $0x2, s0;
	s1 =	sor.u32 s9, s1;
	s8 =	sshrl.u32 s7, $0x3  }
0xc: {  	s25 =	sshrl.u32 s0, $0x1;
	s12 =	sadd.s32 s7, s2;
	s14 =	sadd.s32 s7, s3  }
0xd: {  	s1 =	smul.u32 $0x510, s1;
	s6 =	sadd.s32 s7, s6;
	s8 =	sadd.s32 s8, s5  }
0xe: {  	s0 =	ssub.s32 s0, s25;
	s12 =	sshrl.u32 s12, $0x3;
	s14 =	sshrl.u32 s14, $0x3  }
.Ltmp0:
0xf: {  	s25 =	simm.s32 $0x9900;
	s6 =	sshrl.u32 s6, $0x3;
	(pc) =	sbr.rel .LBB2_1-.Ltmp0, $4  }
0x10: {  	s30 =	sadd.s32 $0x17000, s8;
	s7 =	sadd.s32 $0x2B000, s8;
	s11 =	smax.u32 s0, $0x1  }
0x11: {  	s0 =	simm.s32 $0x6;
	s1 =	sadd.s32 s1, s5;
	s10 =	sadd.s32 s6, s5  }
0x12: {  	[dreg:$0x4] =	wrdreg s30;
	s6 =	sor.u32 $0x1C09, s26;
	s26 =	simm.s32 $0x3  }
0x13: {  	s8 =	sadd.s32 $0xCE00, s1;
	s9 =	sadd.s32 $0x2C00, s1;
	s10 =	sadd.s32 $0x3F000, s10  }
.LBB2_4:
0x14: {  	_ =	swait.ge [sflag:s31], $0x1800  }
0x15: {  	[sflag:s31] =	ssyncset.done $0x0  }
0x16: {  	[sflag:s31] =	ssyncadd.s32 $0xFFFFE800  }
0x17: {  	[spmem:s3] =	stream.indirect.scatter.add.f32 [tilespmem:s25], [sflag:$0x8], $0x40, s20, s16, $0xb8;
	[tilespmem:$0x1F100] =	vst v63  }
0x18: {  	_ =	swait.ge [sflag:s0], $0x1800  }
0x19: {  	[sflag:s0] =	ssyncset.done $0x0  }
0x1a: {  	[sflag:s0] =	ssyncadd.s32 $0xFFFFE800  }
0x1b: {  	_ =	swait.ge [sflag:s23], $0x1800  }
0x1c: {  	[sflag:s23] =	ssyncset.done $0x0  }
0x1d: {  	[sflag:s23] =	ssyncadd.s32 $0xFFFFE800  }
0x1e: {  	_ =	swait.ge [sflag:s24], $0x1800  }
0x1f: {  	s28 =	sadd.s32 $0x1, s28;
	[sflag:s24] =	ssyncset.done $0x0  }
0x20: {  	p0 =	sne.s32 s28, s11;
	[sflag:s24] =	ssyncadd.s32 $0xFFFFE800  }
.Ltmp1:
0x21: {  	[bflag:$0x0] =	sbarrier.arrive $0xFFFF;
	(pc) =	sbr.rel @!p0 .LBB2_5-.Ltmp1, $4  }
0x22: {  	[hbm:s10], [sflag:s6] =	dma.local [spmem:s14], $0x1400  }
0x23: {  	_ =	swait.ge [sflag:s13], $0x1400  }
0x24: {  	[sflag:s13] =	ssyncset.done $0x0  }
0x25: {  	[sflag:s13] =	ssyncadd.s32 $0xFFFFEC00  }
.LBB2_1:
0x26: {  	s1 =	rddreg [dreg:$0x4]  }
0x27: {  	[spmem:s12], [sflag:s6] =	dma.local [hbm:s1], $0x1400  }
0x28: {  	_ =	swait.ge [sflag:s13], $0x1400  }
0x29: {  	[sflag:s13] =	ssyncset.done $0x0  }
0x2a: {  	[sflag:s13] =	ssyncadd.s32 $0xFFFFEC00  }
0x2b: {  	[spmem:s14], [sflag:s6] =	dma.local [hbm:s7], $0x1400  }
0x2c: {  	_ =	swait.ge [sflag:s13], $0x1400  }
0x2d: {  	[sflag:s13] =	ssyncset.done $0x0  }
0x2e: {  	[sflag:s13] =	ssyncadd.s32 $0xFFFFEC00  }
0x2f: {  	[tilespmem:s4], [sflag:$0x9] =	stream.linear.gather [hbm4b:s8+s4], $0x2880, $0x38;
	[tilespmem:$0x1F100] =	vst v63  }
0x30: {  	_ =	swait.ge [sflag:s13], $0x2880  }
0x31: {  	[sflag:s13] =	ssyncset.done $0x0  }
0x32: {  	[sflag:s13] =	ssyncadd.s32 $0xFFFFD780  }
0x33: {  	[tilespmem:s15], [sflag:$0x9] =	stream.linear.gather [hbm4b:s9+s4], $0x2880, $0x38;
	[tilespmem:$0x1F100] =	vst v63  }
0x34: {  	_ =	swait.ge [sflag:s13], $0x2880  }
0x35: {  	[sflag:s13] =	ssyncset.done $0x0  }
0x36: {  	[sflag:s13] =	ssyncadd.s32 $0xFFFFD780  }
0x37: {  	[bflag:$0x0] =	sbarrier.arrive $0xFFFF  }
0x38: {  	[tilespmem:s17], [sflag:$0x1] =	stream.indirect.gather [spmem:s2], $0x40, s4, s16, $0xb8;
	[tilespmem:$0x1F100] =	vst v63  }
0x39: {  	_ = 	snop  }
0x3a: {  	[tilespmem:s18], [sflag:$0x2] =	stream.indirect.gather [spmem:s2], $0x40, s16, s16, $0xb8;
	[tilespmem:$0x1F100] =	vst v63  }
0x3b: {  	_ =	swait.ge [sflag:s19], $0x1800  }
0x3c: {  	[sflag:s19] =	ssyncset.done $0x0  }
0x3d: {  	[sflag:s19] =	ssyncadd.s32 $0xFFFFE800  }
0x3e: {  	[spmem:s3] =	stream.indirect.scatter.add.f32 [tilespmem:s17], [sflag:$0x5], $0x40, s15, s16, $0xb8;
	[tilespmem:$0x1F100] =	vst v63  }
0x3f: {  	s20 =	simm.s32 $0xC0  }
0x40: {  	[tilespmem:s21], [sflag:$0x3] =	stream.indirect.gather [spmem:s2], $0x40, s20, s16, $0xb8;
	[tilespmem:$0x1F100] =	vst v63  }
0x41: {  	_ =	swait.ge [sflag:s22], $0x1800  }
0x42: {  	[sflag:s22] =	ssyncset.done $0x0  }
0x43: {  	s5 =	simm.s32 $0x28E0;
	[sflag:s22] =	ssyncadd.s32 $0xFFFFE800  }
0x44: {  	[spmem:s3] =	stream.indirect.scatter.add.f32 [tilespmem:s18], [sflag:$0x6], $0x40, s5, s16, $0xb8;
	[tilespmem:$0x1F100] =	vst v63  }
0x45: {  	s20 =	simm.s32 $0x120  }
0x46: {  	[tilespmem:s25], [sflag:$0x4] =	stream.indirect.gather [spmem:s2], $0x40, s20, s16, $0xb8;
	[tilespmem:$0x1F100] =	vst v63  }
0x47: {  	_ =	swait.ge [sflag:s26], $0x1800  }
0x48: {  	[sflag:s26] =	ssyncset.done $0x0  }
0x49: {  	s5 =	simm.s32 $0x2940;
	[sflag:s26] =	ssyncadd.s32 $0xFFFFE800  }
0x4a: {  	[spmem:s3] =	stream.indirect.scatter.add.f32 [tilespmem:s21], [sflag:$0x7], $0x40, s5, s16, $0xb8;
	[tilespmem:$0x1F100] =	vst v63  }
0x4b: {  	_ =	swait.ge [sflag:s29], $0x1800  }
0x4c: {  	[sflag:s29] =	ssyncset.done $0x0  }
0x4d: {  	s20 =	simm.s32 $0x180;
	[sflag:s29] =	ssyncadd.s32 $0xFFFFE800  }
0x4e: {  	[tilespmem:s17], [sflag:$0x1] =	stream.indirect.gather [spmem:s2], $0x40, s20, s16, $0xb8;
	[tilespmem:$0x1F100] =	vst v63  }
0x4f: {  	_ =	swait.ge [sflag:s31], $0x1800  }
0x50: {  	[sflag:s31] =	ssyncset.done $0x0  }
0x51: {  	s5 =	simm.s32 $0x29A0;
	[sflag:s31] =	ssyncadd.s32 $0xFFFFE800  }
0x52: {  	[spmem:s3] =	stream.indirect.scatter.add.f32 [tilespmem:s25], [sflag:$0x8], $0x40, s5, s16, $0xb8;
	[tilespmem:$0x1F100] =	vst v63  }
0x53: {  	_ =	swait.ge [sflag:s0], $0x1800  }
0x54: {  	[sflag:s0] =	ssyncset.done $0x0  }
0x55: {  	s30 =	simm.s32 $0x0;
	s20 =	simm.s32 $0x1E0;
	[sflag:s0] =	ssyncadd.s32 $0xFFFFE800  }
0x56: {  	[tilespmem:s18], [sflag:$0x2] =	stream.indirect.gather [spmem:s2], $0x40, s20, s16, $0xb8;
	[tilespmem:$0x1F100] =	vst v63  }
.LBB2_2:
0x57: {  	_ =	swait.ge [sflag:s19], $0x1800  }
0x58: {  	s1 =	sshra.s32 s30, $0x2;
	[sflag:s19] =	ssyncset.done $0x0  }
0x59: {  	s20 =	sadd.s32 $0x2A00, s1;
	[sflag:s19] =	ssyncadd.s32 $0xFFFFE800  }
0x5a: {  	[spmem:s3] =	stream.indirect.scatter.add.f32 [tilespmem:s17], [sflag:$0x5], $0x40, s20, s16, $0xb8;
	[tilespmem:$0x1F100] =	vst v63  }
0x5b: {  	_ =	swait.ge [sflag:s23], $0x1800  }
0x5c: {  	[sflag:s23] =	ssyncset.done $0x0  }
0x5d: {  	s5 =	sadd.s32 $0x240, s1;
	[sflag:s23] =	ssyncadd.s32 $0xFFFFE800  }
0x5e: {  	[tilespmem:s21], [sflag:$0x3] =	stream.indirect.gather [spmem:s2], $0x40, s5, s16, $0xb8;
	[tilespmem:$0x1F100] =	vst v63  }
0x5f: {  	_ =	swait.ge [sflag:s22], $0x1800  }
0x60: {  	[sflag:s22] =	ssyncset.done $0x0  }
0x61: {  	s5 =	sadd.s32 $0x2A60, s1;
	[sflag:s22] =	ssyncadd.s32 $0xFFFFE800  }
0x62: {  	[spmem:s3] =	stream.indirect.scatter.add.f32 [tilespmem:s18], [sflag:$0x6], $0x40, s5, s16, $0xb8;
	[tilespmem:$0x1F100] =	vst v63  }
0x63: {  	_ =	swait.ge [sflag:s24], $0x1800  }
0x64: {  	[sflag:s24] =	ssyncset.done $0x0  }
0x65: {  	s5 =	sadd.s32 $0x2A0, s1;
	[sflag:s24] =	ssyncadd.s32 $0xFFFFE800  }
0x66: {  	[tilespmem:s25], [sflag:$0x4] =	stream.indirect.gather [spmem:s2], $0x40, s5, s16, $0xb8;
	[tilespmem:$0x1F100] =	vst v63  }
0x67: {  	_ =	swait.ge [sflag:s26], $0x1800  }
0x68: {  	p0 =	seq.s32 s30, $0x9600;
	[sflag:s26] =	ssyncset.done $0x0  }
.Ltmp2:
0x69: {  	s5 =	sadd.s32 $0x2AC0, s1;
	[sflag:s26] =	ssyncadd.s32 $0xFFFFE800;
	(pc) =	sbr.rel @p0 .LBB2_4-.Ltmp2, $4  }
0x6a: {  	[spmem:s3] =	stream.indirect.scatter.add.f32 [tilespmem:s21], [sflag:$0x7], $0x40, s5, s16, $0xb8;
	[tilespmem:$0x1F100] =	vst v63  }
0x6b: {  	_ =	swait.ge [sflag:s29], $0x1800  }
0x6c: {  	[sflag:s29] =	ssyncset.done $0x0  }
0x6d: {  	s20 =	sadd.s32 $0x2B20, s1;
	[sflag:s29] =	ssyncadd.s32 $0xFFFFE800  }
0x6e: {  	s5 =	sadd.s32 $0x300, s1  }
0x6f: {  	[tilespmem:s17], [sflag:$0x1] =	stream.indirect.gather [spmem:s2], $0x40, s5, s16, $0xb8;
	[tilespmem:$0x1F100] =	vst v63  }
0x70: {  	_ =	swait.ge [sflag:s31], $0x1800  }
0x71: {  	[sflag:s31] =	ssyncset.done $0x0  }
0x72: {  	[sflag:s31] =	ssyncadd.s32 $0xFFFFE800  }
0x73: {  	[spmem:s3] =	stream.indirect.scatter.add.f32 [tilespmem:s25], [sflag:$0x8], $0x40, s20, s16, $0xb8;
	[tilespmem:$0x1F100] =	vst v63  }
.Ltmp3:
0x74: {  	_ = 	snop;
	(pc) =	sbr.rel .LBB2_2-.Ltmp3, $4  }
0x75: {  	_ =	swait.ge [sflag:s0], $0x1800  }
0x76: {  	[sflag:s0] =	ssyncset.done $0x0  }
0x77: {  	s30 =	sadd.s32 $0x600, s30;
	s20 =	sadd.s32 $0x360, s1;
	[sflag:s0] =	ssyncadd.s32 $0xFFFFE800  }
0x78: {  	[tilespmem:s18], [sflag:$0x2] =	stream.indirect.gather [spmem:s2], $0x40, s20, s16, $0xb8;
	[tilespmem:$0x1F100] =	vst v63  }
.LBB2_5:
0x79: {  	_ =	sfence.sel $0x180000  }
0x7a: {  	[bflag:$0x0] =	sbarrier.arrive $0xFFFF  }
0x7b: {  	_ =	strace $0x9000004A  }
0x7c: {  	s0 =	stileid.u32;
	[bflag:$0x2] =	sbarrier.arrive $0xFFFF  }
0x7d: {  	p0 =	sne.s32 s0, $0x0;
	s0 =	rddreg [dreg:$0x3]  }
0x7e: {  	s0 =	sadd.s32 @!p0 $0x100000, s0  }
0x7f: {  	[sflag:s0] =	ssyncadd.tile.s32 @!p0 $0x1;
	_ =	shalt  }
.Lfunc_end2:
_tile_overlayer_lowered:
.L_overlay_start_2:
0x80: {  	(tag) =	ssettag $0x2  }
0x81: {  	s0 =	rddreg [dreg:$0x0];
	s2 =	stileid.u32  }
0x82: {  	s1 =	rddreg [dreg:$0x1];
	p0 =	sne.s32 s2, $0x0  }
0x83: {  	s3 =	rddreg [dreg:$0x2];
	[bflag:$0x3] =	sbarrier.arrive $0xFFFF;
	s2 =	simm.s32 @!p0 $0x1C09  }
0x84: {  	[timem:s3], [sflag:s2] =	dma.local @!p0 [hbm:s0], s1  }
0x85: {  	s0 =	simm.s32 @!p0 $0x9  }
0x86: {  	_ =	swait.ge @!p0 [sflag:s0], s1  }
0x87: {  	s1 =	ssub.s32 @!p0 $0x0, s1;
	[sflag:s0] =	ssyncset.done @!p0 $0x0  }
0x88: {  	[sflag:s0] =	ssyncadd.s32 @!p0 s1  }
0x89: {  	[bflag:$0x3] =	sbarrier.arrive $0xFFFF  }
0x8a: {  	_ =	shalt  }

// kernel: kernel.7.cloned.1.call-start
scs
__scs_entry_jumppad:
0x0: {  	(pc) =	sbr.rel $0x88, $3  }
0x1: {  	(tag) =	ssettag $0x0;
	lr =	simm.s32 $0x1  }
0x2: {  	[smem:$0x3F8B] =	sst lr;
	_ =	strace $0xD0000000  }
0x3: {  	_ = 	snop  }
0x4: {  	_ = 	snop  }
0x5: {  	_ = 	snop  }
0x6: {  	_ = 	snop  }
0x7: {  	_ = 	snop  }
__scs_overlays_trampoline_lowered:
0x8: {  	[smem:$0x3F9A] =	sst s0  }
0x9: {  	[smem:$0x3F9B] =	sst s1  }
0xa: {  	[smem:$0x3F9C] =	sst s2  }
0xb: {  	[smem:$0x3F9D] =	sst s3  }
0xc: {  	[smem:$0x3F9E] =	sst s4  }
0xd: {  	[smem:$0x3F9F] =	sst s5  }
0xe: {  	[smem:$0x3FA0] =	sst s6  }
0xf: {  	[smem:$0x3FA1] =	sst s7  }
0x10: {  	[smem:$0x3FA2] =	sst s8  }
0x11: {  	[smem:$0x3FA3] =	sst s9;
	s0 =	simm.s32 @!p0 $0x0  }
0x12: {  	s1 =	sld [smem:$0x3F89];
	s0 =	simm.s32 @p0 $0x1  }
0x13: {  	[smem:$0x3FA4] =	sst s0;
	s0 =	simm.s32 @!p1 $0x0  }
0x14: {  	s2 =	sld [smem:$0x3F88];
	s0 =	simm.s32 @p1 $0x1  }
0x15: {  	[smem:$0x3FA5] =	sst s0;
	s0 =	simm.s32 @!p2 $0x0  }
0x16: {  	s3 =	sld [smem:$0x3FDB];
	s0 =	simm.s32 @p2 $0x1  }
0x17: {  	s4 =	simm.s32 $0x1BF5;
	[smem:$0x3FA7] =	sst s0  }
0x18: {  	s0 =	sld [smem:$0x3F8A];
	_ =	swait.ge [sflag:s4], $0x0  }
0x19: {  	s7 =	sld [smem:$0x3F8B]  }
0x1a: {  	s8 =	sadd.s32 $0xFFFFE003, lr  }
0x1b: {  	s9 =	sadd.s32 $0xFFFFFEF7, lr;
	s5 =	simm.s32 $0xFFFFFFFF;
	p2 =	slt.u32 s8, $0xFFFFF086  }
0x1c: {  	p1 =	slt.u32 s9, $0xF7A;
	s5 =	simm.s32 @!p2 $0x0  }
0x1d: {  	s5 =	simm.s32 @p1 $0x1;
	p0 =	seq.s32 s7, s2  }
0x1e: {  	s7 =	smul.u32 @!p0 $0xF7A, s2;
	p2 =	seq.s32 @!p0 s5, $0x0  }
0x1f: {  	s9 =	smul.u32 $0xF7A, s1;
	s8 =	simm.s32 @!p0 $0x1BF5;
	p2 =	por !p2, p0  }
0x20: {  	[sflag:s8] =	ssyncset.s32 @!p0 $0xFFFFF086;
	s6 =	sadd.s32 @!p0 s3, s7;
	s7 =	simm.s32 @!p0 $0x108  }
0x21: {  	s3 =	sadd.s32 s3, s9;
	s6 =	sadd.s32 @!p0 $0x88, s6;
	s7 =	simm.s32 @p2 $0x1082  }
0x22: {  	[simem:s7], [sflag:s8] =	dma.local @!p0 [hbm:s6], $0xF7A  }
0x23: {  	s9 =	sor.u32 $0xD0000000, s2;
	s6 =	simm.s32 $0x108;
	_ =	swait.ge @!p0 [sflag:s8], $0x0  }
0x24: {  	s3 =	sadd.s32 $0x88, s3;
	s6 =	simm.s32 @!p1 $0x1082;
	[sflag:s4] =	ssyncset.s32 $0xFFFFF086  }
0x25: {  	[simem:s6], [sflag:s4] =	dma.local [hbm:s3], $0xF7A  }
0x26: {  	[smem:$0x3F8B] =	sst s1;
	(tag) =	ssettag s2;
	_ =	strace s9  }
0x27: {  	s1 =	sld [smem:$0x3F9B]  }
0x28: {  	s2 =	sld [smem:$0x3F9C]  }
0x29: {  	s4 =	sld [smem:$0x3F9E]  }
0x2a: {  	p0 =	seq.s32 s5, $0x0;
	s5 =	sld [smem:$0x3F9F]  }
0x2b: {  	s6 =	sld [smem:$0x3FA0]  }
0x2c: {  	s7 =	sld [smem:$0x3FA1]  }
0x2d: {  	s3 =	simm.s32 $0x108;
	s8 =	sld [smem:$0x3FA2]  }
0x2e: {  	s3 =	simm.s32 @!p0 $0x1082;
	s9 =	sld [smem:$0x3FA3]  }
0x2f: {  	lr =	sadd.s32 s0, s3;
	s0 =	sld [smem:$0x3F9A]  }
0x30: {  	s3 =	sld [smem:$0x3F9D]  }
0x31: {  	[smem:$0x3FA6] =	sst s10  }
0x32: {  	s10 =	sld [smem:$0x3FA4];
	_ =	sdelay $0x3  }
0x33: {  	p0 =	seq.s32 s10, $0x1;
	s10 =	sld [smem:$0x3FA6];
	_ =	sdelay $0x3  }
0x34: {  	[smem:$0x3FA6] =	sst s10  }
0x35: {  	s10 =	sld [smem:$0x3FA5];
	_ =	sdelay $0x3  }
0x36: {  	p1 =	seq.s32 s10, $0x1;
	s10 =	sld [smem:$0x3FA6];
	_ =	sdelay $0x3  }
0x37: {  	[smem:$0x3FA6] =	sst s10  }
0x38: {  	s10 =	sld [smem:$0x3FA7]  }
0x39: {  	_ = 	snop;
	(pc) =	sbr.ind lr, $3  }
0x3a: {  	_ = 	snop  }
0x3b: {  	_ = 	snop  }
0x3c: {  	p2 =	seq.s32 s10, $0x1;
	s10 =	sld [smem:$0x3FA6]  }
0x3d: {  	_ =	shalt  }
0x3e: {  	_ =	shalt  }
0x3f: {  	_ =	shalt  }
0x40: {  	_ =	shalt  }
0x41: {  	_ =	shalt  }
0x42: {  	_ =	shalt  }
0x43: {  	_ =	shalt  }
0x44: {  	_ =	shalt  }
0x45: {  	_ =	shalt  }
0x46: {  	_ =	shalt  }
0x47: {  	_ =	shalt  }
0x48: {  	_ =	shalt  }
0x49: {  	_ =	shalt  }
0x4a: {  	_ =	shalt  }
0x4b: {  	_ =	shalt  }
0x4c: {  	_ =	shalt  }
0x4d: {  	_ =	shalt  }
0x4e: {  	_ =	shalt  }
0x4f: {  	_ =	shalt  }
0x50: {  	_ =	shalt  }
0x51: {  	_ =	shalt  }
0x52: {  	_ =	shalt  }
0x53: {  	_ =	shalt  }
0x54: {  	_ =	shalt  }
0x55: {  	_ =	shalt  }
0x56: {  	_ =	shalt  }
0x57: {  	_ =	shalt  }
0x58: {  	_ =	shalt  }
0x59: {  	_ =	shalt  }
0x5a: {  	_ =	shalt  }
0x5b: {  	_ =	shalt  }
0x5c: {  	_ =	shalt  }
0x5d: {  	_ =	shalt  }
0x5e: {  	_ =	shalt  }
0x5f: {  	_ =	shalt  }
0x60: {  	_ =	shalt  }
0x61: {  	_ =	shalt  }
0x62: {  	_ =	shalt  }
0x63: {  	_ =	shalt  }
0x64: {  	_ =	shalt  }
0x65: {  	_ =	shalt  }
0x66: {  	_ =	shalt  }
0x67: {  	_ =	shalt  }
0x68: {  	_ =	shalt  }
0x69: {  	_ =	shalt  }
0x6a: {  	_ =	shalt  }
0x6b: {  	_ =	shalt  }
0x6c: {  	_ =	shalt  }
0x6d: {  	_ =	shalt  }
0x6e: {  	_ =	shalt  }
0x6f: {  	_ =	shalt  }
0x70: {  	_ =	shalt  }
0x71: {  	_ =	shalt  }
0x72: {  	_ =	shalt  }
0x73: {  	_ =	shalt  }
0x74: {  	_ =	shalt  }
0x75: {  	_ =	shalt  }
0x76: {  	_ =	shalt  }
0x77: {  	_ =	shalt  }
0x78: {  	_ =	shalt  }
0x79: {  	_ =	shalt  }
0x7a: {  	_ =	shalt  }
0x7b: {  	_ =	shalt  }
0x7c: {  	_ =	shalt  }
0x7d: {  	_ =	shalt  }
0x7e: {  	_ =	shalt  }
0x7f: {  	_ =	shalt  }
0x80: {  	_ =	shalt  }
0x81: {  	_ =	shalt  }
0x82: {  	_ =	shalt  }
0x83: {  	_ =	shalt  }
0x84: {  	_ =	shalt  }
0x85: {  	_ =	shalt  }
0x86: {  	_ =	shalt  }
0x87: {  	_ =	shalt  }
.Lfunc_end0:
.L_simem_size_0:
called_computation_lowered:
.L_overlay_start_0:
0x88: {  	s2 =	sld [smem:$0x3FD9]  }
0x89: {  	s3 =	sld [smem:$0x3FFE];
	_ =	sdelay $0x1  }
0x8a: {  	s1 =	srdreg.scid  }
0x8b: {  	s0 =	sand.u32 $0x1, s1  }
0x8c: {  	s16 =	sshll.u32 s0, $0xA;
	s2 =	sadd.s32 s3, s2  }
0x8d: {  	s2 =	sadd.s32 s2, s16  }
0x8e: {  	[smem:$0x3FB2] =	sst s2  }
0x8f: {  	_ = 	snop  }
0x90: {  	(tm) =	ssettm $0x1  }
0x91: {  	s17 =	sld [smem:$0x3FFB];
	_ =	sdelay $0x3  }
0x92: {  	_ =	strace s17  }
0x93: {  	s2 =	sld [smem:$0x3FFC];
	_ =	sdelay $0x3  }
0x94: {  	_ =	strace s2  }
0x95: {  	s2 =	sld [smem:$0x3FFD];
	_ =	sdelay $0x3  }
0x96: {  	_ =	strace s2  }
0x97: {  	_ =	strace $0x8FFFFFFF  }
0x98: {  	s18 =	sld [smem:$0x3FDB];
	_ =	sdelay $0x1  }
0x99: {  	s19 =	simm.s32 $_scs_section_size  }
0x9a: {  	s4 =	simm.s32 $_size__tile_overlayer_lowered;
	s5 =	simm.s32 $_tile_overlayer_lowered  }
0x9b: {  	s22 =	simm.s32 $0x1BFF;
	s21 =	sshll.u32 s5, $0x1;
	s2 =	sadd.s32 s19, s18  }
0x9c: {  	s6 =	simm.s32 $0x0;
	s20 =	sshll.u32 s4, $0x1;
	s4 =	sadd.s32 s21, s2  }
0x9d: {  	[timem:s6], [sflag:s22] =	dma.local [hbm:s4], s20  }
0x9e: {  	_ =	swait.ge [sflag:s22], s20  }
0x9f: {  	s3 =	ssub.s32 $0x0, s20;
	[sflag:s22] =	ssyncset.done $0x0  }
0xa0: {  	[sflag:s22] =	ssyncadd.s32 s3;
	_ =	sdelay $0x1  }
0xa1: {  	s23 =	simm.s32 $0x1B8B  }
0xa2: {  	_ =	swait.ge [sflag:s23], $0x1  }
0xa3: {  	[sflag:s23] =	ssyncset.done $0x0  }
0xa4: {  	s25 =	simm.s32 $0x1B8E;
	s24 =	sld [smem:$0x3FFE];
	[sflag:s23] =	ssyncadd.s32 $0xFFFFFFFF  }
0xa5: {  	s26 =	simm.s32 $execute0_lowered;
	[smem:$0x3FD2] =	sst s25  }
0xa6: {  	s4 =	sshll.u32 s26, $0x1;
	_ =	strace $0x80000046;
	[dreg:$0x1] =	wrdreg $0xFFFFFFFF  }
0xa7: {  	s28 =	simm.s32 $_size_execute0_lowered;
	s2 =	sadd.s32 s2, s4;
	[dreg:$0x0] =	wrdreg $0x0  }
0xa8: {  	s4 =	sshll.u32 s28, $0x1;
	[dreg:$0x2] =	wrdreg s2  }
0xa9: {  	[dreg:$0x3] =	wrdreg s4  }
0xaa: {  	[dreg:$0x4] =	wrdreg $0xC0  }
0xab: {  	_ =	task [dreg:s6], $0x5FFFF  }
0xac: {  	[dreg:$0x1] =	wrdreg $0xFFFFFFFF  }
0xad: {  	[dreg:$0x0] =	wrdreg $0x60  }
0xae: {  	[dreg:$0x2] =	wrdreg s24  }
0xaf: {  	[dreg:$0x3] =	wrdreg $0x151000  }
0xb0: {  	[dreg:$0x4] =	wrdreg $0xB1000  }
0xb1: {  	[dreg:$0x5] =	wrdreg $0x9  }
0xb2: {  	_ =	task.clear_ibuf [dreg:s6], $0x6FFFF;
	_ =	strace $0x90000046  }
0xb3: {  	s29 =	simm.s32 $0x9;
	_ =	strace $0x80000048  }
0xb4: {  	_ =	swait.ge [sflag:s29], $0x1  }
0xb5: {  	[sflag:s29] =	ssyncadd.s32 $0xFFFFFFFF  }
0xb6: {  	_ =	strace $0x90000048  }
0xb7: {  	_ =	sfence  }
0xb8: {  	s30 =	sld [smem:$0x0];
	_ =	sdelay $0x2  }
0xb9: {  	s31 =	sshll.u32 s1, $0xD;
	s1 =	sshrl.u32 s1, $0x2  }
0xba: {  	s3 =	sand.u32 $0x4000, s31;
	s1 =	sadd.s32 s1, s30  }
0xbb: {  	s0 =	sor.u32 s3, s0;
	s1 =	sshll.u32 s1, $0x11  }
0xbc: {  	s0 =	sor.u32 s1, s0  }
0xbd: {  	s0 =	sadd.s32 $0x8F2B, s0  }
0xbe: {  	[sflag:s0] =	ssyncadd.remote.s32 $0x1  }
0xbf: {  	_ =	sfence.sel $0xFFFF  }
0xc0: {  	[dreg:$0x0] =	wrdreg $0xFFFFFFFF;
	(pc) =	sbr.abs _section_cstart, $3  }
0xc1: {  	[dreg:$0x1] =	wrdreg $0xFFFFFFFF  }
0xc2: {  	_ =	task.clear_ibuf [dreg:s6], $0x2FFFF;
	_ =	strace $0x9FFFFFFF  }
0xc3: {  	(tm) =	ssettm $0x7FFFFFFF  }
tec
execute0_lowered:
.L_overlay_start_1:
0x0: {  	(tag) =	ssettag $0x1  }
0x1: {  	s5 =	rddreg [dreg:$0x0]  }
0x2: {  	s0 =	srdreg.scid;
	s2 =	rddreg [dreg:$0x1]  }
0x3: {  	s9 =	stileid.u32;
	s3 =	rddreg [dreg:$0x2]  }
0x4: {  	s4 =	simm.s32 $0x0;
	s13 =	simm.s32 $0x9;
	s15 =	simm.s32 $0x2880  }
0x5: {  	s16 =	simm.s32 $0x60;
	s17 =	simm.s32 $0x5100;
	s18 =	simm.s32 $0x6900  }
0x6: {  	s19 =	simm.s32 $0x1;
	s21 =	simm.s32 $0x8100;
	s22 =	simm.s32 $0x2  }
0x7: {  	s29 =	simm.s32 $0x5;
	s31 =	simm.s32 $0x4;
	s23 =	simm.s32 $0x7  }
0x8: {  	s24 =	simm.s32 $0x8;
	s28 =	simm.s32 $0x0;
	s0 =	sand.u32 $0x1, s0  }
0x9: {  	s7 =	smul.u32 $0xA000, s9;
	[smem:$0x7FF] =	sst s4;
	s26 =	sshll.u32 s9, $0x6  }
0xa: {  	s1 =	sshll.u32 s0, $0x4;
	s6 =	smul.u32 $0xA0000, s0;
	_ =	strace $0x80000047  }
0xb: {  	s0 =	ssub.s32 $0x2, s0;
	s1 =	sor.u32 s9, s1;
	s8 =	sshrl.u32 s7, $0x3  }
0xc: {  	s25 =	sshrl.u32 s0, $0x1;
	s12 =	sadd.s32 s7, s2;
	s14 =	sadd.s32 s7, s3  }
0xd: {  	s1 =	smul.u32 $0x510, s1;
	s6 =	sadd.s32 s7, s6;
	s8 =	sadd.s32 s8, s5  }
0xe: {  	s0 =	ssub.s32 s0, s25;
	s12 =	sshrl.u32 s12, $0x3;
	s14 =	sshrl.u32 s14, $0x3  }
.Ltmp0:
0xf: {  	s25 =	simm.s32 $0x9900;
	s6 =	sshrl.u32 s6, $0x3;
	(pc) =	sbr.rel .LBB2_1-.Ltmp0, $4  }
0x10: {  	s30 =	sadd.s32 $0x17000, s8;
	s7 =	sadd.s32 $0x2B000, s8;
	s11 =	smax.u32 s0, $0x1  }
0x11: {  	s0 =	simm.s32 $0x6;
	s1 =	sadd.s32 s1, s5;
	s10 =	sadd.s32 s6, s5  }
0x12: {  	[dreg:$0x4] =	wrdreg s30;
	s6 =	sor.u32 $0x1C09, s26;
	s26 =	simm.s32 $0x3  }
0x13: {  	s8 =	sadd.s32 $0xCE00, s1;
	s9 =	sadd.s32 $0x2C00, s1;
	s10 =	sadd.s32 $0x3F000, s10  }
.LBB2_4:
0x14: {  	_ =	swait.ge [sflag:s31], $0x1800  }
0x15: {  	[sflag:s31] =	ssyncset.done $0x0  }
0x16: {  	[sflag:s31] =	ssyncadd.s32 $0xFFFFE800  }
0x17: {  	[spmem:s3] =	stream.indirect.scatter.add.f32 [tilespmem:s25], [sflag:$0x8], $0x40, s20, s16, $0xb8;
	[tilespmem:$0x1F100] =	vst v63  }
0x18: {  	_ =	swait.ge [sflag:s0], $0x1800  }
0x19: {  	[sflag:s0] =	ssyncset.done $0x0  }
0x1a: {  	[sflag:s0] =	ssyncadd.s32 $0xFFFFE800  }
0x1b: {  	_ =	swait.ge [sflag:s23], $0x1800  }
0x1c: {  	[sflag:s23] =	ssyncset.done $0x0  }
0x1d: {  	[sflag:s23] =	ssyncadd.s32 $0xFFFFE800  }
0x1e: {  	_ =	swait.ge [sflag:s24], $0x1800  }
0x1f: {  	s28 =	sadd.s32 $0x1, s28;
	[sflag:s24] =	ssyncset.done $0x0  }
0x20: {  	p0 =	sne.s32 s28, s11;
	[sflag:s24] =	ssyncadd.s32 $0xFFFFE800  }
.Ltmp1:
0x21: {  	[bflag:$0x0] =	sbarrier.arrive $0xFFFF;
	(pc) =	sbr.rel @!p0 .LBB2_5-.Ltmp1, $4  }
0x22: {  	[hbm:s10], [sflag:s6] =	dma.local [spmem:s14], $0x1400  }
0x23: {  	_ =	swait.ge [sflag:s13], $0x1400  }
0x24: {  	[sflag:s13] =	ssyncset.done $0x0  }
0x25: {  	[sflag:s13] =	ssyncadd.s32 $0xFFFFEC00  }
.LBB2_1:
0x26: {  	s1 =	rddreg [dreg:$0x4]  }
0x27: {  	[spmem:s12], [sflag:s6] =	dma.local [hbm:s1], $0x1400  }
0x28: {  	_ =	swait.ge [sflag:s13], $0x1400  }
0x29: {  	[sflag:s13] =	ssyncset.done $0x0  }
0x2a: {  	[sflag:s13] =	ssyncadd.s32 $0xFFFFEC00  }
0x2b: {  	[spmem:s14], [sflag:s6] =	dma.local [hbm:s7], $0x1400  }
0x2c: {  	_ =	swait.ge [sflag:s13], $0x1400  }
0x2d: {  	[sflag:s13] =	ssyncset.done $0x0  }
0x2e: {  	[sflag:s13] =	ssyncadd.s32 $0xFFFFEC00  }
0x2f: {  	[tilespmem:s4], [sflag:$0x9] =	stream.linear.gather [hbm4b:s8+s4], $0x2880, $0x38;
	[tilespmem:$0x1F100] =	vst v63  }
0x30: {  	_ =	swait.ge [sflag:s13], $0x2880  }
0x31: {  	[sflag:s13] =	ssyncset.done $0x0  }
0x32: {  	[sflag:s13] =	ssyncadd.s32 $0xFFFFD780  }
0x33: {  	[tilespmem:s15], [sflag:$0x9] =	stream.linear.gather [hbm4b:s9+s4], $0x2880, $0x38;
	[tilespmem:$0x1F100] =	vst v63  }
0x34: {  	_ =	swait.ge [sflag:s13], $0x2880  }
0x35: {  	[sflag:s13] =	ssyncset.done $0x0  }
0x36: {  	[sflag:s13] =	ssyncadd.s32 $0xFFFFD780  }
0x37: {  	[bflag:$0x0] =	sbarrier.arrive $0xFFFF  }
0x38: {  	[tilespmem:s17], [sflag:$0x1] =	stream.indirect.gather [spmem:s2], $0x40, s4, s16, $0xb8;
	[tilespmem:$0x1F100] =	vst v63  }
0x39: {  	_ = 	snop  }
0x3a: {  	[tilespmem:s18], [sflag:$0x2] =	stream.indirect.gather [spmem:s2], $0x40, s16, s16, $0xb8;
	[tilespmem:$0x1F100] =	vst v63  }
0x3b: {  	_ =	swait.ge [sflag:s19], $0x1800  }
0x3c: {  	[sflag:s19] =	ssyncset.done $0x0  }
0x3d: {  	[sflag:s19] =	ssyncadd.s32 $0xFFFFE800  }
0x3e: {  	[spmem:s3] =	stream.indirect.scatter.add.f32 [tilespmem:s17], [sflag:$0x5], $0x40, s15, s16, $0xb8;
	[tilespmem:$0x1F100] =	vst v63  }
0x3f: {  	s20 =	simm.s32 $0xC0  }
0x40: {  	[tilespmem:s21], [sflag:$0x3] =	stream.indirect.gather [spmem:s2], $0x40, s20, s16, $0xb8;
	[tilespmem:$0x1F100] =	vst v63  }
0x41: {  	_ =	swait.ge [sflag:s22], $0x1800  }
0x42: {  	[sflag:s22] =	ssyncset.done $0x0  }
0x43: {  	s5 =	simm.s32 $0x28E0;
	[sflag:s22] =	ssyncadd.s32 $0xFFFFE800  }
0x44: {  	[spmem:s3] =	stream.indirect.scatter.add.f32 [tilespmem:s18], [sflag:$0x6], $0x40, s5, s16, $0xb8;
	[tilespmem:$0x1F100] =	vst v63  }
0x45: {  	s20 =	simm.s32 $0x120  }
0x46: {  	[tilespmem:s25], [sflag:$0x4] =	stream.indirect.gather [spmem:s2], $0x40, s20, s16, $0xb8;
	[tilespmem:$0x1F100] =	vst v63  }
0x47: {  	_ =	swait.ge [sflag:s26], $0x1800  }
0x48: {  	[sflag:s26] =	ssyncset.done $0x0  }
0x49: {  	s5 =	simm.s32 $0x2940;
	[sflag:s26] =	ssyncadd.s32 $0xFFFFE800  }
0x4a: {  	[spmem:s3] =	stream.indirect.scatter.add.f32 [tilespmem:s21], [sflag:$0x7], $0x40, s5, s16, $0xb8;
	[tilespmem:$0x1F100] =	vst v63  }
0x4b: {  	_ =	swait.ge [sflag:s29], $0x1800  }
0x4c: {  	[sflag:s29] =	ssyncset.done $0x0  }
0x4d: {  	s20 =	simm.s32 $0x180;
	[sflag:s29] =	ssyncadd.s32 $0xFFFFE800  }
0x4e: {  	[tilespmem:s17], [sflag:$0x1] =	stream.indirect.gather [spmem:s2], $0x40, s20, s16, $0xb8;
	[tilespmem:$0x1F100] =	vst v63  }
0x4f: {  	_ =	swait.ge [sflag:s31], $0x1800  }
0x50: {  	[sflag:s31] =	ssyncset.done $0x0  }
0x51: {  	s5 =	simm.s32 $0x29A0;
	[sflag:s31] =	ssyncadd.s32 $0xFFFFE800  }
0x52: {  	[spmem:s3] =	stream.indirect.scatter.add.f32 [tilespmem:s25], [sflag:$0x8], $0x40, s5, s16, $0xb8;
	[tilespmem:$0x1F100] =	vst v63  }
0x53: {  	_ =	swait.ge [sflag:s0], $0x1800  }
0x54: {  	[sflag:s0] =	ssyncset.done $0x0  }
0x55: {  	s30 =	simm.s32 $0x0;
	s20 =	simm.s32 $0x1E0;
	[sflag:s0] =	ssyncadd.s32 $0xFFFFE800  }
0x56: {  	[tilespmem:s18], [sflag:$0x2] =	stream.indirect.gather [spmem:s2], $0x40, s20, s16, $0xb8;
	[tilespmem:$0x1F100] =	vst v63  }
.LBB2_2:
0x57: {  	_ =	swait.ge [sflag:s19], $0x1800  }
0x58: {  	s1 =	sshra.s32 s30, $0x2;
	[sflag:s19] =	ssyncset.done $0x0  }
0x59: {  	s20 =	sadd.s32 $0x2A00, s1;
	[sflag:s19] =	ssyncadd.s32 $0xFFFFE800  }
0x5a: {  	[spmem:s3] =	stream.indirect.scatter.add.f32 [tilespmem:s17], [sflag:$0x5], $0x40, s20, s16, $0xb8;
	[tilespmem:$0x1F100] =	vst v63  }
0x5b: {  	_ =	swait.ge [sflag:s23], $0x1800  }
0x5c: {  	[sflag:s23] =	ssyncset.done $0x0  }
0x5d: {  	s5 =	sadd.s32 $0x240, s1;
	[sflag:s23] =	ssyncadd.s32 $0xFFFFE800  }
0x5e: {  	[tilespmem:s21], [sflag:$0x3] =	stream.indirect.gather [spmem:s2], $0x40, s5, s16, $0xb8;
	[tilespmem:$0x1F100] =	vst v63  }
0x5f: {  	_ =	swait.ge [sflag:s22], $0x1800  }
0x60: {  	[sflag:s22] =	ssyncset.done $0x0  }
0x61: {  	s5 =	sadd.s32 $0x2A60, s1;
	[sflag:s22] =	ssyncadd.s32 $0xFFFFE800  }
0x62: {  	[spmem:s3] =	stream.indirect.scatter.add.f32 [tilespmem:s18], [sflag:$0x6], $0x40, s5, s16, $0xb8;
	[tilespmem:$0x1F100] =	vst v63  }
0x63: {  	_ =	swait.ge [sflag:s24], $0x1800  }
0x64: {  	[sflag:s24] =	ssyncset.done $0x0  }
0x65: {  	s5 =	sadd.s32 $0x2A0, s1;
	[sflag:s24] =	ssyncadd.s32 $0xFFFFE800  }
0x66: {  	[tilespmem:s25], [sflag:$0x4] =	stream.indirect.gather [spmem:s2], $0x40, s5, s16, $0xb8;
	[tilespmem:$0x1F100] =	vst v63  }
0x67: {  	_ =	swait.ge [sflag:s26], $0x1800  }
0x68: {  	p0 =	seq.s32 s30, $0x9600;
	[sflag:s26] =	ssyncset.done $0x0  }
.Ltmp2:
0x69: {  	s5 =	sadd.s32 $0x2AC0, s1;
	[sflag:s26] =	ssyncadd.s32 $0xFFFFE800;
	(pc) =	sbr.rel @p0 .LBB2_4-.Ltmp2, $4  }
0x6a: {  	[spmem:s3] =	stream.indirect.scatter.add.f32 [tilespmem:s21], [sflag:$0x7], $0x40, s5, s16, $0xb8;
	[tilespmem:$0x1F100] =	vst v63  }
0x6b: {  	_ =	swait.ge [sflag:s29], $0x1800  }
0x6c: {  	[sflag:s29] =	ssyncset.done $0x0  }
0x6d: {  	s20 =	sadd.s32 $0x2B20, s1;
	[sflag:s29] =	ssyncadd.s32 $0xFFFFE800  }
0x6e: {  	s5 =	sadd.s32 $0x300, s1  }
0x6f: {  	[tilespmem:s17], [sflag:$0x1] =	stream.indirect.gather [spmem:s2], $0x40, s5, s16, $0xb8;
	[tilespmem:$0x1F100] =	vst v63  }
0x70: {  	_ =	swait.ge [sflag:s31], $0x1800  }
0x71: {  	[sflag:s31] =	ssyncset.done $0x0  }
0x72: {  	[sflag:s31] =	ssyncadd.s32 $0xFFFFE800  }
0x73: {  	[spmem:s3] =	stream.indirect.scatter.add.f32 [tilespmem:s25], [sflag:$0x8], $0x40, s20, s16, $0xb8;
	[tilespmem:$0x1F100] =	vst v63  }
.Ltmp3:
0x74: {  	_ = 	snop;
	(pc) =	sbr.rel .LBB2_2-.Ltmp3, $4  }
0x75: {  	_ =	swait.ge [sflag:s0], $0x1800  }
0x76: {  	[sflag:s0] =	ssyncset.done $0x0  }
0x77: {  	s30 =	sadd.s32 $0x600, s30;
	s20 =	sadd.s32 $0x360, s1;
	[sflag:s0] =	ssyncadd.s32 $0xFFFFE800  }
0x78: {  	[tilespmem:s18], [sflag:$0x2] =	stream.indirect.gather [spmem:s2], $0x40, s20, s16, $0xb8;
	[tilespmem:$0x1F100] =	vst v63  }
.LBB2_5:
0x79: {  	_ =	sfence.sel $0x180000  }
0x7a: {  	[bflag:$0x0] =	sbarrier.arrive $0xFFFF  }
0x7b: {  	_ =	strace $0x90000047  }
0x7c: {  	s0 =	stileid.u32;
	[bflag:$0x2] =	sbarrier.arrive $0xFFFF  }
0x7d: {  	p0 =	sne.s32 s0, $0x0;
	s0 =	rddreg [dreg:$0x3]  }
0x7e: {  	s0 =	sadd.s32 @!p0 $0x100000, s0  }
0x7f: {  	[sflag:s0] =	ssyncadd.tile.s32 @!p0 $0x1;
	_ =	shalt  }
.Lfunc_end2:
_tile_overlayer_lowered:
.L_overlay_start_2:
0x80: {  	(tag) =	ssettag $0x2  }
0x81: {  	s0 =	rddreg [dreg:$0x0];
	s2 =	stileid.u32  }
0x82: {  	s1 =	rddreg [dreg:$0x1];
	p0 =	sne.s32 s2, $0x0  }
0x83: {  	s3 =	rddreg [dreg:$0x2];
	[bflag:$0x3] =	sbarrier.arrive $0xFFFF;
	s2 =	simm.s32 @!p0 $0x1C09  }
0x84: {  	[timem:s3], [sflag:s2] =	dma.local @!p0 [hbm:s0], s1  }
0x85: {  	s0 =	simm.s32 @!p0 $0x9  }
0x86: {  	_ =	swait.ge @!p0 [sflag:s0], s1  }
0x87: {  	s1 =	ssub.s32 @!p0 $0x0, s1;
	[sflag:s0] =	ssyncset.done @!p0 $0x0  }
0x88: {  	[sflag:s0] =	ssyncadd.s32 @!p0 s1  }
0x89: {  	[bflag:$0x3] =	sbarrier.arrive $0xFFFF  }
0x8a: {  	_ =	shalt  }

</sc_bundles>
